<compile_context>
chip_gen: v7x
topology: tpu7x:2x2x1
jax: 0.10.2.dev20260603
libtpu: 0.0.44.dev20260713+nightly
codegen_flags: <defaults>
</compile_context>

<pallas_src>
import functools

import jax
import jax.numpy as jnp
from jax import lax
from jax.experimental import pallas as pl
from jax.experimental.pallas import tpu as pltpu
from jax.experimental.pallas import tpu_sc as plsc

SC_NC = 2
SC_NS = 16
SC_NW = SC_NC * SC_NS

EPS = 1e-8
NEG = float(jnp.finfo(jnp.float32).min)
BIG = 1e30


def _codes(X, rotations):
    Xn = X / (jnp.linalg.norm(X, axis=-1, keepdims=True) + 1e-8)
    bits = jnp.einsum('bhld,hnd->bhln', Xn, rotations) > 0
    powers = 2 ** jnp.arange(rotations.shape[1], dtype=jnp.int32)
    return jnp.sum(bits.astype(jnp.int32) * powers, axis=-1)


def _make_sc_gather(total_rows, d):
    per_w = total_rows // SC_NW
    ch = 128
    n_ch = per_w // ch
    mesh = plsc.VectorSubcoreMesh(core_axis_name="c", subcore_axis_name="s")

    import functools as _ft
    @_ft.partial(
        pl.kernel, mesh=mesh,
        out_type=[jax.ShapeDtypeStruct((total_rows, d), jnp.float32)] * 3,
        scratch_types=[
            pltpu.VMEM((ch,), jnp.int32),
            pltpu.VMEM((ch, d), jnp.float32),
            pltpu.SemaphoreType.DMA,
            pltpu.VMEM((ch,), jnp.int32),
            pltpu.VMEM((ch, d), jnp.float32),
            pltpu.SemaphoreType.DMA,
        ],
    )
    def sc_gather(q_hbm, k_hbm, v_hbm, gq_hbm, gk_hbm,
                  qs_hbm, ks_hbm, vs_hbm,
                  idx0, rows0, sem0, idx1, rows1, sem1):
        wid = lax.axis_index("s") * SC_NC + lax.axis_index("c")
        base = wid * per_w
        bufs = ((idx0, rows0, sem0), (idx1, rows1, sem1))
        tasks = []
        for table, gidx, dst in ((q_hbm, gq_hbm, qs_hbm),
                                 (k_hbm, gk_hbm, ks_hbm),
                                 (v_hbm, gk_hbm, vs_hbm)):
            for c in range(n_ch):
                tasks.append((table, gidx, dst, c * ch))

        def fire(i):
            table, gidx, _, off = tasks[i]
            idx_v, rows_v, sem = bufs[i % 2]
            pltpu.sync_copy(gidx.at[pl.ds(base + off, ch)], idx_v)
            return pltpu.async_copy(table.at[idx_v], rows_v, sem)

        pending = fire(0)
        for i in range(len(tasks)):
            nxt = fire(i + 1) if i + 1 < len(tasks) else None
            pending.wait()
            _, _, dst, off = tasks[i]
            pltpu.sync_copy(bufs[i % 2][1], dst.at[pl.ds(base + off, ch)])
            pending = nxt

    return sc_gather


def _make_sc_scatter(total_rows, d):
    per_w = total_rows // SC_NW
    ch = 128
    n_ch = per_w // ch
    mesh = plsc.VectorSubcoreMesh(core_axis_name="c", subcore_axis_name="s")

    import functools as _ft
    @_ft.partial(
        pl.kernel, mesh=mesh,
        out_type=jax.ShapeDtypeStruct((total_rows, d), jnp.float32),
        scratch_types=[
            pltpu.VMEM((ch,), jnp.int32),
            pltpu.VMEM((ch, d), jnp.float32),
            pltpu.SemaphoreType.DMA,
            pltpu.VMEM((ch,), jnp.int32),
            pltpu.VMEM((ch, d), jnp.float32),
            pltpu.SemaphoreType.DMA,
        ],
    )
    def sc_scatter(rows_hbm, gidx_hbm, out_hbm,
                   idx0, rows0, sem0, idx1, rows1, sem1):
        wid = lax.axis_index("s") * SC_NC + lax.axis_index("c")
        base = wid * per_w
        bufs = ((idx0, rows0, sem0), (idx1, rows1, sem1))

        def fire(c):
            idx_v, rows_v, sem = bufs[c % 2]
            off = base + c * ch
            pltpu.sync_copy(gidx_hbm.at[pl.ds(off, ch)], idx_v)
            pltpu.sync_copy(rows_hbm.at[pl.ds(off, ch)], rows_v)
            return pltpu.async_copy(rows_v, out_hbm.at[idx_v], sem)

        pending = fire(0)
        for c in range(n_ch):
            nxt = fire(c + 1) if c + 1 < n_ch else None
            pending.wait()
            pending = nxt

    return sc_scatter


def _attn_kernel(lo_ref, num_ref, q_ref, qoh_ref, k_ref, koh_ref, v_ref,
                 o_ref, *, scale, n_hashes, tk):
    h = pl.program_id(0)
    i = pl.program_id(1)
    lo = lo_ref[h, i]
    num = num_ref[h, i]

    qs = q_ref[0] * scale
    qoh = qoh_ref[0]

    tq, d = qs.shape
    m0 = jnp.full((tq, 1), NEG, jnp.float32)
    l0 = jnp.zeros((tq, 1), jnp.float32)
    a0 = jnp.zeros((tq, d), jnp.float32)

    def body(t, carry):
        m, l, acc = carry
        off = (lo + t) * tk
        k = k_ref[0, pl.ds(off, tk), :]
        koh = koh_ref[0, pl.ds(off, tk), :]
        v = v_ref[0, pl.ds(off, tk), :]
        match = jnp.dot(qoh, koh.T, preferred_element_type=jnp.float32)
        s = (jnp.dot(qs, k.T, preferred_element_type=jnp.float32)
             + (match - 1.0) * 30000.0)
        m_new = jnp.maximum(m, jnp.max(s, axis=-1, keepdims=True))
        p = jnp.exp(s - m_new)
        alpha = jnp.exp(m - m_new)
        l_new = l * alpha + jnp.sum(p, axis=-1, keepdims=True)
        acc_new = acc * alpha + jnp.dot(p, v, preferred_element_type=jnp.float32)
        return m_new, l_new, acc_new

    m, l, acc = jax.lax.fori_loop(0, num, body, (m0, l0, a0))
    o_ref[0] = jnp.where(m > -15000.0, acc / ((l + EPS) * n_hashes), 0.0)


def kernel(Q, K, V, rotations):
    B, H, S, D = Q.shape
    NH = rotations.shape[1]
    NB = 2 ** NH
    TQ = 128
    TK = 128
    NQ = S // TQ
    scale = 1.0 / (D ** 0.5)

    qcode = _codes(Q, rotations)
    kcode = _codes(K, rotations)

    qorder = jnp.argsort(qcode, axis=-1).astype(jnp.int32)
    korder = jnp.argsort(kcode, axis=-1).astype(jnp.int32)

    BH_ = B * H
    head_off = (jnp.arange(BH_, dtype=jnp.int32) * S).reshape(B, H, 1)
    gq = (qorder + head_off).reshape(BH_ * S)
    gk = (korder + head_off).reshape(BH_ * S)
    sc_gather = _make_sc_gather(BH_ * S, D)
    Qs2, Ks2, Vs2 = sc_gather(
        Q.reshape(BH_ * S, D), K.reshape(BH_ * S, D), V.reshape(BH_ * S, D),
        gq, gk)
    Qs = Qs2.reshape(B, H, S, D)
    Ks = Ks2.reshape(B, H, S, D)
    Vs = Vs2.reshape(B, H, S, D)

    qsc = jnp.take_along_axis(qcode, qorder, axis=-1)
    ksc = jnp.take_along_axis(kcode, korder, axis=-1)
    bucket_ids = jnp.arange(NB, dtype=jnp.int32)
    QOH = (qsc[..., None] == bucket_ids).astype(jnp.float32)
    KOH = (ksc[..., None] == bucket_ids).astype(jnp.float32)

    buckets = jnp.arange(NB + 1, dtype=jnp.int32)
    kstart = jnp.sum(kcode[..., None] < buckets, axis=-2).astype(jnp.int32)

    qst = qsc.reshape(B, H, NQ, TQ)
    b_first = qst[..., 0]
    b_last = qst[..., -1]
    lo_row = jnp.take_along_axis(kstart, b_first, axis=-1)
    hi_row = jnp.take_along_axis(kstart, b_last + 1, axis=-1)
    lo = lo_row // TK
    num = jnp.where(hi_row > lo_row, (hi_row - 1) // TK - lo + 1, 0)

    BH = B * H
    q = Qs.reshape(BH, S, D)
    k = Ks.reshape(BH, S, D)
    v = Vs.reshape(BH, S, D)
    qoh = QOH.reshape(BH, S, NB)
    koh = KOH.reshape(BH, S, NB)
    lo = lo.reshape(BH, NQ).astype(jnp.int32)
    num = num.reshape(BH, NQ).astype(jnp.int32)

    grid_spec = pltpu.PrefetchScalarGridSpec(
        num_scalar_prefetch=2,
        grid=(BH, NQ),
        in_specs=[
            pl.BlockSpec((1, TQ, D), lambda h, i, lo_r, num_r: (h, i, 0)),
            pl.BlockSpec((1, TQ, NB), lambda h, i, lo_r, num_r: (h, i, 0)),
            pl.BlockSpec((1, S, D), lambda h, i, lo_r, num_r: (h, 0, 0)),
            pl.BlockSpec((1, S, NB), lambda h, i, lo_r, num_r: (h, 0, 0)),
            pl.BlockSpec((1, S, D), lambda h, i, lo_r, num_r: (h, 0, 0)),
        ],
        out_specs=pl.BlockSpec((1, TQ, D), lambda h, i, lo_r, num_r: (h, i, 0)),
    )
    out_sorted = pl.pallas_call(
        functools.partial(_attn_kernel, scale=scale, n_hashes=NH, tk=TK),
        grid_spec=grid_spec,
        out_shape=jax.ShapeDtypeStruct((BH, S, D), jnp.float32),
    )(lo, num, q, qoh, k, koh, v)

    sc_scatter = _make_sc_scatter(BH_ * S, D)
    out = sc_scatter(out_sorted.reshape(BH_ * S, D), gq)
    return out.reshape(B, H, S, D)

# --- scband reference (transcript-rebuilt; emitter-appended) ---
"""Pipeline reference for scband-lshattention-4999341932659 (READ-ONLY COPY).

The authoritative reference and input builder live on the scoring server;
editing this copy changes nothing except your own understanding.
"""

import jax, jax.numpy as jnp
import numpy as np

B, H, S, D = 1, 16, 2048, 128
N_HASHES = 4
EPS = 1e-8


def setup_inputs(seed: int = 0) -> dict:
    key = jax.random.key(seed)
    k1, k2, k3, k4 = jax.random.split(key, 4)
    Q = jax.random.normal(k1, (B, H, S, D), dtype=jnp.float32)
    K = jax.random.normal(k2, (B, H, S, D), dtype=jnp.float32)
    V = jax.random.normal(k3, (B, H, S, D), dtype=jnp.float32)
    # learned-free random LSH rotations (materialized once, as in prepare())
    rotations = jax.random.normal(k4, (H, N_HASHES, D), dtype=jnp.float32)
    return {"Q": Q, "K": K, "V": V, "rotations": rotations}


def _bucket_codes(X, rotations):
    # X: [B,H,S,D] -> integer bucket codes [B,H,S]
    Xn = X / (jnp.linalg.norm(X, axis=-1, keepdims=True) + 1e-8)
    bits = jnp.einsum('bhld,hnd->bhln', Xn, rotations) > 0
    powers = 2 ** jnp.arange(N_HASHES, dtype=jnp.int32)
    return jnp.sum(bits.astype(jnp.int32) * powers, axis=-1)


def reference(Q, K, V, rotations):
    d = Q.shape[-1]
    Qb = _bucket_codes(Q, rotations)  # [B,H,S]
    Kb = _bucket_codes(K, rotations)  # [B,H,S]
    # queries attend only to keys in the same LSH bucket
    mask = Qb[..., :, None] == Kb[..., None, :]  # [B,H,S,S]
    scores = jnp.einsum('bhqd,bhkd->bhqk', Q, K) / jnp.sqrt(jnp.float32(d))
    neg = jnp.finfo(scores.dtype).min
    scores_m = jnp.where(mask, scores, neg)
    m = jnp.max(scores_m, axis=-1, keepdims=True)
    scores_exp = jnp.where(mask, jnp.exp(scores_m - m), 0.0)
    weights = scores_exp / (jnp.sum(scores_exp, axis=-1, keepdims=True) + EPS)
    out = jnp.einsum('bhqk,bhkd->bhqd', weights, V) / N_HASHES
    return out

if __name__ == "__main__":
    import jax
    _d = setup_inputs()
    print(jax.jit(kernel)(*tuple(_d.values())))

</pallas_src>

<mosaic_0001>
#map = affine_map<(d0, d1) -> (0, 0)>
#map1 = affine_map<(d0, d1) -> (0)>
module attributes {stable_mosaic.version = 14 : i64} {
  func.func @sc_gather(%arg0: i32, %arg1: i32, %arg2: memref<32768x128xf32, #tpu.memory_space<hbm>>, %arg3: memref<32768x128xf32, #tpu.memory_space<hbm>>, %arg4: memref<32768x128xf32, #tpu.memory_space<hbm>>, %arg5: memref<32768xi32, #tpu.memory_space<hbm>>, %arg6: memref<32768xi32, #tpu.memory_space<hbm>>, %arg7: memref<32768x128xf32, #tpu.memory_space<hbm>>, %arg8: memref<32768x128xf32, #tpu.memory_space<hbm>>, %arg9: memref<32768x128xf32, #tpu.memory_space<hbm>>, %arg10: memref<128xi32, #tpu.memory_space<vmem>>, %arg11: memref<128x128xf32, #tpu.memory_space<vmem>>, %arg12: memref<!tpu.dma_semaphore, #tpu.memory_space<semaphore_mem>>, %arg13: memref<128xi32, #tpu.memory_space<vmem>>, %arg14: memref<128x128xf32, #tpu.memory_space<vmem>>, %arg15: memref<!tpu.dma_semaphore, #tpu.memory_space<semaphore_mem>>) attributes {dimension_semantics = [#tpu.dimension_semantics<core_parallel>, #tpu.dimension_semantics<subcore_parallel>], iteration_bounds = array<i64: 2, 16>, scalar_prefetch = 0 : i64, scratch_operands = 6 : i64, tpu.core_type = #tpu.core_type<sc_vector_subcore>, window_params = [{transform_indices = #map}, {transform_indices = #map}, {transform_indices = #map}, {transform_indices = #map1}, {transform_indices = #map1}, {transform_indices = #map}, {transform_indices = #map}, {transform_indices = #map}]} {
    %mul3A = arith.constant 2 : i32
    %mul3A_0 = arith.muli %arg1, %mul3A : i32
    %add3A = arith.addi %mul3A_0, %arg0 : i32
    %mul3A_1 = arith.constant 1024 : i32
    %mul3A_2 = arith.muli %add3A, %mul3A_1 : i32
    %add3A_3 = arith.constant 0 : i32
    %add3A_4 = arith.addi %mul3A_2, %add3A_3 : i32
    "tpu.region"() ({
      %run_scoped3A = tpu.sem_alloc : memref<!tpu.dma_semaphore, #tpu.memory_space<semaphore_mem>>
      %dma_start3A_241 = tpu.memref_slice %arg5[%add3A_4] : memref<32768xi32, #tpu.memory_space<hbm>> -> memref<128xi32, #tpu.memory_space<hbm>>
      %dma_start3A_242 = tpu.memref_slice %arg5[%add3A_4] : memref<32768xi32, #tpu.memory_space<hbm>> -> memref<128xi32, #tpu.memory_space<hbm>>
      tpu.enqueue_dma source(%dma_start3A_242 : memref<128xi32, #tpu.memory_space<hbm>>) target(%arg10 : memref<128xi32, #tpu.memory_space<vmem>>) target_semaphore(%run_scoped3A : memref<!tpu.dma_semaphore, #tpu.memory_space<semaphore_mem>>)
      %dma_wait3A_243 = tpu.memref_slice %arg5[%add3A_4] : memref<32768xi32, #tpu.memory_space<hbm>> -> memref<128xi32, #tpu.memory_space<hbm>>
      %dma_wait3A_244 = tpu.memref_slice %arg5[%add3A_4] : memref<32768xi32, #tpu.memory_space<hbm>> -> memref<128xi32, #tpu.memory_space<hbm>>
      tpu.wait_dma2 semaphore(%run_scoped3A : memref<!tpu.dma_semaphore, #tpu.memory_space<semaphore_mem>>) src(%dma_wait3A_244 : memref<128xi32, #tpu.memory_space<hbm>>) dst(%arg10 : memref<128xi32, #tpu.memory_space<vmem>>)
      tpu.yield
    }) : () -> ()
    %dma_start3A = arith.constant 0 : i32
    %dma_start3A_5 = arith.constant 0 : i32
    %dma_start3A_6 = tpu.memref_slice %arg2[%dma_start3A, %dma_start3A_5] : memref<32768x128xf32, #tpu.memory_space<hbm>> -> memref<32768x128xf32, #tpu.memory_space<hbm>>
    tpu.enqueue_indirect_dma source(%dma_start3A_6 : memref<32768x128xf32, #tpu.memory_space<hbm>>) target(%arg11 : memref<128x128xf32, #tpu.memory_space<vmem>>) offsets(%arg10 : memref<128xi32, #tpu.memory_space<vmem>>) semaphore(%arg12 : memref<!tpu.dma_semaphore, #tpu.memory_space<semaphore_mem>>)
    %add3A_7 = arith.constant 128 : i32
    %add3A_8 = arith.addi %mul3A_2, %add3A_7 : i32
    "tpu.region"() ({
      %run_scoped3A = tpu.sem_alloc : memref<!tpu.dma_semaphore, #tpu.memory_space<semaphore_mem>>
      %dma_start3A_241 = tpu.memref_slice %arg5[%add3A_8] : memref<32768xi32, #tpu.memory_space<hbm>> -> memref<128xi32, #tpu.memory_space<hbm>>
      %dma_start3A_242 = tpu.memref_slice %arg5[%add3A_8] : memref<32768xi32, #tpu.memory_space<hbm>> -> memref<128xi32, #tpu.memory_space<hbm>>
      tpu.enqueue_dma source(%dma_start3A_242 : memref<128xi32, #tpu.memory_space<hbm>>) target(%arg13 : memref<128xi32, #tpu.memory_space<vmem>>) target_semaphore(%run_scoped3A : memref<!tpu.dma_semaphore, #tpu.memory_space<semaphore_mem>>)
      %dma_wait3A_243 = tpu.memref_slice %arg5[%add3A_8] : memref<32768xi32, #tpu.memory_space<hbm>> -> memref<128xi32, #tpu.memory_space<hbm>>
      %dma_wait3A_244 = tpu.memref_slice %arg5[%add3A_8] : memref<32768xi32, #tpu.memory_space<hbm>> -> memref<128xi32, #tpu.memory_space<hbm>>
      tpu.wait_dma2 semaphore(%run_scoped3A : memref<!tpu.dma_semaphore, #tpu.memory_space<semaphore_mem>>) src(%dma_wait3A_244 : memref<128xi32, #tpu.memory_space<hbm>>) dst(%arg13 : memref<128xi32, #tpu.memory_space<vmem>>)
      tpu.yield
    }) : () -> ()
    %dma_start3A_9 = arith.constant 0 : i32
    %dma_start3A_10 = arith.constant 0 : i32
    %dma_start3A_11 = tpu.memref_slice %arg2[%dma_start3A_9, %dma_start3A_10] : memref<32768x128xf32, #tpu.memory_space<hbm>> -> memref<32768x128xf32, #tpu.memory_space<hbm>>
    tpu.enqueue_indirect_dma source(%dma_start3A_11 : memref<32768x128xf32, #tpu.memory_space<hbm>>) target(%arg14 : memref<128x128xf32, #tpu.memory_space<vmem>>) offsets(%arg13 : memref<128xi32, #tpu.memory_space<vmem>>) semaphore(%arg15 : memref<!tpu.dma_semaphore, #tpu.memory_space<semaphore_mem>>)
    %dma_wait3A = arith.constant 0 : i32
    %dma_wait3A_12 = arith.constant 0 : i32
    %dma_wait3A_13 = tpu.memref_slice %arg2[%dma_wait3A, %dma_wait3A_12] : memref<32768x128xf32, #tpu.memory_space<hbm>> -> memref<32768x128xf32, #tpu.memory_space<hbm>>
    tpu.wait_indirect_dma semaphore(%arg12 : memref<!tpu.dma_semaphore, #tpu.memory_space<semaphore_mem>>) src(%dma_wait3A_13 : memref<32768x128xf32, #tpu.memory_space<hbm>>) dst(%arg11 : memref<128x128xf32, #tpu.memory_space<vmem>>)
    %add3A_14 = arith.constant 0 : i32
    %add3A_15 = arith.addi %mul3A_2, %add3A_14 : i32
    "tpu.region"() ({
      %run_scoped3A = tpu.sem_alloc : memref<!tpu.dma_semaphore, #tpu.memory_space<semaphore_mem>>
      %dma_start3A_241 = arith.constant 0 : i32
      %dma_start3A_242 = tpu.memref_slice %arg7[%add3A_15, %dma_start3A_241] : memref<32768x128xf32, #tpu.memory_space<hbm>> -> memref<128x128xf32, #tpu.memory_space<hbm>>
      %dma_start3A_243 = arith.constant 0 : i32
      %dma_start3A_244 = tpu.memref_slice %arg7[%add3A_15, %dma_start3A_243] : memref<32768x128xf32, #tpu.memory_space<hbm>> -> memref<128x128xf32, #tpu.memory_space<hbm>>
      tpu.enqueue_dma source(%arg11 : memref<128x128xf32, #tpu.memory_space<vmem>>) target(%dma_start3A_244 : memref<128x128xf32, #tpu.memory_space<hbm>>) target_semaphore(%run_scoped3A : memref<!tpu.dma_semaphore, #tpu.memory_space<semaphore_mem>>)
      %dma_wait3A_245 = arith.constant 0 : i32
      %dma_wait3A_246 = tpu.memref_slice %arg7[%add3A_15, %dma_wait3A_245] : memref<32768x128xf32, #tpu.memory_space<hbm>> -> memref<128x128xf32, #tpu.memory_space<hbm>>
      %dma_wait3A_247 = arith.constant 0 : i32
      %dma_wait3A_248 = tpu.memref_slice %arg7[%add3A_15, %dma_wait3A_247] : memref<32768x128xf32, #tpu.memory_space<hbm>> -> memref<128x128xf32, #tpu.memory_space<hbm>>
      tpu.wait_dma2 semaphore(%run_scoped3A : memref<!tpu.dma_semaphore, #tpu.memory_space<semaphore_mem>>) src(%arg11 : memref<128x128xf32, #tpu.memory_space<vmem>>) dst(%dma_wait3A_248 : memref<128x128xf32, #tpu.memory_space<hbm>>)
      tpu.yield
    }) : () -> ()
    %add3A_16 = arith.constant 256 : i32
    %add3A_17 = arith.addi %mul3A_2, %add3A_16 : i32
    "tpu.region"() ({
      %run_scoped3A = tpu.sem_alloc : memref<!tpu.dma_semaphore, #tpu.memory_space<semaphore_mem>>
      %dma_start3A_241 = tpu.memref_slice %arg5[%add3A_17] : memref<32768xi32, #tpu.memory_space<hbm>> -> memref<128xi32, #tpu.memory_space<hbm>>
      %dma_start3A_242 = tpu.memref_slice %arg5[%add3A_17] : memref<32768xi32, #tpu.memory_space<hbm>> -> memref<128xi32, #tpu.memory_space<hbm>>
      tpu.enqueue_dma source(%dma_start3A_242 : memref<128xi32, #tpu.memory_space<hbm>>) target(%arg10 : memref<128xi32, #tpu.memory_space<vmem>>) target_semaphore(%run_scoped3A : memref<!tpu.dma_semaphore, #tpu.memory_space<semaphore_mem>>)
      %dma_wait3A_243 = tpu.memref_slice %arg5[%add3A_17] : memref<32768xi32, #tpu.memory_space<hbm>> -> memref<128xi32, #tpu.memory_space<hbm>>
      %dma_wait3A_244 = tpu.memref_slice %arg5[%add3A_17] : memref<32768xi32, #tpu.memory_space<hbm>> -> memref<128xi32, #tpu.memory_space<hbm>>
      tpu.wait_dma2 semaphore(%run_scoped3A : memref<!tpu.dma_semaphore, #tpu.memory_space<semaphore_mem>>) src(%dma_wait3A_244 : memref<128xi32, #tpu.memory_space<hbm>>) dst(%arg10 : memref<128xi32, #tpu.memory_space<vmem>>)
      tpu.yield
    }) : () -> ()
    %dma_start3A_18 = arith.constant 0 : i32
    %dma_start3A_19 = arith.constant 0 : i32
    %dma_start3A_20 = tpu.memref_slice %arg2[%dma_start3A_18, %dma_start3A_19] : memref<32768x128xf32, #tpu.memory_space<hbm>> -> memref<32768x128xf32, #tpu.memory_space<hbm>>
    tpu.enqueue_indirect_dma source(%dma_start3A_20 : memref<32768x128xf32, #tpu.memory_space<hbm>>) target(%arg11 : memref<128x128xf32, #tpu.memory_space<vmem>>) offsets(%arg10 : memref<128xi32, #tpu.memory_space<vmem>>) semaphore(%arg12 : memref<!tpu.dma_semaphore, #tpu.memory_space<semaphore_mem>>)
    %dma_wait3A_21 = arith.constant 0 : i32
    %dma_wait3A_22 = arith.constant 0 : i32
    %dma_wait3A_23 = tpu.memref_slice %arg2[%dma_wait3A_21, %dma_wait3A_22] : memref<32768x128xf32, #tpu.memory_space<hbm>> -> memref<32768x128xf32, #tpu.memory_space<hbm>>
    tpu.wait_indirect_dma semaphore(%arg15 : memref<!tpu.dma_semaphore, #tpu.memory_space<semaphore_mem>>) src(%dma_wait3A_23 : memref<32768x128xf32, #tpu.memory_space<hbm>>) dst(%arg14 : memref<128x128xf32, #tpu.memory_space<vmem>>)
    %add3A_24 = arith.constant 128 : i32
    %add3A_25 = arith.addi %mul3A_2, %add3A_24 : i32
    "tpu.region"() ({
      %run_scoped3A = tpu.sem_alloc : memref<!tpu.dma_semaphore, #tpu.memory_space<semaphore_mem>>
      %dma_start3A_241 = arith.constant 0 : i32
      %dma_start3A_242 = tpu.memref_slice %arg7[%add3A_25, %dma_start3A_241] : memref<32768x128xf32, #tpu.memory_space<hbm>> -> memref<128x128xf32, #tpu.memory_space<hbm>>
      %dma_start3A_243 = arith.constant 0 : i32
      %dma_start3A_244 = tpu.memref_slice %arg7[%add3A_25, %dma_start3A_243] : memref<32768x128xf32, #tpu.memory_space<hbm>> -> memref<128x128xf32, #tpu.memory_space<hbm>>
      tpu.enqueue_dma source(%arg14 : memref<128x128xf32, #tpu.memory_space<vmem>>) target(%dma_start3A_244 : memref<128x128xf32, #tpu.memory_space<hbm>>) target_semaphore(%run_scoped3A : memref<!tpu.dma_semaphore, #tpu.memory_space<semaphore_mem>>)
      %dma_wait3A_245 = arith.constant 0 : i32
      %dma_wait3A_246 = tpu.memref_slice %arg7[%add3A_25, %dma_wait3A_245] : memref<32768x128xf32, #tpu.memory_space<hbm>> -> memref<128x128xf32, #tpu.memory_space<hbm>>
      %dma_wait3A_247 = arith.constant 0 : i32
      %dma_wait3A_248 = tpu.memref_slice %arg7[%add3A_25, %dma_wait3A_247] : memref<32768x128xf32, #tpu.memory_space<hbm>> -> memref<128x128xf32, #tpu.memory_space<hbm>>
      tpu.wait_dma2 semaphore(%run_scoped3A : memref<!tpu.dma_semaphore, #tpu.memory_space<semaphore_mem>>) src(%arg14 : memref<128x128xf32, #tpu.memory_space<vmem>>) dst(%dma_wait3A_248 : memref<128x128xf32, #tpu.memory_space<hbm>>)
      tpu.yield
    }) : () -> ()
    %add3A_26 = arith.constant 384 : i32
    %add3A_27 = arith.addi %mul3A_2, %add3A_26 : i32
    "tpu.region"() ({
      %run_scoped3A = tpu.sem_alloc : memref<!tpu.dma_semaphore, #tpu.memory_space<semaphore_mem>>
      %dma_start3A_241 = tpu.memref_slice %arg5[%add3A_27] : memref<32768xi32, #tpu.memory_space<hbm>> -> memref<128xi32, #tpu.memory_space<hbm>>
      %dma_start3A_242 = tpu.memref_slice %arg5[%add3A_27] : memref<32768xi32, #tpu.memory_space<hbm>> -> memref<128xi32, #tpu.memory_space<hbm>>
      tpu.enqueue_dma source(%dma_start3A_242 : memref<128xi32, #tpu.memory_space<hbm>>) target(%arg13 : memref<128xi32, #tpu.memory_space<vmem>>) target_semaphore(%run_scoped3A : memref<!tpu.dma_semaphore, #tpu.memory_space<semaphore_mem>>)
      %dma_wait3A_243 = tpu.memref_slice %arg5[%add3A_27] : memref<32768xi32, #tpu.memory_space<hbm>> -> memref<128xi32, #tpu.memory_space<hbm>>
      %dma_wait3A_244 = tpu.memref_slice %arg5[%add3A_27] : memref<32768xi32, #tpu.memory_space<hbm>> -> memref<128xi32, #tpu.memory_space<hbm>>
      tpu.wait_dma2 semaphore(%run_scoped3A : memref<!tpu.dma_semaphore, #tpu.memory_space<semaphore_mem>>) src(%dma_wait3A_244 : memref<128xi32, #tpu.memory_space<hbm>>) dst(%arg13 : memref<128xi32, #tpu.memory_space<vmem>>)
      tpu.yield
    }) : () -> ()
    %dma_start3A_28 = arith.constant 0 : i32
    %dma_start3A_29 = arith.constant 0 : i32
    %dma_start3A_30 = tpu.memref_slice %arg2[%dma_start3A_28, %dma_start3A_29] : memref<32768x128xf32, #tpu.memory_space<hbm>> -> memref<32768x128xf32, #tpu.memory_space<hbm>>
    tpu.enqueue_indirect_dma source(%dma_start3A_30 : memref<32768x128xf32, #tpu.memory_space<hbm>>) target(%arg14 : memref<128x128xf32, #tpu.memory_space<vmem>>) offsets(%arg13 : memref<128xi32, #tpu.memory_space<vmem>>) semaphore(%arg15 : memref<!tpu.dma_semaphore, #tpu.memory_space<semaphore_mem>>)
    %dma_wait3A_31 = arith.constant 0 : i32
    %dma_wait3A_32 = arith.constant 0 : i32
    %dma_wait3A_33 = tpu.memref_slice %arg2[%dma_wait3A_31, %dma_wait3A_32] : memref<32768x128xf32, #tpu.memory_space<hbm>> -> memref<32768x128xf32, #tpu.memory_space<hbm>>
    tpu.wait_indirect_dma semaphore(%arg12 : memref<!tpu.dma_semaphore, #tpu.memory_space<semaphore_mem>>) src(%dma_wait3A_33 : memref<32768x128xf32, #tpu.memory_space<hbm>>) dst(%arg11 : memref<128x128xf32, #tpu.memory_space<vmem>>)
    %add3A_34 = arith.constant 256 : i32
    %add3A_35 = arith.addi %mul3A_2, %add3A_34 : i32
    "tpu.region"() ({
      %run_scoped3A = tpu.sem_alloc : memref<!tpu.dma_semaphore, #tpu.memory_space<semaphore_mem>>
      %dma_start3A_241 = arith.constant 0 : i32
      %dma_start3A_242 = tpu.memref_slice %arg7[%add3A_35, %dma_start3A_241] : memref<32768x128xf32, #tpu.memory_space<hbm>> -> memref<128x128xf32, #tpu.memory_space<hbm>>
      %dma_start3A_243 = arith.constant 0 : i32
      %dma_start3A_244 = tpu.memref_slice %arg7[%add3A_35, %dma_start3A_243] : memref<32768x128xf32, #tpu.memory_space<hbm>> -> memref<128x128xf32, #tpu.memory_space<hbm>>
      tpu.enqueue_dma source(%arg11 : memref<128x128xf32, #tpu.memory_space<vmem>>) target(%dma_start3A_244 : memref<128x128xf32, #tpu.memory_space<hbm>>) target_semaphore(%run_scoped3A : memref<!tpu.dma_semaphore, #tpu.memory_space<semaphore_mem>>)
      %dma_wait3A_245 = arith.constant 0 : i32
      %dma_wait3A_246 = tpu.memref_slice %arg7[%add3A_35, %dma_wait3A_245] : memref<32768x128xf32, #tpu.memory_space<hbm>> -> memref<128x128xf32, #tpu.memory_space<hbm>>
      %dma_wait3A_247 = arith.constant 0 : i32
      %dma_wait3A_248 = tpu.memref_slice %arg7[%add3A_35, %dma_wait3A_247] : memref<32768x128xf32, #tpu.memory_space<hbm>> -> memref<128x128xf32, #tpu.memory_space<hbm>>
      tpu.wait_dma2 semaphore(%run_scoped3A : memref<!tpu.dma_semaphore, #tpu.memory_space<semaphore_mem>>) src(%arg11 : memref<128x128xf32, #tpu.memory_space<vmem>>) dst(%dma_wait3A_248 : memref<128x128xf32, #tpu.memory_space<hbm>>)
      tpu.yield
    }) : () -> ()
    %add3A_36 = arith.constant 512 : i32
    %add3A_37 = arith.addi %mul3A_2, %add3A_36 : i32
    "tpu.region"() ({
      %run_scoped3A = tpu.sem_alloc : memref<!tpu.dma_semaphore, #tpu.memory_space<semaphore_mem>>
      %dma_start3A_241 = tpu.memref_slice %arg5[%add3A_37] : memref<32768xi32, #tpu.memory_space<hbm>> -> memref<128xi32, #tpu.memory_space<hbm>>
      %dma_start3A_242 = tpu.memref_slice %arg5[%add3A_37] : memref<32768xi32, #tpu.memory_space<hbm>> -> memref<128xi32, #tpu.memory_space<hbm>>
      tpu.enqueue_dma source(%dma_start3A_242 : memref<128xi32, #tpu.memory_space<hbm>>) target(%arg10 : memref<128xi32, #tpu.memory_space<vmem>>) target_semaphore(%run_scoped3A : memref<!tpu.dma_semaphore, #tpu.memory_space<semaphore_mem>>)
      %dma_wait3A_243 = tpu.memref_slice %arg5[%add3A_37] : memref<32768xi32, #tpu.memory_space<hbm>> -> memref<128xi32, #tpu.memory_space<hbm>>
      %dma_wait3A_244 = tpu.memref_slice %arg5[%add3A_37] : memref<32768xi32, #tpu.memory_space<hbm>> -> memref<128xi32, #tpu.memory_space<hbm>>
      tpu.wait_dma2 semaphore(%run_scoped3A : memref<!tpu.dma_semaphore, #tpu.memory_space<semaphore_mem>>) src(%dma_wait3A_244 : memref<128xi32, #tpu.memory_space<hbm>>) dst(%arg10 : memref<128xi32, #tpu.memory_space<vmem>>)
      tpu.yield
    }) : () -> ()
    %dma_start3A_38 = arith.constant 0 : i32
    %dma_start3A_39 = arith.constant 0 : i32
    %dma_start3A_40 = tpu.memref_slice %arg2[%dma_start3A_38, %dma_start3A_39] : memref<32768x128xf32, #tpu.memory_space<hbm>> -> memref<32768x128xf32, #tpu.memory_space<hbm>>
    tpu.enqueue_indirect_dma source(%dma_start3A_40 : memref<32768x128xf32, #tpu.memory_space<hbm>>) target(%arg11 : memref<128x128xf32, #tpu.memory_space<vmem>>) offsets(%arg10 : memref<128xi32, #tpu.memory_space<vmem>>) semaphore(%arg12 : memref<!tpu.dma_semaphore, #tpu.memory_space<semaphore_mem>>)
    %dma_wait3A_41 = arith.constant 0 : i32
    %dma_wait3A_42 = arith.constant 0 : i32
    %dma_wait3A_43 = tpu.memref_slice %arg2[%dma_wait3A_41, %dma_wait3A_42] : memref<32768x128xf32, #tpu.memory_space<hbm>> -> memref<32768x128xf32, #tpu.memory_space<hbm>>
    tpu.wait_indirect_dma semaphore(%arg15 : memref<!tpu.dma_semaphore, #tpu.memory_space<semaphore_mem>>) src(%dma_wait3A_43 : memref<32768x128xf32, #tpu.memory_space<hbm>>) dst(%arg14 : memref<128x128xf32, #tpu.memory_space<vmem>>)
    %add3A_44 = arith.constant 384 : i32
    %add3A_45 = arith.addi %mul3A_2, %add3A_44 : i32
    "tpu.region"() ({
      %run_scoped3A = tpu.sem_alloc : memref<!tpu.dma_semaphore, #tpu.memory_space<semaphore_mem>>
      %dma_start3A_241 = arith.constant 0 : i32
      %dma_start3A_242 = tpu.memref_slice %arg7[%add3A_45, %dma_start3A_241] : memref<32768x128xf32, #tpu.memory_space<hbm>> -> memref<128x128xf32, #tpu.memory_space<hbm>>
      %dma_start3A_243 = arith.constant 0 : i32
      %dma_start3A_244 = tpu.memref_slice %arg7[%add3A_45, %dma_start3A_243] : memref<32768x128xf32, #tpu.memory_space<hbm>> -> memref<128x128xf32, #tpu.memory_space<hbm>>
      tpu.enqueue_dma source(%arg14 : memref<128x128xf32, #tpu.memory_space<vmem>>) target(%dma_start3A_244 : memref<128x128xf32, #tpu.memory_space<hbm>>) target_semaphore(%run_scoped3A : memref<!tpu.dma_semaphore, #tpu.memory_space<semaphore_mem>>)
      %dma_wait3A_245 = arith.constant 0 : i32
      %dma_wait3A_246 = tpu.memref_slice %arg7[%add3A_45, %dma_wait3A_245] : memref<32768x128xf32, #tpu.memory_space<hbm>> -> memref<128x128xf32, #tpu.memory_space<hbm>>
      %dma_wait3A_247 = arith.constant 0 : i32
      %dma_wait3A_248 = tpu.memref_slice %arg7[%add3A_45, %dma_wait3A_247] : memref<32768x128xf32, #tpu.memory_space<hbm>> -> memref<128x128xf32, #tpu.memory_space<hbm>>
      tpu.wait_dma2 semaphore(%run_scoped3A : memref<!tpu.dma_semaphore, #tpu.memory_space<semaphore_mem>>) src(%arg14 : memref<128x128xf32, #tpu.memory_space<vmem>>) dst(%dma_wait3A_248 : memref<128x128xf32, #tpu.memory_space<hbm>>)
      tpu.yield
    }) : () -> ()
    %add3A_46 = arith.constant 640 : i32
    %add3A_47 = arith.addi %mul3A_2, %add3A_46 : i32
    "tpu.region"() ({
      %run_scoped3A = tpu.sem_alloc : memref<!tpu.dma_semaphore, #tpu.memory_space<semaphore_mem>>
      %dma_start3A_241 = tpu.memref_slice %arg5[%add3A_47] : memref<32768xi32, #tpu.memory_space<hbm>> -> memref<128xi32, #tpu.memory_space<hbm>>
      %dma_start3A_242 = tpu.memref_slice %arg5[%add3A_47] : memref<32768xi32, #tpu.memory_space<hbm>> -> memref<128xi32, #tpu.memory_space<hbm>>
      tpu.enqueue_dma source(%dma_start3A_242 : memref<128xi32, #tpu.memory_space<hbm>>) target(%arg13 : memref<128xi32, #tpu.memory_space<vmem>>) target_semaphore(%run_scoped3A : memref<!tpu.dma_semaphore, #tpu.memory_space<semaphore_mem>>)
      %dma_wait3A_243 = tpu.memref_slice %arg5[%add3A_47] : memref<32768xi32, #tpu.memory_space<hbm>> -> memref<128xi32, #tpu.memory_space<hbm>>
      %dma_wait3A_244 = tpu.memref_slice %arg5[%add3A_47] : memref<32768xi32, #tpu.memory_space<hbm>> -> memref<128xi32, #tpu.memory_space<hbm>>
      tpu.wait_dma2 semaphore(%run_scoped3A : memref<!tpu.dma_semaphore, #tpu.memory_space<semaphore_mem>>) src(%dma_wait3A_244 : memref<128xi32, #tpu.memory_space<hbm>>) dst(%arg13 : memref<128xi32, #tpu.memory_space<vmem>>)
      tpu.yield
    }) : () -> ()
    %dma_start3A_48 = arith.constant 0 : i32
    %dma_start3A_49 = arith.constant 0 : i32
    %dma_start3A_50 = tpu.memref_slice %arg2[%dma_start3A_48, %dma_start3A_49] : memref<32768x128xf32, #tpu.memory_space<hbm>> -> memref<32768x128xf32, #tpu.memory_space<hbm>>
    tpu.enqueue_indirect_dma source(%dma_start3A_50 : memref<32768x128xf32, #tpu.memory_space<hbm>>) target(%arg14 : memref<128x128xf32, #tpu.memory_space<vmem>>) offsets(%arg13 : memref<128xi32, #tpu.memory_space<vmem>>) semaphore(%arg15 : memref<!tpu.dma_semaphore, #tpu.memory_space<semaphore_mem>>)
    %dma_wait3A_51 = arith.constant 0 : i32
    %dma_wait3A_52 = arith.constant 0 : i32
    %dma_wait3A_53 = tpu.memref_slice %arg2[%dma_wait3A_51, %dma_wait3A_52] : memref<32768x128xf32, #tpu.memory_space<hbm>> -> memref<32768x128xf32, #tpu.memory_space<hbm>>
    tpu.wait_indirect_dma semaphore(%arg12 : memref<!tpu.dma_semaphore, #tpu.memory_space<semaphore_mem>>) src(%dma_wait3A_53 : memref<32768x128xf32, #tpu.memory_space<hbm>>) dst(%arg11 : memref<128x128xf32, #tpu.memory_space<vmem>>)
    %add3A_54 = arith.constant 512 : i32
    %add3A_55 = arith.addi %mul3A_2, %add3A_54 : i32
    "tpu.region"() ({
      %run_scoped3A = tpu.sem_alloc : memref<!tpu.dma_semaphore, #tpu.memory_space<semaphore_mem>>
      %dma_start3A_241 = arith.constant 0 : i32
      %dma_start3A_242 = tpu.memref_slice %arg7[%add3A_55, %dma_start3A_241] : memref<32768x128xf32, #tpu.memory_space<hbm>> -> memref<128x128xf32, #tpu.memory_space<hbm>>
      %dma_start3A_243 = arith.constant 0 : i32
      %dma_start3A_244 = tpu.memref_slice %arg7[%add3A_55, %dma_start3A_243] : memref<32768x128xf32, #tpu.memory_space<hbm>> -> memref<128x128xf32, #tpu.memory_space<hbm>>
      tpu.enqueue_dma source(%arg11 : memref<128x128xf32, #tpu.memory_space<vmem>>) target(%dma_start3A_244 : memref<128x128xf32, #tpu.memory_space<hbm>>) target_semaphore(%run_scoped3A : memref<!tpu.dma_semaphore, #tpu.memory_space<semaphore_mem>>)
      %dma_wait3A_245 = arith.constant 0 : i32
      %dma_wait3A_246 = tpu.memref_slice %arg7[%add3A_55, %dma_wait3A_245] : memref<32768x128xf32, #tpu.memory_space<hbm>> -> memref<128x128xf32, #tpu.memory_space<hbm>>
      %dma_wait3A_247 = arith.constant 0 : i32
      %dma_wait3A_248 = tpu.memref_slice %arg7[%add3A_55, %dma_wait3A_247] : memref<32768x128xf32, #tpu.memory_space<hbm>> -> memref<128x128xf32, #tpu.memory_space<hbm>>
      tpu.wait_dma2 semaphore(%run_scoped3A : memref<!tpu.dma_semaphore, #tpu.memory_space<semaphore_mem>>) src(%arg11 : memref<128x128xf32, #tpu.memory_space<vmem>>) dst(%dma_wait3A_248 : memref<128x128xf32, #tpu.memory_space<hbm>>)
      tpu.yield
    }) : () -> ()
    %add3A_56 = arith.constant 768 : i32
    %add3A_57 = arith.addi %mul3A_2, %add3A_56 : i32
    "tpu.region"() ({
      %run_scoped3A = tpu.sem_alloc : memref<!tpu.dma_semaphore, #tpu.memory_space<semaphore_mem>>
      %dma_start3A_241 = tpu.memref_slice %arg5[%add3A_57] : memref<32768xi32, #tpu.memory_space<hbm>> -> memref<128xi32, #tpu.memory_space<hbm>>
      %dma_start3A_242 = tpu.memref_slice %arg5[%add3A_57] : memref<32768xi32, #tpu.memory_space<hbm>> -> memref<128xi32, #tpu.memory_space<hbm>>
      tpu.enqueue_dma source(%dma_start3A_242 : memref<128xi32, #tpu.memory_space<hbm>>) target(%arg10 : memref<128xi32, #tpu.memory_space<vmem>>) target_semaphore(%run_scoped3A : memref<!tpu.dma_semaphore, #tpu.memory_space<semaphore_mem>>)
      %dma_wait3A_243 = tpu.memref_slice %arg5[%add3A_57] : memref<32768xi32, #tpu.memory_space<hbm>> -> memref<128xi32, #tpu.memory_space<hbm>>
      %dma_wait3A_244 = tpu.memref_slice %arg5[%add3A_57] : memref<32768xi32, #tpu.memory_space<hbm>> -> memref<128xi32, #tpu.memory_space<hbm>>
      tpu.wait_dma2 semaphore(%run_scoped3A : memref<!tpu.dma_semaphore, #tpu.memory_space<semaphore_mem>>) src(%dma_wait3A_244 : memref<128xi32, #tpu.memory_space<hbm>>) dst(%arg10 : memref<128xi32, #tpu.memory_space<vmem>>)
      tpu.yield
    }) : () -> ()
    %dma_start3A_58 = arith.constant 0 : i32
    %dma_start3A_59 = arith.constant 0 : i32
    %dma_start3A_60 = tpu.memref_slice %arg2[%dma_start3A_58, %dma_start3A_59] : memref<32768x128xf32, #tpu.memory_space<hbm>> -> memref<32768x128xf32, #tpu.memory_space<hbm>>
    tpu.enqueue_indirect_dma source(%dma_start3A_60 : memref<32768x128xf32, #tpu.memory_space<hbm>>) target(%arg11 : memref<128x128xf32, #tpu.memory_space<vmem>>) offsets(%arg10 : memref<128xi32, #tpu.memory_space<vmem>>) semaphore(%arg12 : memref<!tpu.dma_semaphore, #tpu.memory_space<semaphore_mem>>)
    %dma_wait3A_61 = arith.constant 0 : i32
    %dma_wait3A_62 = arith.constant 0 : i32
    %dma_wait3A_63 = tpu.memref_slice %arg2[%dma_wait3A_61, %dma_wait3A_62] : memref<32768x128xf32, #tpu.memory_space<hbm>> -> memref<32768x128xf32, #tpu.memory_space<hbm>>
    tpu.wait_indirect_dma semaphore(%arg15 : memref<!tpu.dma_semaphore, #tpu.memory_space<semaphore_mem>>) src(%dma_wait3A_63 : memref<32768x128xf32, #tpu.memory_space<hbm>>) dst(%arg14 : memref<128x128xf32, #tpu.memory_space<vmem>>)
    %add3A_64 = arith.constant 640 : i32
    %add3A_65 = arith.addi %mul3A_2, %add3A_64 : i32
    "tpu.region"() ({
      %run_scoped3A = tpu.sem_alloc : memref<!tpu.dma_semaphore, #tpu.memory_space<semaphore_mem>>
      %dma_start3A_241 = arith.constant 0 : i32
      %dma_start3A_242 = tpu.memref_slice %arg7[%add3A_65, %dma_start3A_241] : memref<32768x128xf32, #tpu.memory_space<hbm>> -> memref<128x128xf32, #tpu.memory_space<hbm>>
      %dma_start3A_243 = arith.constant 0 : i32
      %dma_start3A_244 = tpu.memref_slice %arg7[%add3A_65, %dma_start3A_243] : memref<32768x128xf32, #tpu.memory_space<hbm>> -> memref<128x128xf32, #tpu.memory_space<hbm>>
      tpu.enqueue_dma source(%arg14 : memref<128x128xf32, #tpu.memory_space<vmem>>) target(%dma_start3A_244 : memref<128x128xf32, #tpu.memory_space<hbm>>) target_semaphore(%run_scoped3A : memref<!tpu.dma_semaphore, #tpu.memory_space<semaphore_mem>>)
      %dma_wait3A_245 = arith.constant 0 : i32
      %dma_wait3A_246 = tpu.memref_slice %arg7[%add3A_65, %dma_wait3A_245] : memref<32768x128xf32, #tpu.memory_space<hbm>> -> memref<128x128xf32, #tpu.memory_space<hbm>>
      %dma_wait3A_247 = arith.constant 0 : i32
      %dma_wait3A_248 = tpu.memref_slice %arg7[%add3A_65, %dma_wait3A_247] : memref<32768x128xf32, #tpu.memory_space<hbm>> -> memref<128x128xf32, #tpu.memory_space<hbm>>
      tpu.wait_dma2 semaphore(%run_scoped3A : memref<!tpu.dma_semaphore, #tpu.memory_space<semaphore_mem>>) src(%arg14 : memref<128x128xf32, #tpu.memory_space<vmem>>) dst(%dma_wait3A_248 : memref<128x128xf32, #tpu.memory_space<hbm>>)
      tpu.yield
    }) : () -> ()
    %add3A_66 = arith.constant 896 : i32
    %add3A_67 = arith.addi %mul3A_2, %add3A_66 : i32
    "tpu.region"() ({
      %run_scoped3A = tpu.sem_alloc : memref<!tpu.dma_semaphore, #tpu.memory_space<semaphore_mem>>
      %dma_start3A_241 = tpu.memref_slice %arg5[%add3A_67] : memref<32768xi32, #tpu.memory_space<hbm>> -> memref<128xi32, #tpu.memory_space<hbm>>
      %dma_start3A_242 = tpu.memref_slice %arg5[%add3A_67] : memref<32768xi32, #tpu.memory_space<hbm>> -> memref<128xi32, #tpu.memory_space<hbm>>
      tpu.enqueue_dma source(%dma_start3A_242 : memref<128xi32, #tpu.memory_space<hbm>>) target(%arg13 : memref<128xi32, #tpu.memory_space<vmem>>) target_semaphore(%run_scoped3A : memref<!tpu.dma_semaphore, #tpu.memory_space<semaphore_mem>>)
      %dma_wait3A_243 = tpu.memref_slice %arg5[%add3A_67] : memref<32768xi32, #tpu.memory_space<hbm>> -> memref<128xi32, #tpu.memory_space<hbm>>
      %dma_wait3A_244 = tpu.memref_slice %arg5[%add3A_67] : memref<32768xi32, #tpu.memory_space<hbm>> -> memref<128xi32, #tpu.memory_space<hbm>>
      tpu.wait_dma2 semaphore(%run_scoped3A : memref<!tpu.dma_semaphore, #tpu.memory_space<semaphore_mem>>) src(%dma_wait3A_244 : memref<128xi32, #tpu.memory_space<hbm>>) dst(%arg13 : memref<128xi32, #tpu.memory_space<vmem>>)
      tpu.yield
    }) : () -> ()
    %dma_start3A_68 = arith.constant 0 : i32
    %dma_start3A_69 = arith.constant 0 : i32
    %dma_start3A_70 = tpu.memref_slice %arg2[%dma_start3A_68, %dma_start3A_69] : memref<32768x128xf32, #tpu.memory_space<hbm>> -> memref<32768x128xf32, #tpu.memory_space<hbm>>
    tpu.enqueue_indirect_dma source(%dma_start3A_70 : memref<32768x128xf32, #tpu.memory_space<hbm>>) target(%arg14 : memref<128x128xf32, #tpu.memory_space<vmem>>) offsets(%arg13 : memref<128xi32, #tpu.memory_space<vmem>>) semaphore(%arg15 : memref<!tpu.dma_semaphore, #tpu.memory_space<semaphore_mem>>)
    %dma_wait3A_71 = arith.constant 0 : i32
    %dma_wait3A_72 = arith.constant 0 : i32
    %dma_wait3A_73 = tpu.memref_slice %arg2[%dma_wait3A_71, %dma_wait3A_72] : memref<32768x128xf32, #tpu.memory_space<hbm>> -> memref<32768x128xf32, #tpu.memory_space<hbm>>
    tpu.wait_indirect_dma semaphore(%arg12 : memref<!tpu.dma_semaphore, #tpu.memory_space<semaphore_mem>>) src(%dma_wait3A_73 : memref<32768x128xf32, #tpu.memory_space<hbm>>) dst(%arg11 : memref<128x128xf32, #tpu.memory_space<vmem>>)
    %add3A_74 = arith.constant 768 : i32
    %add3A_75 = arith.addi %mul3A_2, %add3A_74 : i32
    "tpu.region"() ({
      %run_scoped3A = tpu.sem_alloc : memref<!tpu.dma_semaphore, #tpu.memory_space<semaphore_mem>>
      %dma_start3A_241 = arith.constant 0 : i32
      %dma_start3A_242 = tpu.memref_slice %arg7[%add3A_75, %dma_start3A_241] : memref<32768x128xf32, #tpu.memory_space<hbm>> -> memref<128x128xf32, #tpu.memory_space<hbm>>
      %dma_start3A_243 = arith.constant 0 : i32
      %dma_start3A_244 = tpu.memref_slice %arg7[%add3A_75, %dma_start3A_243] : memref<32768x128xf32, #tpu.memory_space<hbm>> -> memref<128x128xf32, #tpu.memory_space<hbm>>
      tpu.enqueue_dma source(%arg11 : memref<128x128xf32, #tpu.memory_space<vmem>>) target(%dma_start3A_244 : memref<128x128xf32, #tpu.memory_space<hbm>>) target_semaphore(%run_scoped3A : memref<!tpu.dma_semaphore, #tpu.memory_space<semaphore_mem>>)
      %dma_wait3A_245 = arith.constant 0 : i32
      %dma_wait3A_246 = tpu.memref_slice %arg7[%add3A_75, %dma_wait3A_245] : memref<32768x128xf32, #tpu.memory_space<hbm>> -> memref<128x128xf32, #tpu.memory_space<hbm>>
      %dma_wait3A_247 = arith.constant 0 : i32
      %dma_wait3A_248 = tpu.memref_slice %arg7[%add3A_75, %dma_wait3A_247] : memref<32768x128xf32, #tpu.memory_space<hbm>> -> memref<128x128xf32, #tpu.memory_space<hbm>>
      tpu.wait_dma2 semaphore(%run_scoped3A : memref<!tpu.dma_semaphore, #tpu.memory_space<semaphore_mem>>) src(%arg11 : memref<128x128xf32, #tpu.memory_space<vmem>>) dst(%dma_wait3A_248 : memref<128x128xf32, #tpu.memory_space<hbm>>)
      tpu.yield
    }) : () -> ()
    %add3A_76 = arith.constant 0 : i32
    %add3A_77 = arith.addi %mul3A_2, %add3A_76 : i32
    "tpu.region"() ({
      %run_scoped3A = tpu.sem_alloc : memref<!tpu.dma_semaphore, #tpu.memory_space<semaphore_mem>>
      %dma_start3A_241 = tpu.memref_slice %arg6[%add3A_77] : memref<32768xi32, #tpu.memory_space<hbm>> -> memref<128xi32, #tpu.memory_space<hbm>>
      %dma_start3A_242 = tpu.memref_slice %arg6[%add3A_77] : memref<32768xi32, #tpu.memory_space<hbm>> -> memref<128xi32, #tpu.memory_space<hbm>>
      tpu.enqueue_dma source(%dma_start3A_242 : memref<128xi32, #tpu.memory_space<hbm>>) target(%arg10 : memref<128xi32, #tpu.memory_space<vmem>>) target_semaphore(%run_scoped3A : memref<!tpu.dma_semaphore, #tpu.memory_space<semaphore_mem>>)
      %dma_wait3A_243 = tpu.memref_slice %arg6[%add3A_77] : memref<32768xi32, #tpu.memory_space<hbm>> -> memref<128xi32, #tpu.memory_space<hbm>>
      %dma_wait3A_244 = tpu.memref_slice %arg6[%add3A_77] : memref<32768xi32, #tpu.memory_space<hbm>> -> memref<128xi32, #tpu.memory_space<hbm>>
      tpu.wait_dma2 semaphore(%run_scoped3A : memref<!tpu.dma_semaphore, #tpu.memory_space<semaphore_mem>>) src(%dma_wait3A_244 : memref<128xi32, #tpu.memory_space<hbm>>) dst(%arg10 : memref<128xi32, #tpu.memory_space<vmem>>)
      tpu.yield
    }) : () -> ()
    %dma_start3A_78 = arith.constant 0 : i32
    %dma_start3A_79 = arith.constant 0 : i32
    %dma_start3A_80 = tpu.memref_slice %arg3[%dma_start3A_78, %dma_start3A_79] : memref<32768x128xf32, #tpu.memory_space<hbm>> -> memref<32768x128xf32, #tpu.memory_space<hbm>>
    tpu.enqueue_indirect_dma source(%dma_start3A_80 : memref<32768x128xf32, #tpu.memory_space<hbm>>) target(%arg11 : memref<128x128xf32, #tpu.memory_space<vmem>>) offsets(%arg10 : memref<128xi32, #tpu.memory_space<vmem>>) semaphore(%arg12 : memref<!tpu.dma_semaphore, #tpu.memory_space<semaphore_mem>>)
    %dma_wait3A_81 = arith.constant 0 : i32
    %dma_wait3A_82 = arith.constant 0 : i32
    %dma_wait3A_83 = tpu.memref_slice %arg2[%dma_wait3A_81, %dma_wait3A_82] : memref<32768x128xf32, #tpu.memory_space<hbm>> -> memref<32768x128xf32, #tpu.memory_space<hbm>>
    tpu.wait_indirect_dma semaphore(%arg15 : memref<!tpu.dma_semaphore, #tpu.memory_space<semaphore_mem>>) src(%dma_wait3A_83 : memref<32768x128xf32, #tpu.memory_space<hbm>>) dst(%arg14 : memref<128x128xf32, #tpu.memory_space<vmem>>)
    %add3A_84 = arith.constant 896 : i32
    %add3A_85 = arith.addi %mul3A_2, %add3A_84 : i32
    "tpu.region"() ({
      %run_scoped3A = tpu.sem_alloc : memref<!tpu.dma_semaphore, #tpu.memory_space<semaphore_mem>>
      %dma_start3A_241 = arith.constant 0 : i32
      %dma_start3A_242 = tpu.memref_slice %arg7[%add3A_85, %dma_start3A_241] : memref<32768x128xf32, #tpu.memory_space<hbm>> -> memref<128x128xf32, #tpu.memory_space<hbm>>
      %dma_start3A_243 = arith.constant 0 : i32
      %dma_start3A_244 = tpu.memref_slice %arg7[%add3A_85, %dma_start3A_243] : memref<32768x128xf32, #tpu.memory_space<hbm>> -> memref<128x128xf32, #tpu.memory_space<hbm>>
      tpu.enqueue_dma source(%arg14 : memref<128x128xf32, #tpu.memory_space<vmem>>) target(%dma_start3A_244 : memref<128x128xf32, #tpu.memory_space<hbm>>) target_semaphore(%run_scoped3A : memref<!tpu.dma_semaphore, #tpu.memory_space<semaphore_mem>>)
      %dma_wait3A_245 = arith.constant 0 : i32
      %dma_wait3A_246 = tpu.memref_slice %arg7[%add3A_85, %dma_wait3A_245] : memref<32768x128xf32, #tpu.memory_space<hbm>> -> memref<128x128xf32, #tpu.memory_space<hbm>>
      %dma_wait3A_247 = arith.constant 0 : i32
      %dma_wait3A_248 = tpu.memref_slice %arg7[%add3A_85, %dma_wait3A_247] : memref<32768x128xf32, #tpu.memory_space<hbm>> -> memref<128x128xf32, #tpu.memory_space<hbm>>
      tpu.wait_dma2 semaphore(%run_scoped3A : memref<!tpu.dma_semaphore, #tpu.memory_space<semaphore_mem>>) src(%arg14 : memref<128x128xf32, #tpu.memory_space<vmem>>) dst(%dma_wait3A_248 : memref<128x128xf32, #tpu.memory_space<hbm>>)
      tpu.yield
    }) : () -> ()
    %add3A_86 = arith.constant 128 : i32
    %add3A_87 = arith.addi %mul3A_2, %add3A_86 : i32
    "tpu.region"() ({
      %run_scoped3A = tpu.sem_alloc : memref<!tpu.dma_semaphore, #tpu.memory_space<semaphore_mem>>
      %dma_start3A_241 = tpu.memref_slice %arg6[%add3A_87] : memref<32768xi32, #tpu.memory_space<hbm>> -> memref<128xi32, #tpu.memory_space<hbm>>
      %dma_start3A_242 = tpu.memref_slice %arg6[%add3A_87] : memref<32768xi32, #tpu.memory_space<hbm>> -> memref<128xi32, #tpu.memory_space<hbm>>
      tpu.enqueue_dma source(%dma_start3A_242 : memref<128xi32, #tpu.memory_space<hbm>>) target(%arg13 : memref<128xi32, #tpu.memory_space<vmem>>) target_semaphore(%run_scoped3A : memref<!tpu.dma_semaphore, #tpu.memory_space<semaphore_mem>>)
      %dma_wait3A_243 = tpu.memref_slice %arg6[%add3A_87] : memref<32768xi32, #tpu.memory_space<hbm>> -> memref<128xi32, #tpu.memory_space<hbm>>
      %dma_wait3A_244 = tpu.memref_slice %arg6[%add3A_87] : memref<32768xi32, #tpu.memory_space<hbm>> -> memref<128xi32, #tpu.memory_space<hbm>>
      tpu.wait_dma2 semaphore(%run_scoped3A : memref<!tpu.dma_semaphore, #tpu.memory_space<semaphore_mem>>) src(%dma_wait3A_244 : memref<128xi32, #tpu.memory_space<hbm>>) dst(%arg13 : memref<128xi32, #tpu.memory_space<vmem>>)
      tpu.yield
    }) : () -> ()
    %dma_start3A_88 = arith.constant 0 : i32
    %dma_start3A_89 = arith.constant 0 : i32
    %dma_start3A_90 = tpu.memref_slice %arg3[%dma_start3A_88, %dma_start3A_89] : memref<32768x128xf32, #tpu.memory_space<hbm>> -> memref<32768x128xf32, #tpu.memory_space<hbm>>
    tpu.enqueue_indirect_dma source(%dma_start3A_90 : memref<32768x128xf32, #tpu.memory_space<hbm>>) target(%arg14 : memref<128x128xf32, #tpu.memory_space<vmem>>) offsets(%arg13 : memref<128xi32, #tpu.memory_space<vmem>>) semaphore(%arg15 : memref<!tpu.dma_semaphore, #tpu.memory_space<semaphore_mem>>)
    %dma_wait3A_91 = arith.constant 0 : i32
    %dma_wait3A_92 = arith.constant 0 : i32
    %dma_wait3A_93 = tpu.memref_slice %arg3[%dma_wait3A_91, %dma_wait3A_92] : memref<32768x128xf32, #tpu.memory_space<hbm>> -> memref<32768x128xf32, #tpu.memory_space<hbm>>
    tpu.wait_indirect_dma semaphore(%arg12 : memref<!tpu.dma_semaphore, #tpu.memory_space<semaphore_mem>>) src(%dma_wait3A_93 : memref<32768x128xf32, #tpu.memory_space<hbm>>) dst(%arg11 : memref<128x128xf32, #tpu.memory_space<vmem>>)
    %add3A_94 = arith.constant 0 : i32
    %add3A_95 = arith.addi %mul3A_2, %add3A_94 : i32
    "tpu.region"() ({
      %run_scoped3A = tpu.sem_alloc : memref<!tpu.dma_semaphore, #tpu.memory_space<semaphore_mem>>
      %dma_start3A_241 = arith.constant 0 : i32
      %dma_start3A_242 = tpu.memref_slice %arg8[%add3A_95, %dma_start3A_241] : memref<32768x128xf32, #tpu.memory_space<hbm>> -> memref<128x128xf32, #tpu.memory_space<hbm>>
      %dma_start3A_243 = arith.constant 0 : i32
      %dma_start3A_244 = tpu.memref_slice %arg8[%add3A_95, %dma_start3A_243] : memref<32768x128xf32, #tpu.memory_space<hbm>> -> memref<128x128xf32, #tpu.memory_space<hbm>>
      tpu.enqueue_dma source(%arg11 : memref<128x128xf32, #tpu.memory_space<vmem>>) target(%dma_start3A_244 : memref<128x128xf32, #tpu.memory_space<hbm>>) target_semaphore(%run_scoped3A : memref<!tpu.dma_semaphore, #tpu.memory_space<semaphore_mem>>)
      %dma_wait3A_245 = arith.constant 0 : i32
      %dma_wait3A_246 = tpu.memref_slice %arg8[%add3A_95, %dma_wait3A_245] : memref<32768x128xf32, #tpu.memory_space<hbm>> -> memref<128x128xf32, #tpu.memory_space<hbm>>
      %dma_wait3A_247 = arith.constant 0 : i32
      %dma_wait3A_248 = tpu.memref_slice %arg8[%add3A_95, %dma_wait3A_247] : memref<32768x128xf32, #tpu.memory_space<hbm>> -> memref<128x128xf32, #tpu.memory_space<hbm>>
      tpu.wait_dma2 semaphore(%run_scoped3A : memref<!tpu.dma_semaphore, #tpu.memory_space<semaphore_mem>>) src(%arg11 : memref<128x128xf32, #tpu.memory_space<vmem>>) dst(%dma_wait3A_248 : memref<128x128xf32, #tpu.memory_space<hbm>>)
      tpu.yield
    }) : () -> ()
    %add3A_96 = arith.constant 256 : i32
    %add3A_97 = arith.addi %mul3A_2, %add3A_96 : i32
    "tpu.region"() ({
      %run_scoped3A = tpu.sem_alloc : memref<!tpu.dma_semaphore, #tpu.memory_space<semaphore_mem>>
      %dma_start3A_241 = tpu.memref_slice %arg6[%add3A_97] : memref<32768xi32, #tpu.memory_space<hbm>> -> memref<128xi32, #tpu.memory_space<hbm>>
      %dma_start3A_242 = tpu.memref_slice %arg6[%add3A_97] : memref<32768xi32, #tpu.memory_space<hbm>> -> memref<128xi32, #tpu.memory_space<hbm>>
      tpu.enqueue_dma source(%dma_start3A_242 : memref<128xi32, #tpu.memory_space<hbm>>) target(%arg10 : memref<128xi32, #tpu.memory_space<vmem>>) target_semaphore(%run_scoped3A : memref<!tpu.dma_semaphore, #tpu.memory_space<semaphore_mem>>)
      %dma_wait3A_243 = tpu.memref_slice %arg6[%add3A_97] : memref<32768xi32, #tpu.memory_space<hbm>> -> memref<128xi32, #tpu.memory_space<hbm>>
      %dma_wait3A_244 = tpu.memref_slice %arg6[%add3A_97] : memref<32768xi32, #tpu.memory_space<hbm>> -> memref<128xi32, #tpu.memory_space<hbm>>
      tpu.wait_dma2 semaphore(%run_scoped3A : memref<!tpu.dma_semaphore, #tpu.memory_space<semaphore_mem>>) src(%dma_wait3A_244 : memref<128xi32, #tpu.memory_space<hbm>>) dst(%arg10 : memref<128xi32, #tpu.memory_space<vmem>>)
      tpu.yield
    }) : () -> ()
    %dma_start3A_98 = arith.constant 0 : i32
    %dma_start3A_99 = arith.constant 0 : i32
    %dma_start3A_100 = tpu.memref_slice %arg3[%dma_start3A_98, %dma_start3A_99] : memref<32768x128xf32, #tpu.memory_space<hbm>> -> memref<32768x128xf32, #tpu.memory_space<hbm>>
    tpu.enqueue_indirect_dma source(%dma_start3A_100 : memref<32768x128xf32, #tpu.memory_space<hbm>>) target(%arg11 : memref<128x128xf32, #tpu.memory_space<vmem>>) offsets(%arg10 : memref<128xi32, #tpu.memory_space<vmem>>) semaphore(%arg12 : memref<!tpu.dma_semaphore, #tpu.memory_space<semaphore_mem>>)
    %dma_wait3A_101 = arith.constant 0 : i32
    %dma_wait3A_102 = arith.constant 0 : i32
    %dma_wait3A_103 = tpu.memref_slice %arg3[%dma_wait3A_101, %dma_wait3A_102] : memref<32768x128xf32, #tpu.memory_space<hbm>> -> memref<32768x128xf32, #tpu.memory_space<hbm>>
    tpu.wait_indirect_dma semaphore(%arg15 : memref<!tpu.dma_semaphore, #tpu.memory_space<semaphore_mem>>) src(%dma_wait3A_103 : memref<32768x128xf32, #tpu.memory_space<hbm>>) dst(%arg14 : memref<128x128xf32, #tpu.memory_space<vmem>>)
    %add3A_104 = arith.constant 128 : i32
    %add3A_105 = arith.addi %mul3A_2, %add3A_104 : i32
    "tpu.region"() ({
      %run_scoped3A = tpu.sem_alloc : memref<!tpu.dma_semaphore, #tpu.memory_space<semaphore_mem>>
      %dma_start3A_241 = arith.constant 0 : i32
      %dma_start3A_242 = tpu.memref_slice %arg8[%add3A_105, %dma_start3A_241] : memref<32768x128xf32, #tpu.memory_space<hbm>> -> memref<128x128xf32, #tpu.memory_space<hbm>>
      %dma_start3A_243 = arith.constant 0 : i32
      %dma_start3A_244 = tpu.memref_slice %arg8[%add3A_105, %dma_start3A_243] : memref<32768x128xf32, #tpu.memory_space<hbm>> -> memref<128x128xf32, #tpu.memory_space<hbm>>
      tpu.enqueue_dma source(%arg14 : memref<128x128xf32, #tpu.memory_space<vmem>>) target(%dma_start3A_244 : memref<128x128xf32, #tpu.memory_space<hbm>>) target_semaphore(%run_scoped3A : memref<!tpu.dma_semaphore, #tpu.memory_space<semaphore_mem>>)
      %dma_wait3A_245 = arith.constant 0 : i32
      %dma_wait3A_246 = tpu.memref_slice %arg8[%add3A_105, %dma_wait3A_245] : memref<32768x128xf32, #tpu.memory_space<hbm>> -> memref<128x128xf32, #tpu.memory_space<hbm>>
      %dma_wait3A_247 = arith.constant 0 : i32
      %dma_wait3A_248 = tpu.memref_slice %arg8[%add3A_105, %dma_wait3A_247] : memref<32768x128xf32, #tpu.memory_space<hbm>> -> memref<128x128xf32, #tpu.memory_space<hbm>>
      tpu.wait_dma2 semaphore(%run_scoped3A : memref<!tpu.dma_semaphore, #tpu.memory_space<semaphore_mem>>) src(%arg14 : memref<128x128xf32, #tpu.memory_space<vmem>>) dst(%dma_wait3A_248 : memref<128x128xf32, #tpu.memory_space<hbm>>)
      tpu.yield
    }) : () -> ()
    %add3A_106 = arith.constant 384 : i32
    %add3A_107 = arith.addi %mul3A_2, %add3A_106 : i32
    "tpu.region"() ({
      %run_scoped3A = tpu.sem_alloc : memref<!tpu.dma_semaphore, #tpu.memory_space<semaphore_mem>>
      %dma_start3A_241 = tpu.memref_slice %arg6[%add3A_107] : memref<32768xi32, #tpu.memory_space<hbm>> -> memref<128xi32, #tpu.memory_space<hbm>>
      %dma_start3A_242 = tpu.memref_slice %arg6[%add3A_107] : memref<32768xi32, #tpu.memory_space<hbm>> -> memref<128xi32, #tpu.memory_space<hbm>>
      tpu.enqueue_dma source(%dma_start3A_242 : memref<128xi32, #tpu.memory_space<hbm>>) target(%arg13 : memref<128xi32, #tpu.memory_space<vmem>>) target_semaphore(%run_scoped3A : memref<!tpu.dma_semaphore, #tpu.memory_space<semaphore_mem>>)
      %dma_wait3A_243 = tpu.memref_slice %arg6[%add3A_107] : memref<32768xi32, #tpu.memory_space<hbm>> -> memref<128xi32, #tpu.memory_space<hbm>>
      %dma_wait3A_244 = tpu.memref_slice %arg6[%add3A_107] : memref<32768xi32, #tpu.memory_space<hbm>> -> memref<128xi32, #tpu.memory_space<hbm>>
      tpu.wait_dma2 semaphore(%run_scoped3A : memref<!tpu.dma_semaphore, #tpu.memory_space<semaphore_mem>>) src(%dma_wait3A_244 : memref<128xi32, #tpu.memory_space<hbm>>) dst(%arg13 : memref<128xi32, #tpu.memory_space<vmem>>)
      tpu.yield
    }) : () -> ()
    %dma_start3A_108 = arith.constant 0 : i32
    %dma_start3A_109 = arith.constant 0 : i32
    %dma_start3A_110 = tpu.memref_slice %arg3[%dma_start3A_108, %dma_start3A_109] : memref<32768x128xf32, #tpu.memory_space<hbm>> -> memref<32768x128xf32, #tpu.memory_space<hbm>>
    tpu.enqueue_indirect_dma source(%dma_start3A_110 : memref<32768x128xf32, #tpu.memory_space<hbm>>) target(%arg14 : memref<128x128xf32, #tpu.memory_space<vmem>>) offsets(%arg13 : memref<128xi32, #tpu.memory_space<vmem>>) semaphore(%arg15 : memref<!tpu.dma_semaphore, #tpu.memory_space<semaphore_mem>>)
    %dma_wait3A_111 = arith.constant 0 : i32
    %dma_wait3A_112 = arith.constant 0 : i32
    %dma_wait3A_113 = tpu.memref_slice %arg3[%dma_wait3A_111, %dma_wait3A_112] : memref<32768x128xf32, #tpu.memory_space<hbm>> -> memref<32768x128xf32, #tpu.memory_space<hbm>>
    tpu.wait_indirect_dma semaphore(%arg12 : memref<!tpu.dma_semaphore, #tpu.memory_space<semaphore_mem>>) src(%dma_wait3A_113 : memref<32768x128xf32, #tpu.memory_space<hbm>>) dst(%arg11 : memref<128x128xf32, #tpu.memory_space<vmem>>)
    %add3A_114 = arith.constant 256 : i32
    %add3A_115 = arith.addi %mul3A_2, %add3A_114 : i32
    "tpu.region"() ({
      %run_scoped3A = tpu.sem_alloc : memref<!tpu.dma_semaphore, #tpu.memory_space<semaphore_mem>>
      %dma_start3A_241 = arith.constant 0 : i32
      %dma_start3A_242 = tpu.memref_slice %arg8[%add3A_115, %dma_start3A_241] : memref<32768x128xf32, #tpu.memory_space<hbm>> -> memref<128x128xf32, #tpu.memory_space<hbm>>
      %dma_start3A_243 = arith.constant 0 : i32
      %dma_start3A_244 = tpu.memref_slice %arg8[%add3A_115, %dma_start3A_243] : memref<32768x128xf32, #tpu.memory_space<hbm>> -> memref<128x128xf32, #tpu.memory_space<hbm>>
      tpu.enqueue_dma source(%arg11 : memref<128x128xf32, #tpu.memory_space<vmem>>) target(%dma_start3A_244 : memref<128x128xf32, #tpu.memory_space<hbm>>) target_semaphore(%run_scoped3A : memref<!tpu.dma_semaphore, #tpu.memory_space<semaphore_mem>>)
      %dma_wait3A_245 = arith.constant 0 : i32
      %dma_wait3A_246 = tpu.memref_slice %arg8[%add3A_115, %dma_wait3A_245] : memref<32768x128xf32, #tpu.memory_space<hbm>> -> memref<128x128xf32, #tpu.memory_space<hbm>>
      %dma_wait3A_247 = arith.constant 0 : i32
      %dma_wait3A_248 = tpu.memref_slice %arg8[%add3A_115, %dma_wait3A_247] : memref<32768x128xf32, #tpu.memory_space<hbm>> -> memref<128x128xf32, #tpu.memory_space<hbm>>
      tpu.wait_dma2 semaphore(%run_scoped3A : memref<!tpu.dma_semaphore, #tpu.memory_space<semaphore_mem>>) src(%arg11 : memref<128x128xf32, #tpu.memory_space<vmem>>) dst(%dma_wait3A_248 : memref<128x128xf32, #tpu.memory_space<hbm>>)
      tpu.yield
    }) : () -> ()
    %add3A_116 = arith.constant 512 : i32
    %add3A_117 = arith.addi %mul3A_2, %add3A_116 : i32
    "tpu.region"() ({
      %run_scoped3A = tpu.sem_alloc : memref<!tpu.dma_semaphore, #tpu.memory_space<semaphore_mem>>
      %dma_start3A_241 = tpu.memref_slice %arg6[%add3A_117] : memref<32768xi32, #tpu.memory_space<hbm>> -> memref<128xi32, #tpu.memory_space<hbm>>
      %dma_start3A_242 = tpu.memref_slice %arg6[%add3A_117] : memref<32768xi32, #tpu.memory_space<hbm>> -> memref<128xi32, #tpu.memory_space<hbm>>
      tpu.enqueue_dma source(%dma_start3A_242 : memref<128xi32, #tpu.memory_space<hbm>>) target(%arg10 : memref<128xi32, #tpu.memory_space<vmem>>) target_semaphore(%run_scoped3A : memref<!tpu.dma_semaphore, #tpu.memory_space<semaphore_mem>>)
      %dma_wait3A_243 = tpu.memref_slice %arg6[%add3A_117] : memref<32768xi32, #tpu.memory_space<hbm>> -> memref<128xi32, #tpu.memory_space<hbm>>
      %dma_wait3A_244 = tpu.memref_slice %arg6[%add3A_117] : memref<32768xi32, #tpu.memory_space<hbm>> -> memref<128xi32, #tpu.memory_space<hbm>>
      tpu.wait_dma2 semaphore(%run_scoped3A : memref<!tpu.dma_semaphore, #tpu.memory_space<semaphore_mem>>) src(%dma_wait3A_244 : memref<128xi32, #tpu.memory_space<hbm>>) dst(%arg10 : memref<128xi32, #tpu.memory_space<vmem>>)
      tpu.yield
    }) : () -> ()
    %dma_start3A_118 = arith.constant 0 : i32
    %dma_start3A_119 = arith.constant 0 : i32
    %dma_start3A_120 = tpu.memref_slice %arg3[%dma_start3A_118, %dma_start3A_119] : memref<32768x128xf32, #tpu.memory_space<hbm>> -> memref<32768x128xf32, #tpu.memory_space<hbm>>
    tpu.enqueue_indirect_dma source(%dma_start3A_120 : memref<32768x128xf32, #tpu.memory_space<hbm>>) target(%arg11 : memref<128x128xf32, #tpu.memory_space<vmem>>) offsets(%arg10 : memref<128xi32, #tpu.memory_space<vmem>>) semaphore(%arg12 : memref<!tpu.dma_semaphore, #tpu.memory_space<semaphore_mem>>)
    %dma_wait3A_121 = arith.constant 0 : i32
    %dma_wait3A_122 = arith.constant 0 : i32
    %dma_wait3A_123 = tpu.memref_slice %arg3[%dma_wait3A_121, %dma_wait3A_122] : memref<32768x128xf32, #tpu.memory_space<hbm>> -> memref<32768x128xf32, #tpu.memory_space<hbm>>
    tpu.wait_indirect_dma semaphore(%arg15 : memref<!tpu.dma_semaphore, #tpu.memory_space<semaphore_mem>>) src(%dma_wait3A_123 : memref<32768x128xf32, #tpu.memory_space<hbm>>) dst(%arg14 : memref<128x128xf32, #tpu.memory_space<vmem>>)
    %add3A_124 = arith.constant 384 : i32
    %add3A_125 = arith.addi %mul3A_2, %add3A_124 : i32
    "tpu.region"() ({
      %run_scoped3A = tpu.sem_alloc : memref<!tpu.dma_semaphore, #tpu.memory_space<semaphore_mem>>
      %dma_start3A_241 = arith.constant 0 : i32
      %dma_start3A_242 = tpu.memref_slice %arg8[%add3A_125, %dma_start3A_241] : memref<32768x128xf32, #tpu.memory_space<hbm>> -> memref<128x128xf32, #tpu.memory_space<hbm>>
      %dma_start3A_243 = arith.constant 0 : i32
      %dma_start3A_244 = tpu.memref_slice %arg8[%add3A_125, %dma_start3A_243] : memref<32768x128xf32, #tpu.memory_space<hbm>> -> memref<128x128xf32, #tpu.memory_space<hbm>>
      tpu.enqueue_dma source(%arg14 : memref<128x128xf32, #tpu.memory_space<vmem>>) target(%dma_start3A_244 : memref<128x128xf32, #tpu.memory_space<hbm>>) target_semaphore(%run_scoped3A : memref<!tpu.dma_semaphore, #tpu.memory_space<semaphore_mem>>)
      %dma_wait3A_245 = arith.constant 0 : i32
      %dma_wait3A_246 = tpu.memref_slice %arg8[%add3A_125, %dma_wait3A_245] : memref<32768x128xf32, #tpu.memory_space<hbm>> -> memref<128x128xf32, #tpu.memory_space<hbm>>
      %dma_wait3A_247 = arith.constant 0 : i32
      %dma_wait3A_248 = tpu.memref_slice %arg8[%add3A_125, %dma_wait3A_247] : memref<32768x128xf32, #tpu.memory_space<hbm>> -> memref<128x128xf32, #tpu.memory_space<hbm>>
      tpu.wait_dma2 semaphore(%run_scoped3A : memref<!tpu.dma_semaphore, #tpu.memory_space<semaphore_mem>>) src(%arg14 : memref<128x128xf32, #tpu.memory_space<vmem>>) dst(%dma_wait3A_248 : memref<128x128xf32, #tpu.memory_space<hbm>>)
      tpu.yield
    }) : () -> ()
    %add3A_126 = arith.constant 640 : i32
    %add3A_127 = arith.addi %mul3A_2, %add3A_126 : i32
    "tpu.region"() ({
      %run_scoped3A = tpu.sem_alloc : memref<!tpu.dma_semaphore, #tpu.memory_space<semaphore_mem>>
      %dma_start3A_241 = tpu.memref_slice %arg6[%add3A_127] : memref<32768xi32, #tpu.memory_space<hbm>> -> memref<128xi32, #tpu.memory_space<hbm>>
      %dma_start3A_242 = tpu.memref_slice %arg6[%add3A_127] : memref<32768xi32, #tpu.memory_space<hbm>> -> memref<128xi32, #tpu.memory_space<hbm>>
      tpu.enqueue_dma source(%dma_start3A_242 : memref<128xi32, #tpu.memory_space<hbm>>) target(%arg13 : memref<128xi32, #tpu.memory_space<vmem>>) target_semaphore(%run_scoped3A : memref<!tpu.dma_semaphore, #tpu.memory_space<semaphore_mem>>)
      %dma_wait3A_243 = tpu.memref_slice %arg6[%add3A_127] : memref<32768xi32, #tpu.memory_space<hbm>> -> memref<128xi32, #tpu.memory_space<hbm>>
      %dma_wait3A_244 = tpu.memref_slice %arg6[%add3A_127] : memref<32768xi32, #tpu.memory_space<hbm>> -> memref<128xi32, #tpu.memory_space<hbm>>
      tpu.wait_dma2 semaphore(%run_scoped3A : memref<!tpu.dma_semaphore, #tpu.memory_space<semaphore_mem>>) src(%dma_wait3A_244 : memref<128xi32, #tpu.memory_space<hbm>>) dst(%arg13 : memref<128xi32, #tpu.memory_space<vmem>>)
      tpu.yield
    }) : () -> ()
    %dma_start3A_128 = arith.constant 0 : i32
    %dma_start3A_129 = arith.constant 0 : i32
    %dma_start3A_130 = tpu.memref_slice %arg3[%dma_start3A_128, %dma_start3A_129] : memref<32768x128xf32, #tpu.memory_space<hbm>> -> memref<32768x128xf32, #tpu.memory_space<hbm>>
    tpu.enqueue_indirect_dma source(%dma_start3A_130 : memref<32768x128xf32, #tpu.memory_space<hbm>>) target(%arg14 : memref<128x128xf32, #tpu.memory_space<vmem>>) offsets(%arg13 : memref<128xi32, #tpu.memory_space<vmem>>) semaphore(%arg15 : memref<!tpu.dma_semaphore, #tpu.memory_space<semaphore_mem>>)
    %dma_wait3A_131 = arith.constant 0 : i32
    %dma_wait3A_132 = arith.constant 0 : i32
    %dma_wait3A_133 = tpu.memref_slice %arg3[%dma_wait3A_131, %dma_wait3A_132] : memref<32768x128xf32, #tpu.memory_space<hbm>> -> memref<32768x128xf32, #tpu.memory_space<hbm>>
    tpu.wait_indirect_dma semaphore(%arg12 : memref<!tpu.dma_semaphore, #tpu.memory_space<semaphore_mem>>) src(%dma_wait3A_133 : memref<32768x128xf32, #tpu.memory_space<hbm>>) dst(%arg11 : memref<128x128xf32, #tpu.memory_space<vmem>>)
    %add3A_134 = arith.constant 512 : i32
    %add3A_135 = arith.addi %mul3A_2, %add3A_134 : i32
    "tpu.region"() ({
      %run_scoped3A = tpu.sem_alloc : memref<!tpu.dma_semaphore, #tpu.memory_space<semaphore_mem>>
      %dma_start3A_241 = arith.constant 0 : i32
      %dma_start3A_242 = tpu.memref_slice %arg8[%add3A_135, %dma_start3A_241] : memref<32768x128xf32, #tpu.memory_space<hbm>> -> memref<128x128xf32, #tpu.memory_space<hbm>>
      %dma_start3A_243 = arith.constant 0 : i32
      %dma_start3A_244 = tpu.memref_slice %arg8[%add3A_135, %dma_start3A_243] : memref<32768x128xf32, #tpu.memory_space<hbm>> -> memref<128x128xf32, #tpu.memory_space<hbm>>
      tpu.enqueue_dma source(%arg11 : memref<128x128xf32, #tpu.memory_space<vmem>>) target(%dma_start3A_244 : memref<128x128xf32, #tpu.memory_space<hbm>>) target_semaphore(%run_scoped3A : memref<!tpu.dma_semaphore, #tpu.memory_space<semaphore_mem>>)
      %dma_wait3A_245 = arith.constant 0 : i32
      %dma_wait3A_246 = tpu.memref_slice %arg8[%add3A_135, %dma_wait3A_245] : memref<32768x128xf32, #tpu.memory_space<hbm>> -> memref<128x128xf32, #tpu.memory_space<hbm>>
      %dma_wait3A_247 = arith.constant 0 : i32
      %dma_wait3A_248 = tpu.memref_slice %arg8[%add3A_135, %dma_wait3A_247] : memref<32768x128xf32, #tpu.memory_space<hbm>> -> memref<128x128xf32, #tpu.memory_space<hbm>>
      tpu.wait_dma2 semaphore(%run_scoped3A : memref<!tpu.dma_semaphore, #tpu.memory_space<semaphore_mem>>) src(%arg11 : memref<128x128xf32, #tpu.memory_space<vmem>>) dst(%dma_wait3A_248 : memref<128x128xf32, #tpu.memory_space<hbm>>)
      tpu.yield
    }) : () -> ()
    %add3A_136 = arith.constant 768 : i32
    %add3A_137 = arith.addi %mul3A_2, %add3A_136 : i32
    "tpu.region"() ({
      %run_scoped3A = tpu.sem_alloc : memref<!tpu.dma_semaphore, #tpu.memory_space<semaphore_mem>>
      %dma_start3A_241 = tpu.memref_slice %arg6[%add3A_137] : memref<32768xi32, #tpu.memory_space<hbm>> -> memref<128xi32, #tpu.memory_space<hbm>>
      %dma_start3A_242 = tpu.memref_slice %arg6[%add3A_137] : memref<32768xi32, #tpu.memory_space<hbm>> -> memref<128xi32, #tpu.memory_space<hbm>>
      tpu.enqueue_dma source(%dma_start3A_242 : memref<128xi32, #tpu.memory_space<hbm>>) target(%arg10 : memref<128xi32, #tpu.memory_space<vmem>>) target_semaphore(%run_scoped3A : memref<!tpu.dma_semaphore, #tpu.memory_space<semaphore_mem>>)
      %dma_wait3A_243 = tpu.memref_slice %arg6[%add3A_137] : memref<32768xi32, #tpu.memory_space<hbm>> -> memref<128xi32, #tpu.memory_space<hbm>>
      %dma_wait3A_244 = tpu.memref_slice %arg6[%add3A_137] : memref<32768xi32, #tpu.memory_space<hbm>> -> memref<128xi32, #tpu.memory_space<hbm>>
      tpu.wait_dma2 semaphore(%run_scoped3A : memref<!tpu.dma_semaphore, #tpu.memory_space<semaphore_mem>>) src(%dma_wait3A_244 : memref<128xi32, #tpu.memory_space<hbm>>) dst(%arg10 : memref<128xi32, #tpu.memory_space<vmem>>)
      tpu.yield
    }) : () -> ()
    %dma_start3A_138 = arith.constant 0 : i32
    %dma_start3A_139 = arith.constant 0 : i32
    %dma_start3A_140 = tpu.memref_slice %arg3[%dma_start3A_138, %dma_start3A_139] : memref<32768x128xf32, #tpu.memory_space<hbm>> -> memref<32768x128xf32, #tpu.memory_space<hbm>>
    tpu.enqueue_indirect_dma source(%dma_start3A_140 : memref<32768x128xf32, #tpu.memory_space<hbm>>) target(%arg11 : memref<128x128xf32, #tpu.memory_space<vmem>>) offsets(%arg10 : memref<128xi32, #tpu.memory_space<vmem>>) semaphore(%arg12 : memref<!tpu.dma_semaphore, #tpu.memory_space<semaphore_mem>>)
    %dma_wait3A_141 = arith.constant 0 : i32
    %dma_wait3A_142 = arith.constant 0 : i32
    %dma_wait3A_143 = tpu.memref_slice %arg3[%dma_wait3A_141, %dma_wait3A_142] : memref<32768x128xf32, #tpu.memory_space<hbm>> -> memref<32768x128xf32, #tpu.memory_space<hbm>>
    tpu.wait_indirect_dma semaphore(%arg15 : memref<!tpu.dma_semaphore, #tpu.memory_space<semaphore_mem>>) src(%dma_wait3A_143 : memref<32768x128xf32, #tpu.memory_space<hbm>>) dst(%arg14 : memref<128x128xf32, #tpu.memory_space<vmem>>)
    %add3A_144 = arith.constant 640 : i32
    %add3A_145 = arith.addi %mul3A_2, %add3A_144 : i32
    "tpu.region"() ({
      %run_scoped3A = tpu.sem_alloc : memref<!tpu.dma_semaphore, #tpu.memory_space<semaphore_mem>>
      %dma_start3A_241 = arith.constant 0 : i32
      %dma_start3A_242 = tpu.memref_slice %arg8[%add3A_145, %dma_start3A_241] : memref<32768x128xf32, #tpu.memory_space<hbm>> -> memref<128x128xf32, #tpu.memory_space<hbm>>
      %dma_start3A_243 = arith.constant 0 : i32
      %dma_start3A_244 = tpu.memref_slice %arg8[%add3A_145, %dma_start3A_243] : memref<32768x128xf32, #tpu.memory_space<hbm>> -> memref<128x128xf32, #tpu.memory_space<hbm>>
      tpu.enqueue_dma source(%arg14 : memref<128x128xf32, #tpu.memory_space<vmem>>) target(%dma_start3A_244 : memref<128x128xf32, #tpu.memory_space<hbm>>) target_semaphore(%run_scoped3A : memref<!tpu.dma_semaphore, #tpu.memory_space<semaphore_mem>>)
      %dma_wait3A_245 = arith.constant 0 : i32
      %dma_wait3A_246 = tpu.memref_slice %arg8[%add3A_145, %dma_wait3A_245] : memref<32768x128xf32, #tpu.memory_space<hbm>> -> memref<128x128xf32, #tpu.memory_space<hbm>>
      %dma_wait3A_247 = arith.constant 0 : i32
      %dma_wait3A_248 = tpu.memref_slice %arg8[%add3A_145, %dma_wait3A_247] : memref<32768x128xf32, #tpu.memory_space<hbm>> -> memref<128x128xf32, #tpu.memory_space<hbm>>
      tpu.wait_dma2 semaphore(%run_scoped3A : memref<!tpu.dma_semaphore, #tpu.memory_space<semaphore_mem>>) src(%arg14 : memref<128x128xf32, #tpu.memory_space<vmem>>) dst(%dma_wait3A_248 : memref<128x128xf32, #tpu.memory_space<hbm>>)
      tpu.yield
    }) : () -> ()
    %add3A_146 = arith.constant 896 : i32
    %add3A_147 = arith.addi %mul3A_2, %add3A_146 : i32
    "tpu.region"() ({
      %run_scoped3A = tpu.sem_alloc : memref<!tpu.dma_semaphore, #tpu.memory_space<semaphore_mem>>
      %dma_start3A_241 = tpu.memref_slice %arg6[%add3A_147] : memref<32768xi32, #tpu.memory_space<hbm>> -> memref<128xi32, #tpu.memory_space<hbm>>
      %dma_start3A_242 = tpu.memref_slice %arg6[%add3A_147] : memref<32768xi32, #tpu.memory_space<hbm>> -> memref<128xi32, #tpu.memory_space<hbm>>
      tpu.enqueue_dma source(%dma_start3A_242 : memref<128xi32, #tpu.memory_space<hbm>>) target(%arg13 : memref<128xi32, #tpu.memory_space<vmem>>) target_semaphore(%run_scoped3A : memref<!tpu.dma_semaphore, #tpu.memory_space<semaphore_mem>>)
      %dma_wait3A_243 = tpu.memref_slice %arg6[%add3A_147] : memref<32768xi32, #tpu.memory_space<hbm>> -> memref<128xi32, #tpu.memory_space<hbm>>
      %dma_wait3A_244 = tpu.memref_slice %arg6[%add3A_147] : memref<32768xi32, #tpu.memory_space<hbm>> -> memref<128xi32, #tpu.memory_space<hbm>>
      tpu.wait_dma2 semaphore(%run_scoped3A : memref<!tpu.dma_semaphore, #tpu.memory_space<semaphore_mem>>) src(%dma_wait3A_244 : memref<128xi32, #tpu.memory_space<hbm>>) dst(%arg13 : memref<128xi32, #tpu.memory_space<vmem>>)
      tpu.yield
    }) : () -> ()
    %dma_start3A_148 = arith.constant 0 : i32
    %dma_start3A_149 = arith.constant 0 : i32
    %dma_start3A_150 = tpu.memref_slice %arg3[%dma_start3A_148, %dma_start3A_149] : memref<32768x128xf32, #tpu.memory_space<hbm>> -> memref<32768x128xf32, #tpu.memory_space<hbm>>
    tpu.enqueue_indirect_dma source(%dma_start3A_150 : memref<32768x128xf32, #tpu.memory_space<hbm>>) target(%arg14 : memref<128x128xf32, #tpu.memory_space<vmem>>) offsets(%arg13 : memref<128xi32, #tpu.memory_space<vmem>>) semaphore(%arg15 : memref<!tpu.dma_semaphore, #tpu.memory_space<semaphore_mem>>)
    %dma_wait3A_151 = arith.constant 0 : i32
    %dma_wait3A_152 = arith.constant 0 : i32
    %dma_wait3A_153 = tpu.memref_slice %arg3[%dma_wait3A_151, %dma_wait3A_152] : memref<32768x128xf32, #tpu.memory_space<hbm>> -> memref<32768x128xf32, #tpu.memory_space<hbm>>
    tpu.wait_indirect_dma semaphore(%arg12 : memref<!tpu.dma_semaphore, #tpu.memory_space<semaphore_mem>>) src(%dma_wait3A_153 : memref<32768x128xf32, #tpu.memory_space<hbm>>) dst(%arg11 : memref<128x128xf32, #tpu.memory_space<vmem>>)
    %add3A_154 = arith.constant 768 : i32
    %add3A_155 = arith.addi %mul3A_2, %add3A_154 : i32
    "tpu.region"() ({
      %run_scoped3A = tpu.sem_alloc : memref<!tpu.dma_semaphore, #tpu.memory_space<semaphore_mem>>
      %dma_start3A_241 = arith.constant 0 : i32
      %dma_start3A_242 = tpu.memref_slice %arg8[%add3A_155, %dma_start3A_241] : memref<32768x128xf32, #tpu.memory_space<hbm>> -> memref<128x128xf32, #tpu.memory_space<hbm>>
      %dma_start3A_243 = arith.constant 0 : i32
      %dma_start3A_244 = tpu.memref_slice %arg8[%add3A_155, %dma_start3A_243] : memref<32768x128xf32, #tpu.memory_space<hbm>> -> memref<128x128xf32, #tpu.memory_space<hbm>>
      tpu.enqueue_dma source(%arg11 : memref<128x128xf32, #tpu.memory_space<vmem>>) target(%dma_start3A_244 : memref<128x128xf32, #tpu.memory_space<hbm>>) target_semaphore(%run_scoped3A : memref<!tpu.dma_semaphore, #tpu.memory_space<semaphore_mem>>)
      %dma_wait3A_245 = arith.constant 0 : i32
      %dma_wait3A_246 = tpu.memref_slice %arg8[%add3A_155, %dma_wait3A_245] : memref<32768x128xf32, #tpu.memory_space<hbm>> -> memref<128x128xf32, #tpu.memory_space<hbm>>
      %dma_wait3A_247 = arith.constant 0 : i32
      %dma_wait3A_248 = tpu.memref_slice %arg8[%add3A_155, %dma_wait3A_247] : memref<32768x128xf32, #tpu.memory_space<hbm>> -> memref<128x128xf32, #tpu.memory_space<hbm>>
      tpu.wait_dma2 semaphore(%run_scoped3A : memref<!tpu.dma_semaphore, #tpu.memory_space<semaphore_mem>>) src(%arg11 : memref<128x128xf32, #tpu.memory_space<vmem>>) dst(%dma_wait3A_248 : memref<128x128xf32, #tpu.memory_space<hbm>>)
      tpu.yield
    }) : () -> ()
    %add3A_156 = arith.constant 0 : i32
    %add3A_157 = arith.addi %mul3A_2, %add3A_156 : i32
    "tpu.region"() ({
      %run_scoped3A = tpu.sem_alloc : memref<!tpu.dma_semaphore, #tpu.memory_space<semaphore_mem>>
      %dma_start3A_241 = tpu.memref_slice %arg6[%add3A_157] : memref<32768xi32, #tpu.memory_space<hbm>> -> memref<128xi32, #tpu.memory_space<hbm>>
      %dma_start3A_242 = tpu.memref_slice %arg6[%add3A_157] : memref<32768xi32, #tpu.memory_space<hbm>> -> memref<128xi32, #tpu.memory_space<hbm>>
      tpu.enqueue_dma source(%dma_start3A_242 : memref<128xi32, #tpu.memory_space<hbm>>) target(%arg10 : memref<128xi32, #tpu.memory_space<vmem>>) target_semaphore(%run_scoped3A : memref<!tpu.dma_semaphore, #tpu.memory_space<semaphore_mem>>)
      %dma_wait3A_243 = tpu.memref_slice %arg6[%add3A_157] : memref<32768xi32, #tpu.memory_space<hbm>> -> memref<128xi32, #tpu.memory_space<hbm>>
      %dma_wait3A_244 = tpu.memref_slice %arg6[%add3A_157] : memref<32768xi32, #tpu.memory_space<hbm>> -> memref<128xi32, #tpu.memory_space<hbm>>
      tpu.wait_dma2 semaphore(%run_scoped3A : memref<!tpu.dma_semaphore, #tpu.memory_space<semaphore_mem>>) src(%dma_wait3A_244 : memref<128xi32, #tpu.memory_space<hbm>>) dst(%arg10 : memref<128xi32, #tpu.memory_space<vmem>>)
      tpu.yield
    }) : () -> ()
    %dma_start3A_158 = arith.constant 0 : i32
    %dma_start3A_159 = arith.constant 0 : i32
    %dma_start3A_160 = tpu.memref_slice %arg4[%dma_start3A_158, %dma_start3A_159] : memref<32768x128xf32, #tpu.memory_space<hbm>> -> memref<32768x128xf32, #tpu.memory_space<hbm>>
    tpu.enqueue_indirect_dma source(%dma_start3A_160 : memref<32768x128xf32, #tpu.memory_space<hbm>>) target(%arg11 : memref<128x128xf32, #tpu.memory_space<vmem>>) offsets(%arg10 : memref<128xi32, #tpu.memory_space<vmem>>) semaphore(%arg12 : memref<!tpu.dma_semaphore, #tpu.memory_space<semaphore_mem>>)
    %dma_wait3A_161 = arith.constant 0 : i32
    %dma_wait3A_162 = arith.constant 0 : i32
    %dma_wait3A_163 = tpu.memref_slice %arg3[%dma_wait3A_161, %dma_wait3A_162] : memref<32768x128xf32, #tpu.memory_space<hbm>> -> memref<32768x128xf32, #tpu.memory_space<hbm>>
    tpu.wait_indirect_dma semaphore(%arg15 : memref<!tpu.dma_semaphore, #tpu.memory_space<semaphore_mem>>) src(%dma_wait3A_163 : memref<32768x128xf32, #tpu.memory_space<hbm>>) dst(%arg14 : memref<128x128xf32, #tpu.memory_space<vmem>>)
    %add3A_164 = arith.constant 896 : i32
    %add3A_165 = arith.addi %mul3A_2, %add3A_164 : i32
    "tpu.region"() ({
      %run_scoped3A = tpu.sem_alloc : memref<!tpu.dma_semaphore, #tpu.memory_space<semaphore_mem>>
      %dma_start3A_241 = arith.constant 0 : i32
      %dma_start3A_242 = tpu.memref_slice %arg8[%add3A_165, %dma_start3A_241] : memref<32768x128xf32, #tpu.memory_space<hbm>> -> memref<128x128xf32, #tpu.memory_space<hbm>>
      %dma_start3A_243 = arith.constant 0 : i32
      %dma_start3A_244 = tpu.memref_slice %arg8[%add3A_165, %dma_start3A_243] : memref<32768x128xf32, #tpu.memory_space<hbm>> -> memref<128x128xf32, #tpu.memory_space<hbm>>
      tpu.enqueue_dma source(%arg14 : memref<128x128xf32, #tpu.memory_space<vmem>>) target(%dma_start3A_244 : memref<128x128xf32, #tpu.memory_space<hbm>>) target_semaphore(%run_scoped3A : memref<!tpu.dma_semaphore, #tpu.memory_space<semaphore_mem>>)
      %dma_wait3A_245 = arith.constant 0 : i32
      %dma_wait3A_246 = tpu.memref_slice %arg8[%add3A_165, %dma_wait3A_245] : memref<32768x128xf32, #tpu.memory_space<hbm>> -> memref<128x128xf32, #tpu.memory_space<hbm>>
      %dma_wait3A_247 = arith.constant 0 : i32
      %dma_wait3A_248 = tpu.memref_slice %arg8[%add3A_165, %dma_wait3A_247] : memref<32768x128xf32, #tpu.memory_space<hbm>> -> memref<128x128xf32, #tpu.memory_space<hbm>>
      tpu.wait_dma2 semaphore(%run_scoped3A : memref<!tpu.dma_semaphore, #tpu.memory_space<semaphore_mem>>) src(%arg14 : memref<128x128xf32, #tpu.memory_space<vmem>>) dst(%dma_wait3A_248 : memref<128x128xf32, #tpu.memory_space<hbm>>)
      tpu.yield
    }) : () -> ()
    %add3A_166 = arith.constant 128 : i32
    %add3A_167 = arith.addi %mul3A_2, %add3A_166 : i32
    "tpu.region"() ({
      %run_scoped3A = tpu.sem_alloc : memref<!tpu.dma_semaphore, #tpu.memory_space<semaphore_mem>>
      %dma_start3A_241 = tpu.memref_slice %arg6[%add3A_167] : memref<32768xi32, #tpu.memory_space<hbm>> -> memref<128xi32, #tpu.memory_space<hbm>>
      %dma_start3A_242 = tpu.memref_slice %arg6[%add3A_167] : memref<32768xi32, #tpu.memory_space<hbm>> -> memref<128xi32, #tpu.memory_space<hbm>>
      tpu.enqueue_dma source(%dma_start3A_242 : memref<128xi32, #tpu.memory_space<hbm>>) target(%arg13 : memref<128xi32, #tpu.memory_space<vmem>>) target_semaphore(%run_scoped3A : memref<!tpu.dma_semaphore, #tpu.memory_space<semaphore_mem>>)
      %dma_wait3A_243 = tpu.memref_slice %arg6[%add3A_167] : memref<32768xi32, #tpu.memory_space<hbm>> -> memref<128xi32, #tpu.memory_space<hbm>>
      %dma_wait3A_244 = tpu.memref_slice %arg6[%add3A_167] : memref<32768xi32, #tpu.memory_space<hbm>> -> memref<128xi32, #tpu.memory_space<hbm>>
      tpu.wait_dma2 semaphore(%run_scoped3A : memref<!tpu.dma_semaphore, #tpu.memory_space<semaphore_mem>>) src(%dma_wait3A_244 : memref<128xi32, #tpu.memory_space<hbm>>) dst(%arg13 : memref<128xi32, #tpu.memory_space<vmem>>)
      tpu.yield
    }) : () -> ()
    %dma_start3A_168 = arith.constant 0 : i32
    %dma_start3A_169 = arith.constant 0 : i32
    %dma_start3A_170 = tpu.memref_slice %arg4[%dma_start3A_168, %dma_start3A_169] : memref<32768x128xf32, #tpu.memory_space<hbm>> -> memref<32768x128xf32, #tpu.memory_space<hbm>>
    tpu.enqueue_indirect_dma source(%dma_start3A_170 : memref<32768x128xf32, #tpu.memory_space<hbm>>) target(%arg14 : memref<128x128xf32, #tpu.memory_space<vmem>>) offsets(%arg13 : memref<128xi32, #tpu.memory_space<vmem>>) semaphore(%arg15 : memref<!tpu.dma_semaphore, #tpu.memory_space<semaphore_mem>>)
    %dma_wait3A_171 = arith.constant 0 : i32
    %dma_wait3A_172 = arith.constant 0 : i32
    %dma_wait3A_173 = tpu.memref_slice %arg4[%dma_wait3A_171, %dma_wait3A_172] : memref<32768x128xf32, #tpu.memory_space<hbm>> -> memref<32768x128xf32, #tpu.memory_space<hbm>>
    tpu.wait_indirect_dma semaphore(%arg12 : memref<!tpu.dma_semaphore, #tpu.memory_space<semaphore_mem>>) src(%dma_wait3A_173 : memref<32768x128xf32, #tpu.memory_space<hbm>>) dst(%arg11 : memref<128x128xf32, #tpu.memory_space<vmem>>)
    %add3A_174 = arith.constant 0 : i32
    %add3A_175 = arith.addi %mul3A_2, %add3A_174 : i32
    "tpu.region"() ({
      %run_scoped3A = tpu.sem_alloc : memref<!tpu.dma_semaphore, #tpu.memory_space<semaphore_mem>>
      %dma_start3A_241 = arith.constant 0 : i32
      %dma_start3A_242 = tpu.memref_slice %arg9[%add3A_175, %dma_start3A_241] : memref<32768x128xf32, #tpu.memory_space<hbm>> -> memref<128x128xf32, #tpu.memory_space<hbm>>
      %dma_start3A_243 = arith.constant 0 : i32
      %dma_start3A_244 = tpu.memref_slice %arg9[%add3A_175, %dma_start3A_243] : memref<32768x128xf32, #tpu.memory_space<hbm>> -> memref<128x128xf32, #tpu.memory_space<hbm>>
      tpu.enqueue_dma source(%arg11 : memref<128x128xf32, #tpu.memory_space<vmem>>) target(%dma_start3A_244 : memref<128x128xf32, #tpu.memory_space<hbm>>) target_semaphore(%run_scoped3A : memref<!tpu.dma_semaphore, #tpu.memory_space<semaphore_mem>>)
      %dma_wait3A_245 = arith.constant 0 : i32
      %dma_wait3A_246 = tpu.memref_slice %arg9[%add3A_175, %dma_wait3A_245] : memref<32768x128xf32, #tpu.memory_space<hbm>> -> memref<128x128xf32, #tpu.memory_space<hbm>>
      %dma_wait3A_247 = arith.constant 0 : i32
      %dma_wait3A_248 = tpu.memref_slice %arg9[%add3A_175, %dma_wait3A_247] : memref<32768x128xf32, #tpu.memory_space<hbm>> -> memref<128x128xf32, #tpu.memory_space<hbm>>
      tpu.wait_dma2 semaphore(%run_scoped3A : memref<!tpu.dma_semaphore, #tpu.memory_space<semaphore_mem>>) src(%arg11 : memref<128x128xf32, #tpu.memory_space<vmem>>) dst(%dma_wait3A_248 : memref<128x128xf32, #tpu.memory_space<hbm>>)
      tpu.yield
    }) : () -> ()
    %add3A_176 = arith.constant 256 : i32
    %add3A_177 = arith.addi %mul3A_2, %add3A_176 : i32
    "tpu.region"() ({
      %run_scoped3A = tpu.sem_alloc : memref<!tpu.dma_semaphore, #tpu.memory_space<semaphore_mem>>
      %dma_start3A_241 = tpu.memref_slice %arg6[%add3A_177] : memref<32768xi32, #tpu.memory_space<hbm>> -> memref<128xi32, #tpu.memory_space<hbm>>
      %dma_start3A_242 = tpu.memref_slice %arg6[%add3A_177] : memref<32768xi32, #tpu.memory_space<hbm>> -> memref<128xi32, #tpu.memory_space<hbm>>
      tpu.enqueue_dma source(%dma_start3A_242 : memref<128xi32, #tpu.memory_space<hbm>>) target(%arg10 : memref<128xi32, #tpu.memory_space<vmem>>) target_semaphore(%run_scoped3A : memref<!tpu.dma_semaphore, #tpu.memory_space<semaphore_mem>>)
      %dma_wait3A_243 = tpu.memref_slice %arg6[%add3A_177] : memref<32768xi32, #tpu.memory_space<hbm>> -> memref<128xi32, #tpu.memory_space<hbm>>
      %dma_wait3A_244 = tpu.memref_slice %arg6[%add3A_177] : memref<32768xi32, #tpu.memory_space<hbm>> -> memref<128xi32, #tpu.memory_space<hbm>>
      tpu.wait_dma2 semaphore(%run_scoped3A : memref<!tpu.dma_semaphore, #tpu.memory_space<semaphore_mem>>) src(%dma_wait3A_244 : memref<128xi32, #tpu.memory_space<hbm>>) dst(%arg10 : memref<128xi32, #tpu.memory_space<vmem>>)
      tpu.yield
    }) : () -> ()
    %dma_start3A_178 = arith.constant 0 : i32
    %dma_start3A_179 = arith.constant 0 : i32
    %dma_start3A_180 = tpu.memref_slice %arg4[%dma_start3A_178, %dma_start3A_179] : memref<32768x128xf32, #tpu.memory_space<hbm>> -> memref<32768x128xf32, #tpu.memory_space<hbm>>
    tpu.enqueue_indirect_dma source(%dma_start3A_180 : memref<32768x128xf32, #tpu.memory_space<hbm>>) target(%arg11 : memref<128x128xf32, #tpu.memory_space<vmem>>) offsets(%arg10 : memref<128xi32, #tpu.memory_space<vmem>>) semaphore(%arg12 : memref<!tpu.dma_semaphore, #tpu.memory_space<semaphore_mem>>)
    %dma_wait3A_181 = arith.constant 0 : i32
    %dma_wait3A_182 = arith.constant 0 : i32
    %dma_wait3A_183 = tpu.memref_slice %arg4[%dma_wait3A_181, %dma_wait3A_182] : memref<32768x128xf32, #tpu.memory_space<hbm>> -> memref<32768x128xf32, #tpu.memory_space<hbm>>
    tpu.wait_indirect_dma semaphore(%arg15 : memref<!tpu.dma_semaphore, #tpu.memory_space<semaphore_mem>>) src(%dma_wait3A_183 : memref<32768x128xf32, #tpu.memory_space<hbm>>) dst(%arg14 : memref<128x128xf32, #tpu.memory_space<vmem>>)
    %add3A_184 = arith.constant 128 : i32
    %add3A_185 = arith.addi %mul3A_2, %add3A_184 : i32
    "tpu.region"() ({
      %run_scoped3A = tpu.sem_alloc : memref<!tpu.dma_semaphore, #tpu.memory_space<semaphore_mem>>
      %dma_start3A_241 = arith.constant 0 : i32
      %dma_start3A_242 = tpu.memref_slice %arg9[%add3A_185, %dma_start3A_241] : memref<32768x128xf32, #tpu.memory_space<hbm>> -> memref<128x128xf32, #tpu.memory_space<hbm>>
      %dma_start3A_243 = arith.constant 0 : i32
      %dma_start3A_244 = tpu.memref_slice %arg9[%add3A_185, %dma_start3A_243] : memref<32768x128xf32, #tpu.memory_space<hbm>> -> memref<128x128xf32, #tpu.memory_space<hbm>>
      tpu.enqueue_dma source(%arg14 : memref<128x128xf32, #tpu.memory_space<vmem>>) target(%dma_start3A_244 : memref<128x128xf32, #tpu.memory_space<hbm>>) target_semaphore(%run_scoped3A : memref<!tpu.dma_semaphore, #tpu.memory_space<semaphore_mem>>)
      %dma_wait3A_245 = arith.constant 0 : i32
      %dma_wait3A_246 = tpu.memref_slice %arg9[%add3A_185, %dma_wait3A_245] : memref<32768x128xf32, #tpu.memory_space<hbm>> -> memref<128x128xf32, #tpu.memory_space<hbm>>
      %dma_wait3A_247 = arith.constant 0 : i32
      %dma_wait3A_248 = tpu.memref_slice %arg9[%add3A_185, %dma_wait3A_247] : memref<32768x128xf32, #tpu.memory_space<hbm>> -> memref<128x128xf32, #tpu.memory_space<hbm>>
      tpu.wait_dma2 semaphore(%run_scoped3A : memref<!tpu.dma_semaphore, #tpu.memory_space<semaphore_mem>>) src(%arg14 : memref<128x128xf32, #tpu.memory_space<vmem>>) dst(%dma_wait3A_248 : memref<128x128xf32, #tpu.memory_space<hbm>>)
      tpu.yield
    }) : () -> ()
    %add3A_186 = arith.constant 384 : i32
    %add3A_187 = arith.addi %mul3A_2, %add3A_186 : i32
    "tpu.region"() ({
      %run_scoped3A = tpu.sem_alloc : memref<!tpu.dma_semaphore, #tpu.memory_space<semaphore_mem>>
      %dma_start3A_241 = tpu.memref_slice %arg6[%add3A_187] : memref<32768xi32, #tpu.memory_space<hbm>> -> memref<128xi32, #tpu.memory_space<hbm>>
      %dma_start3A_242 = tpu.memref_slice %arg6[%add3A_187] : memref<32768xi32, #tpu.memory_space<hbm>> -> memref<128xi32, #tpu.memory_space<hbm>>
      tpu.enqueue_dma source(%dma_start3A_242 : memref<128xi32, #tpu.memory_space<hbm>>) target(%arg13 : memref<128xi32, #tpu.memory_space<vmem>>) target_semaphore(%run_scoped3A : memref<!tpu.dma_semaphore, #tpu.memory_space<semaphore_mem>>)
      %dma_wait3A_243 = tpu.memref_slice %arg6[%add3A_187] : memref<32768xi32, #tpu.memory_space<hbm>> -> memref<128xi32, #tpu.memory_space<hbm>>
      %dma_wait3A_244 = tpu.memref_slice %arg6[%add3A_187] : memref<32768xi32, #tpu.memory_space<hbm>> -> memref<128xi32, #tpu.memory_space<hbm>>
      tpu.wait_dma2 semaphore(%run_scoped3A : memref<!tpu.dma_semaphore, #tpu.memory_space<semaphore_mem>>) src(%dma_wait3A_244 : memref<128xi32, #tpu.memory_space<hbm>>) dst(%arg13 : memref<128xi32, #tpu.memory_space<vmem>>)
      tpu.yield
    }) : () -> ()
    %dma_start3A_188 = arith.constant 0 : i32
    %dma_start3A_189 = arith.constant 0 : i32
    %dma_start3A_190 = tpu.memref_slice %arg4[%dma_start3A_188, %dma_start3A_189] : memref<32768x128xf32, #tpu.memory_space<hbm>> -> memref<32768x128xf32, #tpu.memory_space<hbm>>
    tpu.enqueue_indirect_dma source(%dma_start3A_190 : memref<32768x128xf32, #tpu.memory_space<hbm>>) target(%arg14 : memref<128x128xf32, #tpu.memory_space<vmem>>) offsets(%arg13 : memref<128xi32, #tpu.memory_space<vmem>>) semaphore(%arg15 : memref<!tpu.dma_semaphore, #tpu.memory_space<semaphore_mem>>)
    %dma_wait3A_191 = arith.constant 0 : i32
    %dma_wait3A_192 = arith.constant 0 : i32
    %dma_wait3A_193 = tpu.memref_slice %arg4[%dma_wait3A_191, %dma_wait3A_192] : memref<32768x128xf32, #tpu.memory_space<hbm>> -> memref<32768x128xf32, #tpu.memory_space<hbm>>
    tpu.wait_indirect_dma semaphore(%arg12 : memref<!tpu.dma_semaphore, #tpu.memory_space<semaphore_mem>>) src(%dma_wait3A_193 : memref<32768x128xf32, #tpu.memory_space<hbm>>) dst(%arg11 : memref<128x128xf32, #tpu.memory_space<vmem>>)
    %add3A_194 = arith.constant 256 : i32
    %add3A_195 = arith.addi %mul3A_2, %add3A_194 : i32
    "tpu.region"() ({
      %run_scoped3A = tpu.sem_alloc : memref<!tpu.dma_semaphore, #tpu.memory_space<semaphore_mem>>
      %dma_start3A_241 = arith.constant 0 : i32
      %dma_start3A_242 = tpu.memref_slice %arg9[%add3A_195, %dma_start3A_241] : memref<32768x128xf32, #tpu.memory_space<hbm>> -> memref<128x128xf32, #tpu.memory_space<hbm>>
      %dma_start3A_243 = arith.constant 0 : i32
      %dma_start3A_244 = tpu.memref_slice %arg9[%add3A_195, %dma_start3A_243] : memref<32768x128xf32, #tpu.memory_space<hbm>> -> memref<128x128xf32, #tpu.memory_space<hbm>>
      tpu.enqueue_dma source(%arg11 : memref<128x128xf32, #tpu.memory_space<vmem>>) target(%dma_start3A_244 : memref<128x128xf32, #tpu.memory_space<hbm>>) target_semaphore(%run_scoped3A : memref<!tpu.dma_semaphore, #tpu.memory_space<semaphore_mem>>)
      %dma_wait3A_245 = arith.constant 0 : i32
      %dma_wait3A_246 = tpu.memref_slice %arg9[%add3A_195, %dma_wait3A_245] : memref<32768x128xf32, #tpu.memory_space<hbm>> -> memref<128x128xf32, #tpu.memory_space<hbm>>
      %dma_wait3A_247 = arith.constant 0 : i32
      %dma_wait3A_248 = tpu.memref_slice %arg9[%add3A_195, %dma_wait3A_247] : memref<32768x128xf32, #tpu.memory_space<hbm>> -> memref<128x128xf32, #tpu.memory_space<hbm>>
      tpu.wait_dma2 semaphore(%run_scoped3A : memref<!tpu.dma_semaphore, #tpu.memory_space<semaphore_mem>>) src(%arg11 : memref<128x128xf32, #tpu.memory_space<vmem>>) dst(%dma_wait3A_248 : memref<128x128xf32, #tpu.memory_space<hbm>>)
      tpu.yield
    }) : () -> ()
    %add3A_196 = arith.constant 512 : i32
    %add3A_197 = arith.addi %mul3A_2, %add3A_196 : i32
    "tpu.region"() ({
      %run_scoped3A = tpu.sem_alloc : memref<!tpu.dma_semaphore, #tpu.memory_space<semaphore_mem>>
      %dma_start3A_241 = tpu.memref_slice %arg6[%add3A_197] : memref<32768xi32, #tpu.memory_space<hbm>> -> memref<128xi32, #tpu.memory_space<hbm>>
      %dma_start3A_242 = tpu.memref_slice %arg6[%add3A_197] : memref<32768xi32, #tpu.memory_space<hbm>> -> memref<128xi32, #tpu.memory_space<hbm>>
      tpu.enqueue_dma source(%dma_start3A_242 : memref<128xi32, #tpu.memory_space<hbm>>) target(%arg10 : memref<128xi32, #tpu.memory_space<vmem>>) target_semaphore(%run_scoped3A : memref<!tpu.dma_semaphore, #tpu.memory_space<semaphore_mem>>)
      %dma_wait3A_243 = tpu.memref_slice %arg6[%add3A_197] : memref<32768xi32, #tpu.memory_space<hbm>> -> memref<128xi32, #tpu.memory_space<hbm>>
      %dma_wait3A_244 = tpu.memref_slice %arg6[%add3A_197] : memref<32768xi32, #tpu.memory_space<hbm>> -> memref<128xi32, #tpu.memory_space<hbm>>
      tpu.wait_dma2 semaphore(%run_scoped3A : memref<!tpu.dma_semaphore, #tpu.memory_space<semaphore_mem>>) src(%dma_wait3A_244 : memref<128xi32, #tpu.memory_space<hbm>>) dst(%arg10 : memref<128xi32, #tpu.memory_space<vmem>>)
      tpu.yield
    }) : () -> ()
    %dma_start3A_198 = arith.constant 0 : i32
    %dma_start3A_199 = arith.constant 0 : i32
    %dma_start3A_200 = tpu.memref_slice %arg4[%dma_start3A_198, %dma_start3A_199] : memref<32768x128xf32, #tpu.memory_space<hbm>> -> memref<32768x128xf32, #tpu.memory_space<hbm>>
    tpu.enqueue_indirect_dma source(%dma_start3A_200 : memref<32768x128xf32, #tpu.memory_space<hbm>>) target(%arg11 : memref<128x128xf32, #tpu.memory_space<vmem>>) offsets(%arg10 : memref<128xi32, #tpu.memory_space<vmem>>) semaphore(%arg12 : memref<!tpu.dma_semaphore, #tpu.memory_space<semaphore_mem>>)
    %dma_wait3A_201 = arith.constant 0 : i32
    %dma_wait3A_202 = arith.constant 0 : i32
    %dma_wait3A_203 = tpu.memref_slice %arg4[%dma_wait3A_201, %dma_wait3A_202] : memref<32768x128xf32, #tpu.memory_space<hbm>> -> memref<32768x128xf32, #tpu.memory_space<hbm>>
    tpu.wait_indirect_dma semaphore(%arg15 : memref<!tpu.dma_semaphore, #tpu.memory_space<semaphore_mem>>) src(%dma_wait3A_203 : memref<32768x128xf32, #tpu.memory_space<hbm>>) dst(%arg14 : memref<128x128xf32, #tpu.memory_space<vmem>>)
    %add3A_204 = arith.constant 384 : i32
    %add3A_205 = arith.addi %mul3A_2, %add3A_204 : i32
    "tpu.region"() ({
      %run_scoped3A = tpu.sem_alloc : memref<!tpu.dma_semaphore, #tpu.memory_space<semaphore_mem>>
      %dma_start3A_241 = arith.constant 0 : i32
      %dma_start3A_242 = tpu.memref_slice %arg9[%add3A_205, %dma_start3A_241] : memref<32768x128xf32, #tpu.memory_space<hbm>> -> memref<128x128xf32, #tpu.memory_space<hbm>>
      %dma_start3A_243 = arith.constant 0 : i32
      %dma_start3A_244 = tpu.memref_slice %arg9[%add3A_205, %dma_start3A_243] : memref<32768x128xf32, #tpu.memory_space<hbm>> -> memref<128x128xf32, #tpu.memory_space<hbm>>
      tpu.enqueue_dma source(%arg14 : memref<128x128xf32, #tpu.memory_space<vmem>>) target(%dma_start3A_244 : memref<128x128xf32, #tpu.memory_space<hbm>>) target_semaphore(%run_scoped3A : memref<!tpu.dma_semaphore, #tpu.memory_space<semaphore_mem>>)
      %dma_wait3A_245 = arith.constant 0 : i32
      %dma_wait3A_246 = tpu.memref_slice %arg9[%add3A_205, %dma_wait3A_245] : memref<32768x128xf32, #tpu.memory_space<hbm>> -> memref<128x128xf32, #tpu.memory_space<hbm>>
      %dma_wait3A_247 = arith.constant 0 : i32
      %dma_wait3A_248 = tpu.memref_slice %arg9[%add3A_205, %dma_wait3A_247] : memref<32768x128xf32, #tpu.memory_space<hbm>> -> memref<128x128xf32, #tpu.memory_space<hbm>>
      tpu.wait_dma2 semaphore(%run_scoped3A : memref<!tpu.dma_semaphore, #tpu.memory_space<semaphore_mem>>) src(%arg14 : memref<128x128xf32, #tpu.memory_space<vmem>>) dst(%dma_wait3A_248 : memref<128x128xf32, #tpu.memory_space<hbm>>)
      tpu.yield
    }) : () -> ()
    %add3A_206 = arith.constant 640 : i32
    %add3A_207 = arith.addi %mul3A_2, %add3A_206 : i32
    "tpu.region"() ({
      %run_scoped3A = tpu.sem_alloc : memref<!tpu.dma_semaphore, #tpu.memory_space<semaphore_mem>>
      %dma_start3A_241 = tpu.memref_slice %arg6[%add3A_207] : memref<32768xi32, #tpu.memory_space<hbm>> -> memref<128xi32, #tpu.memory_space<hbm>>
      %dma_start3A_242 = tpu.memref_slice %arg6[%add3A_207] : memref<32768xi32, #tpu.memory_space<hbm>> -> memref<128xi32, #tpu.memory_space<hbm>>
      tpu.enqueue_dma source(%dma_start3A_242 : memref<128xi32, #tpu.memory_space<hbm>>) target(%arg13 : memref<128xi32, #tpu.memory_space<vmem>>) target_semaphore(%run_scoped3A : memref<!tpu.dma_semaphore, #tpu.memory_space<semaphore_mem>>)
      %dma_wait3A_243 = tpu.memref_slice %arg6[%add3A_207] : memref<32768xi32, #tpu.memory_space<hbm>> -> memref<128xi32, #tpu.memory_space<hbm>>
      %dma_wait3A_244 = tpu.memref_slice %arg6[%add3A_207] : memref<32768xi32, #tpu.memory_space<hbm>> -> memref<128xi32, #tpu.memory_space<hbm>>
      tpu.wait_dma2 semaphore(%run_scoped3A : memref<!tpu.dma_semaphore, #tpu.memory_space<semaphore_mem>>) src(%dma_wait3A_244 : memref<128xi32, #tpu.memory_space<hbm>>) dst(%arg13 : memref<128xi32, #tpu.memory_space<vmem>>)
      tpu.yield
    }) : () -> ()
    %dma_start3A_208 = arith.constant 0 : i32
    %dma_start3A_209 = arith.constant 0 : i32
    %dma_start3A_210 = tpu.memref_slice %arg4[%dma_start3A_208, %dma_start3A_209] : memref<32768x128xf32, #tpu.memory_space<hbm>> -> memref<32768x128xf32, #tpu.memory_space<hbm>>
    tpu.enqueue_indirect_dma source(%dma_start3A_210 : memref<32768x128xf32, #tpu.memory_space<hbm>>) target(%arg14 : memref<128x128xf32, #tpu.memory_space<vmem>>) offsets(%arg13 : memref<128xi32, #tpu.memory_space<vmem>>) semaphore(%arg15 : memref<!tpu.dma_semaphore, #tpu.memory_space<semaphore_mem>>)
    %dma_wait3A_211 = arith.constant 0 : i32
    %dma_wait3A_212 = arith.constant 0 : i32
    %dma_wait3A_213 = tpu.memref_slice %arg4[%dma_wait3A_211, %dma_wait3A_212] : memref<32768x128xf32, #tpu.memory_space<hbm>> -> memref<32768x128xf32, #tpu.memory_space<hbm>>
    tpu.wait_indirect_dma semaphore(%arg12 : memref<!tpu.dma_semaphore, #tpu.memory_space<semaphore_mem>>) src(%dma_wait3A_213 : memref<32768x128xf32, #tpu.memory_space<hbm>>) dst(%arg11 : memref<128x128xf32, #tpu.memory_space<vmem>>)
    %add3A_214 = arith.constant 512 : i32
    %add3A_215 = arith.addi %mul3A_2, %add3A_214 : i32
    "tpu.region"() ({
      %run_scoped3A = tpu.sem_alloc : memref<!tpu.dma_semaphore, #tpu.memory_space<semaphore_mem>>
      %dma_start3A_241 = arith.constant 0 : i32
      %dma_start3A_242 = tpu.memref_slice %arg9[%add3A_215, %dma_start3A_241] : memref<32768x128xf32, #tpu.memory_space<hbm>> -> memref<128x128xf32, #tpu.memory_space<hbm>>
      %dma_start3A_243 = arith.constant 0 : i32
      %dma_start3A_244 = tpu.memref_slice %arg9[%add3A_215, %dma_start3A_243] : memref<32768x128xf32, #tpu.memory_space<hbm>> -> memref<128x128xf32, #tpu.memory_space<hbm>>
      tpu.enqueue_dma source(%arg11 : memref<128x128xf32, #tpu.memory_space<vmem>>) target(%dma_start3A_244 : memref<128x128xf32, #tpu.memory_space<hbm>>) target_semaphore(%run_scoped3A : memref<!tpu.dma_semaphore, #tpu.memory_space<semaphore_mem>>)
      %dma_wait3A_245 = arith.constant 0 : i32
      %dma_wait3A_246 = tpu.memref_slice %arg9[%add3A_215, %dma_wait3A_245] : memref<32768x128xf32, #tpu.memory_space<hbm>> -> memref<128x128xf32, #tpu.memory_space<hbm>>
      %dma_wait3A_247 = arith.constant 0 : i32
      %dma_wait3A_248 = tpu.memref_slice %arg9[%add3A_215, %dma_wait3A_247] : memref<32768x128xf32, #tpu.memory_space<hbm>> -> memref<128x128xf32, #tpu.memory_space<hbm>>
      tpu.wait_dma2 semaphore(%run_scoped3A : memref<!tpu.dma_semaphore, #tpu.memory_space<semaphore_mem>>) src(%arg11 : memref<128x128xf32, #tpu.memory_space<vmem>>) dst(%dma_wait3A_248 : memref<128x128xf32, #tpu.memory_space<hbm>>)
      tpu.yield
    }) : () -> ()
    %add3A_216 = arith.constant 768 : i32
    %add3A_217 = arith.addi %mul3A_2, %add3A_216 : i32
    "tpu.region"() ({
      %run_scoped3A = tpu.sem_alloc : memref<!tpu.dma_semaphore, #tpu.memory_space<semaphore_mem>>
      %dma_start3A_241 = tpu.memref_slice %arg6[%add3A_217] : memref<32768xi32, #tpu.memory_space<hbm>> -> memref<128xi32, #tpu.memory_space<hbm>>
      %dma_start3A_242 = tpu.memref_slice %arg6[%add3A_217] : memref<32768xi32, #tpu.memory_space<hbm>> -> memref<128xi32, #tpu.memory_space<hbm>>
      tpu.enqueue_dma source(%dma_start3A_242 : memref<128xi32, #tpu.memory_space<hbm>>) target(%arg10 : memref<128xi32, #tpu.memory_space<vmem>>) target_semaphore(%run_scoped3A : memref<!tpu.dma_semaphore, #tpu.memory_space<semaphore_mem>>)
      %dma_wait3A_243 = tpu.memref_slice %arg6[%add3A_217] : memref<32768xi32, #tpu.memory_space<hbm>> -> memref<128xi32, #tpu.memory_space<hbm>>
      %dma_wait3A_244 = tpu.memref_slice %arg6[%add3A_217] : memref<32768xi32, #tpu.memory_space<hbm>> -> memref<128xi32, #tpu.memory_space<hbm>>
      tpu.wait_dma2 semaphore(%run_scoped3A : memref<!tpu.dma_semaphore, #tpu.memory_space<semaphore_mem>>) src(%dma_wait3A_244 : memref<128xi32, #tpu.memory_space<hbm>>) dst(%arg10 : memref<128xi32, #tpu.memory_space<vmem>>)
      tpu.yield
    }) : () -> ()
    %dma_start3A_218 = arith.constant 0 : i32
    %dma_start3A_219 = arith.constant 0 : i32
    %dma_start3A_220 = tpu.memref_slice %arg4[%dma_start3A_218, %dma_start3A_219] : memref<32768x128xf32, #tpu.memory_space<hbm>> -> memref<32768x128xf32, #tpu.memory_space<hbm>>
    tpu.enqueue_indirect_dma source(%dma_start3A_220 : memref<32768x128xf32, #tpu.memory_space<hbm>>) target(%arg11 : memref<128x128xf32, #tpu.memory_space<vmem>>) offsets(%arg10 : memref<128xi32, #tpu.memory_space<vmem>>) semaphore(%arg12 : memref<!tpu.dma_semaphore, #tpu.memory_space<semaphore_mem>>)
    %dma_wait3A_221 = arith.constant 0 : i32
    %dma_wait3A_222 = arith.constant 0 : i32
    %dma_wait3A_223 = tpu.memref_slice %arg4[%dma_wait3A_221, %dma_wait3A_222] : memref<32768x128xf32, #tpu.memory_space<hbm>> -> memref<32768x128xf32, #tpu.memory_space<hbm>>
    tpu.wait_indirect_dma semaphore(%arg15 : memref<!tpu.dma_semaphore, #tpu.memory_space<semaphore_mem>>) src(%dma_wait3A_223 : memref<32768x128xf32, #tpu.memory_space<hbm>>) dst(%arg14 : memref<128x128xf32, #tpu.memory_space<vmem>>)
    %add3A_224 = arith.constant 640 : i32
    %add3A_225 = arith.addi %mul3A_2, %add3A_224 : i32
    "tpu.region"() ({
      %run_scoped3A = tpu.sem_alloc : memref<!tpu.dma_semaphore, #tpu.memory_space<semaphore_mem>>
      %dma_start3A_241 = arith.constant 0 : i32
      %dma_start3A_242 = tpu.memref_slice %arg9[%add3A_225, %dma_start3A_241] : memref<32768x128xf32, #tpu.memory_space<hbm>> -> memref<128x128xf32, #tpu.memory_space<hbm>>
      %dma_start3A_243 = arith.constant 0 : i32
      %dma_start3A_244 = tpu.memref_slice %arg9[%add3A_225, %dma_start3A_243] : memref<32768x128xf32, #tpu.memory_space<hbm>> -> memref<128x128xf32, #tpu.memory_space<hbm>>
      tpu.enqueue_dma source(%arg14 : memref<128x128xf32, #tpu.memory_space<vmem>>) target(%dma_start3A_244 : memref<128x128xf32, #tpu.memory_space<hbm>>) target_semaphore(%run_scoped3A : memref<!tpu.dma_semaphore, #tpu.memory_space<semaphore_mem>>)
      %dma_wait3A_245 = arith.constant 0 : i32
      %dma_wait3A_246 = tpu.memref_slice %arg9[%add3A_225, %dma_wait3A_245] : memref<32768x128xf32, #tpu.memory_space<hbm>> -> memref<128x128xf32, #tpu.memory_space<hbm>>
      %dma_wait3A_247 = arith.constant 0 : i32
      %dma_wait3A_248 = tpu.memref_slice %arg9[%add3A_225, %dma_wait3A_247] : memref<32768x128xf32, #tpu.memory_space<hbm>> -> memref<128x128xf32, #tpu.memory_space<hbm>>
      tpu.wait_dma2 semaphore(%run_scoped3A : memref<!tpu.dma_semaphore, #tpu.memory_space<semaphore_mem>>) src(%arg14 : memref<128x128xf32, #tpu.memory_space<vmem>>) dst(%dma_wait3A_248 : memref<128x128xf32, #tpu.memory_space<hbm>>)
      tpu.yield
    }) : () -> ()
    %add3A_226 = arith.constant 896 : i32
    %add3A_227 = arith.addi %mul3A_2, %add3A_226 : i32
    "tpu.region"() ({
      %run_scoped3A = tpu.sem_alloc : memref<!tpu.dma_semaphore, #tpu.memory_space<semaphore_mem>>
      %dma_start3A_241 = tpu.memref_slice %arg6[%add3A_227] : memref<32768xi32, #tpu.memory_space<hbm>> -> memref<128xi32, #tpu.memory_space<hbm>>
      %dma_start3A_242 = tpu.memref_slice %arg6[%add3A_227] : memref<32768xi32, #tpu.memory_space<hbm>> -> memref<128xi32, #tpu.memory_space<hbm>>
      tpu.enqueue_dma source(%dma_start3A_242 : memref<128xi32, #tpu.memory_space<hbm>>) target(%arg13 : memref<128xi32, #tpu.memory_space<vmem>>) target_semaphore(%run_scoped3A : memref<!tpu.dma_semaphore, #tpu.memory_space<semaphore_mem>>)
      %dma_wait3A_243 = tpu.memref_slice %arg6[%add3A_227] : memref<32768xi32, #tpu.memory_space<hbm>> -> memref<128xi32, #tpu.memory_space<hbm>>
      %dma_wait3A_244 = tpu.memref_slice %arg6[%add3A_227] : memref<32768xi32, #tpu.memory_space<hbm>> -> memref<128xi32, #tpu.memory_space<hbm>>
      tpu.wait_dma2 semaphore(%run_scoped3A : memref<!tpu.dma_semaphore, #tpu.memory_space<semaphore_mem>>) src(%dma_wait3A_244 : memref<128xi32, #tpu.memory_space<hbm>>) dst(%arg13 : memref<128xi32, #tpu.memory_space<vmem>>)
      tpu.yield
    }) : () -> ()
    %dma_start3A_228 = arith.constant 0 : i32
    %dma_start3A_229 = arith.constant 0 : i32
    %dma_start3A_230 = tpu.memref_slice %arg4[%dma_start3A_228, %dma_start3A_229] : memref<32768x128xf32, #tpu.memory_space<hbm>> -> memref<32768x128xf32, #tpu.memory_space<hbm>>
    tpu.enqueue_indirect_dma source(%dma_start3A_230 : memref<32768x128xf32, #tpu.memory_space<hbm>>) target(%arg14 : memref<128x128xf32, #tpu.memory_space<vmem>>) offsets(%arg13 : memref<128xi32, #tpu.memory_space<vmem>>) semaphore(%arg15 : memref<!tpu.dma_semaphore, #tpu.memory_space<semaphore_mem>>)
    %dma_wait3A_231 = arith.constant 0 : i32
    %dma_wait3A_232 = arith.constant 0 : i32
    %dma_wait3A_233 = tpu.memref_slice %arg4[%dma_wait3A_231, %dma_wait3A_232] : memref<32768x128xf32, #tpu.memory_space<hbm>> -> memref<32768x128xf32, #tpu.memory_space<hbm>>
    tpu.wait_indirect_dma semaphore(%arg12 : memref<!tpu.dma_semaphore, #tpu.memory_space<semaphore_mem>>) src(%dma_wait3A_233 : memref<32768x128xf32, #tpu.memory_space<hbm>>) dst(%arg11 : memref<128x128xf32, #tpu.memory_space<vmem>>)
    %add3A_234 = arith.constant 768 : i32
    %add3A_235 = arith.addi %mul3A_2, %add3A_234 : i32
    "tpu.region"() ({
      %run_scoped3A = tpu.sem_alloc : memref<!tpu.dma_semaphore, #tpu.memory_space<semaphore_mem>>
      %dma_start3A_241 = arith.constant 0 : i32
      %dma_start3A_242 = tpu.memref_slice %arg9[%add3A_235, %dma_start3A_241] : memref<32768x128xf32, #tpu.memory_space<hbm>> -> memref<128x128xf32, #tpu.memory_space<hbm>>
      %dma_start3A_243 = arith.constant 0 : i32
      %dma_start3A_244 = tpu.memref_slice %arg9[%add3A_235, %dma_start3A_243] : memref<32768x128xf32, #tpu.memory_space<hbm>> -> memref<128x128xf32, #tpu.memory_space<hbm>>
      tpu.enqueue_dma source(%arg11 : memref<128x128xf32, #tpu.memory_space<vmem>>) target(%dma_start3A_244 : memref<128x128xf32, #tpu.memory_space<hbm>>) target_semaphore(%run_scoped3A : memref<!tpu.dma_semaphore, #tpu.memory_space<semaphore_mem>>)
      %dma_wait3A_245 = arith.constant 0 : i32
      %dma_wait3A_246 = tpu.memref_slice %arg9[%add3A_235, %dma_wait3A_245] : memref<32768x128xf32, #tpu.memory_space<hbm>> -> memref<128x128xf32, #tpu.memory_space<hbm>>
      %dma_wait3A_247 = arith.constant 0 : i32
      %dma_wait3A_248 = tpu.memref_slice %arg9[%add3A_235, %dma_wait3A_247] : memref<32768x128xf32, #tpu.memory_space<hbm>> -> memref<128x128xf32, #tpu.memory_space<hbm>>
      tpu.wait_dma2 semaphore(%run_scoped3A : memref<!tpu.dma_semaphore, #tpu.memory_space<semaphore_mem>>) src(%arg11 : memref<128x128xf32, #tpu.memory_space<vmem>>) dst(%dma_wait3A_248 : memref<128x128xf32, #tpu.memory_space<hbm>>)
      tpu.yield
    }) : () -> ()
    %dma_wait3A_236 = arith.constant 0 : i32
    %dma_wait3A_237 = arith.constant 0 : i32
    %dma_wait3A_238 = tpu.memref_slice %arg4[%dma_wait3A_236, %dma_wait3A_237] : memref<32768x128xf32, #tpu.memory_space<hbm>> -> memref<32768x128xf32, #tpu.memory_space<hbm>>
    tpu.wait_indirect_dma semaphore(%arg15 : memref<!tpu.dma_semaphore, #tpu.memory_space<semaphore_mem>>) src(%dma_wait3A_238 : memref<32768x128xf32, #tpu.memory_space<hbm>>) dst(%arg14 : memref<128x128xf32, #tpu.memory_space<vmem>>)
    %add3A_239 = arith.constant 896 : i32
    %add3A_240 = arith.addi %mul3A_2, %add3A_239 : i32
    "tpu.region"() ({
      %run_scoped3A = tpu.sem_alloc : memref<!tpu.dma_semaphore, #tpu.memory_space<semaphore_mem>>
      %dma_start3A_241 = arith.constant 0 : i32
      %dma_start3A_242 = tpu.memref_slice %arg9[%add3A_240, %dma_start3A_241] : memref<32768x128xf32, #tpu.memory_space<hbm>> -> memref<128x128xf32, #tpu.memory_space<hbm>>
      %dma_start3A_243 = arith.constant 0 : i32
      %dma_start3A_244 = tpu.memref_slice %arg9[%add3A_240, %dma_start3A_243] : memref<32768x128xf32, #tpu.memory_space<hbm>> -> memref<128x128xf32, #tpu.memory_space<hbm>>
      tpu.enqueue_dma source(%arg14 : memref<128x128xf32, #tpu.memory_space<vmem>>) target(%dma_start3A_244 : memref<128x128xf32, #tpu.memory_space<hbm>>) target_semaphore(%run_scoped3A : memref<!tpu.dma_semaphore, #tpu.memory_space<semaphore_mem>>)
      %dma_wait3A_245 = arith.constant 0 : i32
      %dma_wait3A_246 = tpu.memref_slice %arg9[%add3A_240, %dma_wait3A_245] : memref<32768x128xf32, #tpu.memory_space<hbm>> -> memref<128x128xf32, #tpu.memory_space<hbm>>
      %dma_wait3A_247 = arith.constant 0 : i32
      %dma_wait3A_248 = tpu.memref_slice %arg9[%add3A_240, %dma_wait3A_247] : memref<32768x128xf32, #tpu.memory_space<hbm>> -> memref<128x128xf32, #tpu.memory_space<hbm>>
      tpu.wait_dma2 semaphore(%run_scoped3A : memref<!tpu.dma_semaphore, #tpu.memory_space<semaphore_mem>>) src(%arg14 : memref<128x128xf32, #tpu.memory_space<vmem>>) dst(%dma_wait3A_248 : memref<128x128xf32, #tpu.memory_space<hbm>>)
      tpu.yield
    }) : () -> ()
    return
  }
}

#map = affine_map<(d0, d1) -> (0, 0)>
#map1 = affine_map<(d0, d1) -> (0)>
module attributes {stable_mosaic.version = 14 : i64} {
  func.func @sc_scatter(%arg0: i32, %arg1: i32, %arg2: memref<32768x128xf32, #tpu.memory_space<hbm>>, %arg3: memref<32768xi32, #tpu.memory_space<hbm>>, %arg4: memref<32768x128xf32, #tpu.memory_space<hbm>>, %arg5: memref<128xi32, #tpu.memory_space<vmem>>, %arg6: memref<128x128xf32, #tpu.memory_space<vmem>>, %arg7: memref<!tpu.dma_semaphore, #tpu.memory_space<semaphore_mem>>, %arg8: memref<128xi32, #tpu.memory_space<vmem>>, %arg9: memref<128x128xf32, #tpu.memory_space<vmem>>, %arg10: memref<!tpu.dma_semaphore, #tpu.memory_space<semaphore_mem>>) attributes {dimension_semantics = [#tpu.dimension_semantics<core_parallel>, #tpu.dimension_semantics<subcore_parallel>], iteration_bounds = array<i64: 2, 16>, scalar_prefetch = 0 : i64, scratch_operands = 6 : i64, tpu.core_type = #tpu.core_type<sc_vector_subcore>, window_params = [{transform_indices = #map}, {transform_indices = #map1}, {transform_indices = #map}]} {
    %mul3A = arith.constant 2 : i32
    %mul3A_0 = arith.muli %arg1, %mul3A : i32
    %add3A = arith.addi %mul3A_0, %arg0 : i32
    %mul3A_1 = arith.constant 1024 : i32
    %mul3A_2 = arith.muli %add3A, %mul3A_1 : i32
    %add3A_3 = arith.constant 0 : i32
    %add3A_4 = arith.addi %mul3A_2, %add3A_3 : i32
    "tpu.region"() ({
      %run_scoped3A = tpu.sem_alloc : memref<!tpu.dma_semaphore, #tpu.memory_space<semaphore_mem>>
      %dma_start3A_65 = tpu.memref_slice %arg3[%add3A_4] : memref<32768xi32, #tpu.memory_space<hbm>> -> memref<128xi32, #tpu.memory_space<hbm>>
      %dma_start3A_66 = tpu.memref_slice %arg3[%add3A_4] : memref<32768xi32, #tpu.memory_space<hbm>> -> memref<128xi32, #tpu.memory_space<hbm>>
      tpu.enqueue_dma source(%dma_start3A_66 : memref<128xi32, #tpu.memory_space<hbm>>) target(%arg5 : memref<128xi32, #tpu.memory_space<vmem>>) target_semaphore(%run_scoped3A : memref<!tpu.dma_semaphore, #tpu.memory_space<semaphore_mem>>)
      %dma_wait3A_67 = tpu.memref_slice %arg3[%add3A_4] : memref<32768xi32, #tpu.memory_space<hbm>> -> memref<128xi32, #tpu.memory_space<hbm>>
      %dma_wait3A_68 = tpu.memref_slice %arg3[%add3A_4] : memref<32768xi32, #tpu.memory_space<hbm>> -> memref<128xi32, #tpu.memory_space<hbm>>
      tpu.wait_dma2 semaphore(%run_scoped3A : memref<!tpu.dma_semaphore, #tpu.memory_space<semaphore_mem>>) src(%dma_wait3A_68 : memref<128xi32, #tpu.memory_space<hbm>>) dst(%arg5 : memref<128xi32, #tpu.memory_space<vmem>>)
      tpu.yield
    }) : () -> ()
    "tpu.region"() ({
      %run_scoped3A = tpu.sem_alloc : memref<!tpu.dma_semaphore, #tpu.memory_space<semaphore_mem>>
      %dma_start3A_65 = arith.constant 0 : i32
      %dma_start3A_66 = tpu.memref_slice %arg2[%add3A_4, %dma_start3A_65] : memref<32768x128xf32, #tpu.memory_space<hbm>> -> memref<128x128xf32, #tpu.memory_space<hbm>>
      %dma_start3A_67 = arith.constant 0 : i32
      %dma_start3A_68 = tpu.memref_slice %arg2[%add3A_4, %dma_start3A_67] : memref<32768x128xf32, #tpu.memory_space<hbm>> -> memref<128x128xf32, #tpu.memory_space<hbm>>
      tpu.enqueue_dma source(%dma_start3A_68 : memref<128x128xf32, #tpu.memory_space<hbm>>) target(%arg6 : memref<128x128xf32, #tpu.memory_space<vmem>>) target_semaphore(%run_scoped3A : memref<!tpu.dma_semaphore, #tpu.memory_space<semaphore_mem>>)
      %dma_wait3A_69 = arith.constant 0 : i32
      %dma_wait3A_70 = tpu.memref_slice %arg2[%add3A_4, %dma_wait3A_69] : memref<32768x128xf32, #tpu.memory_space<hbm>> -> memref<128x128xf32, #tpu.memory_space<hbm>>
      %dma_wait3A_71 = arith.constant 0 : i32
      %dma_wait3A_72 = tpu.memref_slice %arg2[%add3A_4, %dma_wait3A_71] : memref<32768x128xf32, #tpu.memory_space<hbm>> -> memref<128x128xf32, #tpu.memory_space<hbm>>
      tpu.wait_dma2 semaphore(%run_scoped3A : memref<!tpu.dma_semaphore, #tpu.memory_space<semaphore_mem>>) src(%dma_wait3A_72 : memref<128x128xf32, #tpu.memory_space<hbm>>) dst(%arg6 : memref<128x128xf32, #tpu.memory_space<vmem>>)
      tpu.yield
    }) : () -> ()
    %dma_start3A = arith.constant 0 : i32
    %dma_start3A_5 = arith.constant 0 : i32
    %dma_start3A_6 = tpu.memref_slice %arg4[%dma_start3A, %dma_start3A_5] : memref<32768x128xf32, #tpu.memory_space<hbm>> -> memref<32768x128xf32, #tpu.memory_space<hbm>>
    tpu.enqueue_indirect_dma source(%arg6 : memref<128x128xf32, #tpu.memory_space<vmem>>) target(%dma_start3A_6 : memref<32768x128xf32, #tpu.memory_space<hbm>>) offsets(%arg5 : memref<128xi32, #tpu.memory_space<vmem>>) semaphore(%arg7 : memref<!tpu.dma_semaphore, #tpu.memory_space<semaphore_mem>>)
    %add3A_7 = arith.constant 128 : i32
    %add3A_8 = arith.addi %mul3A_2, %add3A_7 : i32
    "tpu.region"() ({
      %run_scoped3A = tpu.sem_alloc : memref<!tpu.dma_semaphore, #tpu.memory_space<semaphore_mem>>
      %dma_start3A_65 = tpu.memref_slice %arg3[%add3A_8] : memref<32768xi32, #tpu.memory_space<hbm>> -> memref<128xi32, #tpu.memory_space<hbm>>
      %dma_start3A_66 = tpu.memref_slice %arg3[%add3A_8] : memref<32768xi32, #tpu.memory_space<hbm>> -> memref<128xi32, #tpu.memory_space<hbm>>
      tpu.enqueue_dma source(%dma_start3A_66 : memref<128xi32, #tpu.memory_space<hbm>>) target(%arg8 : memref<128xi32, #tpu.memory_space<vmem>>) target_semaphore(%run_scoped3A : memref<!tpu.dma_semaphore, #tpu.memory_space<semaphore_mem>>)
      %dma_wait3A_67 = tpu.memref_slice %arg3[%add3A_8] : memref<32768xi32, #tpu.memory_space<hbm>> -> memref<128xi32, #tpu.memory_space<hbm>>
      %dma_wait3A_68 = tpu.memref_slice %arg3[%add3A_8] : memref<32768xi32, #tpu.memory_space<hbm>> -> memref<128xi32, #tpu.memory_space<hbm>>
      tpu.wait_dma2 semaphore(%run_scoped3A : memref<!tpu.dma_semaphore, #tpu.memory_space<semaphore_mem>>) src(%dma_wait3A_68 : memref<128xi32, #tpu.memory_space<hbm>>) dst(%arg8 : memref<128xi32, #tpu.memory_space<vmem>>)
      tpu.yield
    }) : () -> ()
    "tpu.region"() ({
      %run_scoped3A = tpu.sem_alloc : memref<!tpu.dma_semaphore, #tpu.memory_space<semaphore_mem>>
      %dma_start3A_65 = arith.constant 0 : i32
      %dma_start3A_66 = tpu.memref_slice %arg2[%add3A_8, %dma_start3A_65] : memref<32768x128xf32, #tpu.memory_space<hbm>> -> memref<128x128xf32, #tpu.memory_space<hbm>>
      %dma_start3A_67 = arith.constant 0 : i32
      %dma_start3A_68 = tpu.memref_slice %arg2[%add3A_8, %dma_start3A_67] : memref<32768x128xf32, #tpu.memory_space<hbm>> -> memref<128x128xf32, #tpu.memory_space<hbm>>
      tpu.enqueue_dma source(%dma_start3A_68 : memref<128x128xf32, #tpu.memory_space<hbm>>) target(%arg9 : memref<128x128xf32, #tpu.memory_space<vmem>>) target_semaphore(%run_scoped3A : memref<!tpu.dma_semaphore, #tpu.memory_space<semaphore_mem>>)
      %dma_wait3A_69 = arith.constant 0 : i32
      %dma_wait3A_70 = tpu.memref_slice %arg2[%add3A_8, %dma_wait3A_69] : memref<32768x128xf32, #tpu.memory_space<hbm>> -> memref<128x128xf32, #tpu.memory_space<hbm>>
      %dma_wait3A_71 = arith.constant 0 : i32
      %dma_wait3A_72 = tpu.memref_slice %arg2[%add3A_8, %dma_wait3A_71] : memref<32768x128xf32, #tpu.memory_space<hbm>> -> memref<128x128xf32, #tpu.memory_space<hbm>>
      tpu.wait_dma2 semaphore(%run_scoped3A : memref<!tpu.dma_semaphore, #tpu.memory_space<semaphore_mem>>) src(%dma_wait3A_72 : memref<128x128xf32, #tpu.memory_space<hbm>>) dst(%arg9 : memref<128x128xf32, #tpu.memory_space<vmem>>)
      tpu.yield
    }) : () -> ()
    %dma_start3A_9 = arith.constant 0 : i32
    %dma_start3A_10 = arith.constant 0 : i32
    %dma_start3A_11 = tpu.memref_slice %arg4[%dma_start3A_9, %dma_start3A_10] : memref<32768x128xf32, #tpu.memory_space<hbm>> -> memref<32768x128xf32, #tpu.memory_space<hbm>>
    tpu.enqueue_indirect_dma source(%arg9 : memref<128x128xf32, #tpu.memory_space<vmem>>) target(%dma_start3A_11 : memref<32768x128xf32, #tpu.memory_space<hbm>>) offsets(%arg8 : memref<128xi32, #tpu.memory_space<vmem>>) semaphore(%arg10 : memref<!tpu.dma_semaphore, #tpu.memory_space<semaphore_mem>>)
    %dma_wait3A = arith.constant 0 : i32
    %dma_wait3A_12 = arith.constant 0 : i32
    %dma_wait3A_13 = tpu.memref_slice %arg4[%dma_wait3A, %dma_wait3A_12] : memref<32768x128xf32, #tpu.memory_space<hbm>> -> memref<32768x128xf32, #tpu.memory_space<hbm>>
    tpu.wait_indirect_dma semaphore(%arg7 : memref<!tpu.dma_semaphore, #tpu.memory_space<semaphore_mem>>) src(%arg6 : memref<128x128xf32, #tpu.memory_space<vmem>>) dst(%dma_wait3A_13 : memref<32768x128xf32, #tpu.memory_space<hbm>>)
    %add3A_14 = arith.constant 256 : i32
    %add3A_15 = arith.addi %mul3A_2, %add3A_14 : i32
    "tpu.region"() ({
      %run_scoped3A = tpu.sem_alloc : memref<!tpu.dma_semaphore, #tpu.memory_space<semaphore_mem>>
      %dma_start3A_65 = tpu.memref_slice %arg3[%add3A_15] : memref<32768xi32, #tpu.memory_space<hbm>> -> memref<128xi32, #tpu.memory_space<hbm>>
      %dma_start3A_66 = tpu.memref_slice %arg3[%add3A_15] : memref<32768xi32, #tpu.memory_space<hbm>> -> memref<128xi32, #tpu.memory_space<hbm>>
      tpu.enqueue_dma source(%dma_start3A_66 : memref<128xi32, #tpu.memory_space<hbm>>) target(%arg5 : memref<128xi32, #tpu.memory_space<vmem>>) target_semaphore(%run_scoped3A : memref<!tpu.dma_semaphore, #tpu.memory_space<semaphore_mem>>)
      %dma_wait3A_67 = tpu.memref_slice %arg3[%add3A_15] : memref<32768xi32, #tpu.memory_space<hbm>> -> memref<128xi32, #tpu.memory_space<hbm>>
      %dma_wait3A_68 = tpu.memref_slice %arg3[%add3A_15] : memref<32768xi32, #tpu.memory_space<hbm>> -> memref<128xi32, #tpu.memory_space<hbm>>
      tpu.wait_dma2 semaphore(%run_scoped3A : memref<!tpu.dma_semaphore, #tpu.memory_space<semaphore_mem>>) src(%dma_wait3A_68 : memref<128xi32, #tpu.memory_space<hbm>>) dst(%arg5 : memref<128xi32, #tpu.memory_space<vmem>>)
      tpu.yield
    }) : () -> ()
    "tpu.region"() ({
      %run_scoped3A = tpu.sem_alloc : memref<!tpu.dma_semaphore, #tpu.memory_space<semaphore_mem>>
      %dma_start3A_65 = arith.constant 0 : i32
      %dma_start3A_66 = tpu.memref_slice %arg2[%add3A_15, %dma_start3A_65] : memref<32768x128xf32, #tpu.memory_space<hbm>> -> memref<128x128xf32, #tpu.memory_space<hbm>>
      %dma_start3A_67 = arith.constant 0 : i32
      %dma_start3A_68 = tpu.memref_slice %arg2[%add3A_15, %dma_start3A_67] : memref<32768x128xf32, #tpu.memory_space<hbm>> -> memref<128x128xf32, #tpu.memory_space<hbm>>
      tpu.enqueue_dma source(%dma_start3A_68 : memref<128x128xf32, #tpu.memory_space<hbm>>) target(%arg6 : memref<128x128xf32, #tpu.memory_space<vmem>>) target_semaphore(%run_scoped3A : memref<!tpu.dma_semaphore, #tpu.memory_space<semaphore_mem>>)
      %dma_wait3A_69 = arith.constant 0 : i32
      %dma_wait3A_70 = tpu.memref_slice %arg2[%add3A_15, %dma_wait3A_69] : memref<32768x128xf32, #tpu.memory_space<hbm>> -> memref<128x128xf32, #tpu.memory_space<hbm>>
      %dma_wait3A_71 = arith.constant 0 : i32
      %dma_wait3A_72 = tpu.memref_slice %arg2[%add3A_15, %dma_wait3A_71] : memref<32768x128xf32, #tpu.memory_space<hbm>> -> memref<128x128xf32, #tpu.memory_space<hbm>>
      tpu.wait_dma2 semaphore(%run_scoped3A : memref<!tpu.dma_semaphore, #tpu.memory_space<semaphore_mem>>) src(%dma_wait3A_72 : memref<128x128xf32, #tpu.memory_space<hbm>>) dst(%arg6 : memref<128x128xf32, #tpu.memory_space<vmem>>)
      tpu.yield
    }) : () -> ()
    %dma_start3A_16 = arith.constant 0 : i32
    %dma_start3A_17 = arith.constant 0 : i32
    %dma_start3A_18 = tpu.memref_slice %arg4[%dma_start3A_16, %dma_start3A_17] : memref<32768x128xf32, #tpu.memory_space<hbm>> -> memref<32768x128xf32, #tpu.memory_space<hbm>>
    tpu.enqueue_indirect_dma source(%arg6 : memref<128x128xf32, #tpu.memory_space<vmem>>) target(%dma_start3A_18 : memref<32768x128xf32, #tpu.memory_space<hbm>>) offsets(%arg5 : memref<128xi32, #tpu.memory_space<vmem>>) semaphore(%arg7 : memref<!tpu.dma_semaphore, #tpu.memory_space<semaphore_mem>>)
    %dma_wait3A_19 = arith.constant 0 : i32
    %dma_wait3A_20 = arith.constant 0 : i32
    %dma_wait3A_21 = tpu.memref_slice %arg4[%dma_wait3A_19, %dma_wait3A_20] : memref<32768x128xf32, #tpu.memory_space<hbm>> -> memref<32768x128xf32, #tpu.memory_space<hbm>>
    tpu.wait_indirect_dma semaphore(%arg10 : memref<!tpu.dma_semaphore, #tpu.memory_space<semaphore_mem>>) src(%arg9 : memref<128x128xf32, #tpu.memory_space<vmem>>) dst(%dma_wait3A_21 : memref<32768x128xf32, #tpu.memory_space<hbm>>)
    %add3A_22 = arith.constant 384 : i32
    %add3A_23 = arith.addi %mul3A_2, %add3A_22 : i32
    "tpu.region"() ({
      %run_scoped3A = tpu.sem_alloc : memref<!tpu.dma_semaphore, #tpu.memory_space<semaphore_mem>>
      %dma_start3A_65 = tpu.memref_slice %arg3[%add3A_23] : memref<32768xi32, #tpu.memory_space<hbm>> -> memref<128xi32, #tpu.memory_space<hbm>>
      %dma_start3A_66 = tpu.memref_slice %arg3[%add3A_23] : memref<32768xi32, #tpu.memory_space<hbm>> -> memref<128xi32, #tpu.memory_space<hbm>>
      tpu.enqueue_dma source(%dma_start3A_66 : memref<128xi32, #tpu.memory_space<hbm>>) target(%arg8 : memref<128xi32, #tpu.memory_space<vmem>>) target_semaphore(%run_scoped3A : memref<!tpu.dma_semaphore, #tpu.memory_space<semaphore_mem>>)
      %dma_wait3A_67 = tpu.memref_slice %arg3[%add3A_23] : memref<32768xi32, #tpu.memory_space<hbm>> -> memref<128xi32, #tpu.memory_space<hbm>>
      %dma_wait3A_68 = tpu.memref_slice %arg3[%add3A_23] : memref<32768xi32, #tpu.memory_space<hbm>> -> memref<128xi32, #tpu.memory_space<hbm>>
      tpu.wait_dma2 semaphore(%run_scoped3A : memref<!tpu.dma_semaphore, #tpu.memory_space<semaphore_mem>>) src(%dma_wait3A_68 : memref<128xi32, #tpu.memory_space<hbm>>) dst(%arg8 : memref<128xi32, #tpu.memory_space<vmem>>)
      tpu.yield
    }) : () -> ()
    "tpu.region"() ({
      %run_scoped3A = tpu.sem_alloc : memref<!tpu.dma_semaphore, #tpu.memory_space<semaphore_mem>>
      %dma_start3A_65 = arith.constant 0 : i32
      %dma_start3A_66 = tpu.memref_slice %arg2[%add3A_23, %dma_start3A_65] : memref<32768x128xf32, #tpu.memory_space<hbm>> -> memref<128x128xf32, #tpu.memory_space<hbm>>
      %dma_start3A_67 = arith.constant 0 : i32
      %dma_start3A_68 = tpu.memref_slice %arg2[%add3A_23, %dma_start3A_67] : memref<32768x128xf32, #tpu.memory_space<hbm>> -> memref<128x128xf32, #tpu.memory_space<hbm>>
      tpu.enqueue_dma source(%dma_start3A_68 : memref<128x128xf32, #tpu.memory_space<hbm>>) target(%arg9 : memref<128x128xf32, #tpu.memory_space<vmem>>) target_semaphore(%run_scoped3A : memref<!tpu.dma_semaphore, #tpu.memory_space<semaphore_mem>>)
      %dma_wait3A_69 = arith.constant 0 : i32
      %dma_wait3A_70 = tpu.memref_slice %arg2[%add3A_23, %dma_wait3A_69] : memref<32768x128xf32, #tpu.memory_space<hbm>> -> memref<128x128xf32, #tpu.memory_space<hbm>>
      %dma_wait3A_71 = arith.constant 0 : i32
      %dma_wait3A_72 = tpu.memref_slice %arg2[%add3A_23, %dma_wait3A_71] : memref<32768x128xf32, #tpu.memory_space<hbm>> -> memref<128x128xf32, #tpu.memory_space<hbm>>
      tpu.wait_dma2 semaphore(%run_scoped3A : memref<!tpu.dma_semaphore, #tpu.memory_space<semaphore_mem>>) src(%dma_wait3A_72 : memref<128x128xf32, #tpu.memory_space<hbm>>) dst(%arg9 : memref<128x128xf32, #tpu.memory_space<vmem>>)
      tpu.yield
    }) : () -> ()
    %dma_start3A_24 = arith.constant 0 : i32
    %dma_start3A_25 = arith.constant 0 : i32
    %dma_start3A_26 = tpu.memref_slice %arg4[%dma_start3A_24, %dma_start3A_25] : memref<32768x128xf32, #tpu.memory_space<hbm>> -> memref<32768x128xf32, #tpu.memory_space<hbm>>
    tpu.enqueue_indirect_dma source(%arg9 : memref<128x128xf32, #tpu.memory_space<vmem>>) target(%dma_start3A_26 : memref<32768x128xf32, #tpu.memory_space<hbm>>) offsets(%arg8 : memref<128xi32, #tpu.memory_space<vmem>>) semaphore(%arg10 : memref<!tpu.dma_semaphore, #tpu.memory_space<semaphore_mem>>)
    %dma_wait3A_27 = arith.constant 0 : i32
    %dma_wait3A_28 = arith.constant 0 : i32
    %dma_wait3A_29 = tpu.memref_slice %arg4[%dma_wait3A_27, %dma_wait3A_28] : memref<32768x128xf32, #tpu.memory_space<hbm>> -> memref<32768x128xf32, #tpu.memory_space<hbm>>
    tpu.wait_indirect_dma semaphore(%arg7 : memref<!tpu.dma_semaphore, #tpu.memory_space<semaphore_mem>>) src(%arg6 : memref<128x128xf32, #tpu.memory_space<vmem>>) dst(%dma_wait3A_29 : memref<32768x128xf32, #tpu.memory_space<hbm>>)
    %add3A_30 = arith.constant 512 : i32
    %add3A_31 = arith.addi %mul3A_2, %add3A_30 : i32
    "tpu.region"() ({
      %run_scoped3A = tpu.sem_alloc : memref<!tpu.dma_semaphore, #tpu.memory_space<semaphore_mem>>
      %dma_start3A_65 = tpu.memref_slice %arg3[%add3A_31] : memref<32768xi32, #tpu.memory_space<hbm>> -> memref<128xi32, #tpu.memory_space<hbm>>
      %dma_start3A_66 = tpu.memref_slice %arg3[%add3A_31] : memref<32768xi32, #tpu.memory_space<hbm>> -> memref<128xi32, #tpu.memory_space<hbm>>
      tpu.enqueue_dma source(%dma_start3A_66 : memref<128xi32, #tpu.memory_space<hbm>>) target(%arg5 : memref<128xi32, #tpu.memory_space<vmem>>) target_semaphore(%run_scoped3A : memref<!tpu.dma_semaphore, #tpu.memory_space<semaphore_mem>>)
      %dma_wait3A_67 = tpu.memref_slice %arg3[%add3A_31] : memref<32768xi32, #tpu.memory_space<hbm>> -> memref<128xi32, #tpu.memory_space<hbm>>
      %dma_wait3A_68 = tpu.memref_slice %arg3[%add3A_31] : memref<32768xi32, #tpu.memory_space<hbm>> -> memref<128xi32, #tpu.memory_space<hbm>>
      tpu.wait_dma2 semaphore(%run_scoped3A : memref<!tpu.dma_semaphore, #tpu.memory_space<semaphore_mem>>) src(%dma_wait3A_68 : memref<128xi32, #tpu.memory_space<hbm>>) dst(%arg5 : memref<128xi32, #tpu.memory_space<vmem>>)
      tpu.yield
    }) : () -> ()
    "tpu.region"() ({
      %run_scoped3A = tpu.sem_alloc : memref<!tpu.dma_semaphore, #tpu.memory_space<semaphore_mem>>
      %dma_start3A_65 = arith.constant 0 : i32
      %dma_start3A_66 = tpu.memref_slice %arg2[%add3A_31, %dma_start3A_65] : memref<32768x128xf32, #tpu.memory_space<hbm>> -> memref<128x128xf32, #tpu.memory_space<hbm>>
      %dma_start3A_67 = arith.constant 0 : i32
      %dma_start3A_68 = tpu.memref_slice %arg2[%add3A_31, %dma_start3A_67] : memref<32768x128xf32, #tpu.memory_space<hbm>> -> memref<128x128xf32, #tpu.memory_space<hbm>>
      tpu.enqueue_dma source(%dma_start3A_68 : memref<128x128xf32, #tpu.memory_space<hbm>>) target(%arg6 : memref<128x128xf32, #tpu.memory_space<vmem>>) target_semaphore(%run_scoped3A : memref<!tpu.dma_semaphore, #tpu.memory_space<semaphore_mem>>)
      %dma_wait3A_69 = arith.constant 0 : i32
      %dma_wait3A_70 = tpu.memref_slice %arg2[%add3A_31, %dma_wait3A_69] : memref<32768x128xf32, #tpu.memory_space<hbm>> -> memref<128x128xf32, #tpu.memory_space<hbm>>
      %dma_wait3A_71 = arith.constant 0 : i32
      %dma_wait3A_72 = tpu.memref_slice %arg2[%add3A_31, %dma_wait3A_71] : memref<32768x128xf32, #tpu.memory_space<hbm>> -> memref<128x128xf32, #tpu.memory_space<hbm>>
      tpu.wait_dma2 semaphore(%run_scoped3A : memref<!tpu.dma_semaphore, #tpu.memory_space<semaphore_mem>>) src(%dma_wait3A_72 : memref<128x128xf32, #tpu.memory_space<hbm>>) dst(%arg6 : memref<128x128xf32, #tpu.memory_space<vmem>>)
      tpu.yield
    }) : () -> ()
    %dma_start3A_32 = arith.constant 0 : i32
    %dma_start3A_33 = arith.constant 0 : i32
    %dma_start3A_34 = tpu.memref_slice %arg4[%dma_start3A_32, %dma_start3A_33] : memref<32768x128xf32, #tpu.memory_space<hbm>> -> memref<32768x128xf32, #tpu.memory_space<hbm>>
    tpu.enqueue_indirect_dma source(%arg6 : memref<128x128xf32, #tpu.memory_space<vmem>>) target(%dma_start3A_34 : memref<32768x128xf32, #tpu.memory_space<hbm>>) offsets(%arg5 : memref<128xi32, #tpu.memory_space<vmem>>) semaphore(%arg7 : memref<!tpu.dma_semaphore, #tpu.memory_space<semaphore_mem>>)
    %dma_wait3A_35 = arith.constant 0 : i32
    %dma_wait3A_36 = arith.constant 0 : i32
    %dma_wait3A_37 = tpu.memref_slice %arg4[%dma_wait3A_35, %dma_wait3A_36] : memref<32768x128xf32, #tpu.memory_space<hbm>> -> memref<32768x128xf32, #tpu.memory_space<hbm>>
    tpu.wait_indirect_dma semaphore(%arg10 : memref<!tpu.dma_semaphore, #tpu.memory_space<semaphore_mem>>) src(%arg9 : memref<128x128xf32, #tpu.memory_space<vmem>>) dst(%dma_wait3A_37 : memref<32768x128xf32, #tpu.memory_space<hbm>>)
    %add3A_38 = arith.constant 640 : i32
    %add3A_39 = arith.addi %mul3A_2, %add3A_38 : i32
    "tpu.region"() ({
      %run_scoped3A = tpu.sem_alloc : memref<!tpu.dma_semaphore, #tpu.memory_space<semaphore_mem>>
      %dma_start3A_65 = tpu.memref_slice %arg3[%add3A_39] : memref<32768xi32, #tpu.memory_space<hbm>> -> memref<128xi32, #tpu.memory_space<hbm>>
      %dma_start3A_66 = tpu.memref_slice %arg3[%add3A_39] : memref<32768xi32, #tpu.memory_space<hbm>> -> memref<128xi32, #tpu.memory_space<hbm>>
      tpu.enqueue_dma source(%dma_start3A_66 : memref<128xi32, #tpu.memory_space<hbm>>) target(%arg8 : memref<128xi32, #tpu.memory_space<vmem>>) target_semaphore(%run_scoped3A : memref<!tpu.dma_semaphore, #tpu.memory_space<semaphore_mem>>)
      %dma_wait3A_67 = tpu.memref_slice %arg3[%add3A_39] : memref<32768xi32, #tpu.memory_space<hbm>> -> memref<128xi32, #tpu.memory_space<hbm>>
      %dma_wait3A_68 = tpu.memref_slice %arg3[%add3A_39] : memref<32768xi32, #tpu.memory_space<hbm>> -> memref<128xi32, #tpu.memory_space<hbm>>
      tpu.wait_dma2 semaphore(%run_scoped3A : memref<!tpu.dma_semaphore, #tpu.memory_space<semaphore_mem>>) src(%dma_wait3A_68 : memref<128xi32, #tpu.memory_space<hbm>>) dst(%arg8 : memref<128xi32, #tpu.memory_space<vmem>>)
      tpu.yield
    }) : () -> ()
    "tpu.region"() ({
      %run_scoped3A = tpu.sem_alloc : memref<!tpu.dma_semaphore, #tpu.memory_space<semaphore_mem>>
      %dma_start3A_65 = arith.constant 0 : i32
      %dma_start3A_66 = tpu.memref_slice %arg2[%add3A_39, %dma_start3A_65] : memref<32768x128xf32, #tpu.memory_space<hbm>> -> memref<128x128xf32, #tpu.memory_space<hbm>>
      %dma_start3A_67 = arith.constant 0 : i32
      %dma_start3A_68 = tpu.memref_slice %arg2[%add3A_39, %dma_start3A_67] : memref<32768x128xf32, #tpu.memory_space<hbm>> -> memref<128x128xf32, #tpu.memory_space<hbm>>
      tpu.enqueue_dma source(%dma_start3A_68 : memref<128x128xf32, #tpu.memory_space<hbm>>) target(%arg9 : memref<128x128xf32, #tpu.memory_space<vmem>>) target_semaphore(%run_scoped3A : memref<!tpu.dma_semaphore, #tpu.memory_space<semaphore_mem>>)
      %dma_wait3A_69 = arith.constant 0 : i32
      %dma_wait3A_70 = tpu.memref_slice %arg2[%add3A_39, %dma_wait3A_69] : memref<32768x128xf32, #tpu.memory_space<hbm>> -> memref<128x128xf32, #tpu.memory_space<hbm>>
      %dma_wait3A_71 = arith.constant 0 : i32
      %dma_wait3A_72 = tpu.memref_slice %arg2[%add3A_39, %dma_wait3A_71] : memref<32768x128xf32, #tpu.memory_space<hbm>> -> memref<128x128xf32, #tpu.memory_space<hbm>>
      tpu.wait_dma2 semaphore(%run_scoped3A : memref<!tpu.dma_semaphore, #tpu.memory_space<semaphore_mem>>) src(%dma_wait3A_72 : memref<128x128xf32, #tpu.memory_space<hbm>>) dst(%arg9 : memref<128x128xf32, #tpu.memory_space<vmem>>)
      tpu.yield
    }) : () -> ()
    %dma_start3A_40 = arith.constant 0 : i32
    %dma_start3A_41 = arith.constant 0 : i32
    %dma_start3A_42 = tpu.memref_slice %arg4[%dma_start3A_40, %dma_start3A_41] : memref<32768x128xf32, #tpu.memory_space<hbm>> -> memref<32768x128xf32, #tpu.memory_space<hbm>>
    tpu.enqueue_indirect_dma source(%arg9 : memref<128x128xf32, #tpu.memory_space<vmem>>) target(%dma_start3A_42 : memref<32768x128xf32, #tpu.memory_space<hbm>>) offsets(%arg8 : memref<128xi32, #tpu.memory_space<vmem>>) semaphore(%arg10 : memref<!tpu.dma_semaphore, #tpu.memory_space<semaphore_mem>>)
    %dma_wait3A_43 = arith.constant 0 : i32
    %dma_wait3A_44 = arith.constant 0 : i32
    %dma_wait3A_45 = tpu.memref_slice %arg4[%dma_wait3A_43, %dma_wait3A_44] : memref<32768x128xf32, #tpu.memory_space<hbm>> -> memref<32768x128xf32, #tpu.memory_space<hbm>>
    tpu.wait_indirect_dma semaphore(%arg7 : memref<!tpu.dma_semaphore, #tpu.memory_space<semaphore_mem>>) src(%arg6 : memref<128x128xf32, #tpu.memory_space<vmem>>) dst(%dma_wait3A_45 : memref<32768x128xf32, #tpu.memory_space<hbm>>)
    %add3A_46 = arith.constant 768 : i32
    %add3A_47 = arith.addi %mul3A_2, %add3A_46 : i32
    "tpu.region"() ({
      %run_scoped3A = tpu.sem_alloc : memref<!tpu.dma_semaphore, #tpu.memory_space<semaphore_mem>>
      %dma_start3A_65 = tpu.memref_slice %arg3[%add3A_47] : memref<32768xi32, #tpu.memory_space<hbm>> -> memref<128xi32, #tpu.memory_space<hbm>>
      %dma_start3A_66 = tpu.memref_slice %arg3[%add3A_47] : memref<32768xi32, #tpu.memory_space<hbm>> -> memref<128xi32, #tpu.memory_space<hbm>>
      tpu.enqueue_dma source(%dma_start3A_66 : memref<128xi32, #tpu.memory_space<hbm>>) target(%arg5 : memref<128xi32, #tpu.memory_space<vmem>>) target_semaphore(%run_scoped3A : memref<!tpu.dma_semaphore, #tpu.memory_space<semaphore_mem>>)
      %dma_wait3A_67 = tpu.memref_slice %arg3[%add3A_47] : memref<32768xi32, #tpu.memory_space<hbm>> -> memref<128xi32, #tpu.memory_space<hbm>>
      %dma_wait3A_68 = tpu.memref_slice %arg3[%add3A_47] : memref<32768xi32, #tpu.memory_space<hbm>> -> memref<128xi32, #tpu.memory_space<hbm>>
      tpu.wait_dma2 semaphore(%run_scoped3A : memref<!tpu.dma_semaphore, #tpu.memory_space<semaphore_mem>>) src(%dma_wait3A_68 : memref<128xi32, #tpu.memory_space<hbm>>) dst(%arg5 : memref<128xi32, #tpu.memory_space<vmem>>)
      tpu.yield
    }) : () -> ()
    "tpu.region"() ({
      %run_scoped3A = tpu.sem_alloc : memref<!tpu.dma_semaphore, #tpu.memory_space<semaphore_mem>>
      %dma_start3A_65 = arith.constant 0 : i32
      %dma_start3A_66 = tpu.memref_slice %arg2[%add3A_47, %dma_start3A_65] : memref<32768x128xf32, #tpu.memory_space<hbm>> -> memref<128x128xf32, #tpu.memory_space<hbm>>
      %dma_start3A_67 = arith.constant 0 : i32
      %dma_start3A_68 = tpu.memref_slice %arg2[%add3A_47, %dma_start3A_67] : memref<32768x128xf32, #tpu.memory_space<hbm>> -> memref<128x128xf32, #tpu.memory_space<hbm>>
      tpu.enqueue_dma source(%dma_start3A_68 : memref<128x128xf32, #tpu.memory_space<hbm>>) target(%arg6 : memref<128x128xf32, #tpu.memory_space<vmem>>) target_semaphore(%run_scoped3A : memref<!tpu.dma_semaphore, #tpu.memory_space<semaphore_mem>>)
      %dma_wait3A_69 = arith.constant 0 : i32
      %dma_wait3A_70 = tpu.memref_slice %arg2[%add3A_47, %dma_wait3A_69] : memref<32768x128xf32, #tpu.memory_space<hbm>> -> memref<128x128xf32, #tpu.memory_space<hbm>>
      %dma_wait3A_71 = arith.constant 0 : i32
      %dma_wait3A_72 = tpu.memref_slice %arg2[%add3A_47, %dma_wait3A_71] : memref<32768x128xf32, #tpu.memory_space<hbm>> -> memref<128x128xf32, #tpu.memory_space<hbm>>
      tpu.wait_dma2 semaphore(%run_scoped3A : memref<!tpu.dma_semaphore, #tpu.memory_space<semaphore_mem>>) src(%dma_wait3A_72 : memref<128x128xf32, #tpu.memory_space<hbm>>) dst(%arg6 : memref<128x128xf32, #tpu.memory_space<vmem>>)
      tpu.yield
    }) : () -> ()
    %dma_start3A_48 = arith.constant 0 : i32
    %dma_start3A_49 = arith.constant 0 : i32
    %dma_start3A_50 = tpu.memref_slice %arg4[%dma_start3A_48, %dma_start3A_49] : memref<32768x128xf32, #tpu.memory_space<hbm>> -> memref<32768x128xf32, #tpu.memory_space<hbm>>
    tpu.enqueue_indirect_dma source(%arg6 : memref<128x128xf32, #tpu.memory_space<vmem>>) target(%dma_start3A_50 : memref<32768x128xf32, #tpu.memory_space<hbm>>) offsets(%arg5 : memref<128xi32, #tpu.memory_space<vmem>>) semaphore(%arg7 : memref<!tpu.dma_semaphore, #tpu.memory_space<semaphore_mem>>)
    %dma_wait3A_51 = arith.constant 0 : i32
    %dma_wait3A_52 = arith.constant 0 : i32
    %dma_wait3A_53 = tpu.memref_slice %arg4[%dma_wait3A_51, %dma_wait3A_52] : memref<32768x128xf32, #tpu.memory_space<hbm>> -> memref<32768x128xf32, #tpu.memory_space<hbm>>
    tpu.wait_indirect_dma semaphore(%arg10 : memref<!tpu.dma_semaphore, #tpu.memory_space<semaphore_mem>>) src(%arg9 : memref<128x128xf32, #tpu.memory_space<vmem>>) dst(%dma_wait3A_53 : memref<32768x128xf32, #tpu.memory_space<hbm>>)
    %add3A_54 = arith.constant 896 : i32
    %add3A_55 = arith.addi %mul3A_2, %add3A_54 : i32
    "tpu.region"() ({
      %run_scoped3A = tpu.sem_alloc : memref<!tpu.dma_semaphore, #tpu.memory_space<semaphore_mem>>
      %dma_start3A_65 = tpu.memref_slice %arg3[%add3A_55] : memref<32768xi32, #tpu.memory_space<hbm>> -> memref<128xi32, #tpu.memory_space<hbm>>
      %dma_start3A_66 = tpu.memref_slice %arg3[%add3A_55] : memref<32768xi32, #tpu.memory_space<hbm>> -> memref<128xi32, #tpu.memory_space<hbm>>
      tpu.enqueue_dma source(%dma_start3A_66 : memref<128xi32, #tpu.memory_space<hbm>>) target(%arg8 : memref<128xi32, #tpu.memory_space<vmem>>) target_semaphore(%run_scoped3A : memref<!tpu.dma_semaphore, #tpu.memory_space<semaphore_mem>>)
      %dma_wait3A_67 = tpu.memref_slice %arg3[%add3A_55] : memref<32768xi32, #tpu.memory_space<hbm>> -> memref<128xi32, #tpu.memory_space<hbm>>
      %dma_wait3A_68 = tpu.memref_slice %arg3[%add3A_55] : memref<32768xi32, #tpu.memory_space<hbm>> -> memref<128xi32, #tpu.memory_space<hbm>>
      tpu.wait_dma2 semaphore(%run_scoped3A : memref<!tpu.dma_semaphore, #tpu.memory_space<semaphore_mem>>) src(%dma_wait3A_68 : memref<128xi32, #tpu.memory_space<hbm>>) dst(%arg8 : memref<128xi32, #tpu.memory_space<vmem>>)
      tpu.yield
    }) : () -> ()
    "tpu.region"() ({
      %run_scoped3A = tpu.sem_alloc : memref<!tpu.dma_semaphore, #tpu.memory_space<semaphore_mem>>
      %dma_start3A_65 = arith.constant 0 : i32
      %dma_start3A_66 = tpu.memref_slice %arg2[%add3A_55, %dma_start3A_65] : memref<32768x128xf32, #tpu.memory_space<hbm>> -> memref<128x128xf32, #tpu.memory_space<hbm>>
      %dma_start3A_67 = arith.constant 0 : i32
      %dma_start3A_68 = tpu.memref_slice %arg2[%add3A_55, %dma_start3A_67] : memref<32768x128xf32, #tpu.memory_space<hbm>> -> memref<128x128xf32, #tpu.memory_space<hbm>>
      tpu.enqueue_dma source(%dma_start3A_68 : memref<128x128xf32, #tpu.memory_space<hbm>>) target(%arg9 : memref<128x128xf32, #tpu.memory_space<vmem>>) target_semaphore(%run_scoped3A : memref<!tpu.dma_semaphore, #tpu.memory_space<semaphore_mem>>)
      %dma_wait3A_69 = arith.constant 0 : i32
      %dma_wait3A_70 = tpu.memref_slice %arg2[%add3A_55, %dma_wait3A_69] : memref<32768x128xf32, #tpu.memory_space<hbm>> -> memref<128x128xf32, #tpu.memory_space<hbm>>
      %dma_wait3A_71 = arith.constant 0 : i32
      %dma_wait3A_72 = tpu.memref_slice %arg2[%add3A_55, %dma_wait3A_71] : memref<32768x128xf32, #tpu.memory_space<hbm>> -> memref<128x128xf32, #tpu.memory_space<hbm>>
      tpu.wait_dma2 semaphore(%run_scoped3A : memref<!tpu.dma_semaphore, #tpu.memory_space<semaphore_mem>>) src(%dma_wait3A_72 : memref<128x128xf32, #tpu.memory_space<hbm>>) dst(%arg9 : memref<128x128xf32, #tpu.memory_space<vmem>>)
      tpu.yield
    }) : () -> ()
    %dma_start3A_56 = arith.constant 0 : i32
    %dma_start3A_57 = arith.constant 0 : i32
    %dma_start3A_58 = tpu.memref_slice %arg4[%dma_start3A_56, %dma_start3A_57] : memref<32768x128xf32, #tpu.memory_space<hbm>> -> memref<32768x128xf32, #tpu.memory_space<hbm>>
    tpu.enqueue_indirect_dma source(%arg9 : memref<128x128xf32, #tpu.memory_space<vmem>>) target(%dma_start3A_58 : memref<32768x128xf32, #tpu.memory_space<hbm>>) offsets(%arg8 : memref<128xi32, #tpu.memory_space<vmem>>) semaphore(%arg10 : memref<!tpu.dma_semaphore, #tpu.memory_space<semaphore_mem>>)
    %dma_wait3A_59 = arith.constant 0 : i32
    %dma_wait3A_60 = arith.constant 0 : i32
    %dma_wait3A_61 = tpu.memref_slice %arg4[%dma_wait3A_59, %dma_wait3A_60] : memref<32768x128xf32, #tpu.memory_space<hbm>> -> memref<32768x128xf32, #tpu.memory_space<hbm>>
    tpu.wait_indirect_dma semaphore(%arg7 : memref<!tpu.dma_semaphore, #tpu.memory_space<semaphore_mem>>) src(%arg6 : memref<128x128xf32, #tpu.memory_space<vmem>>) dst(%dma_wait3A_61 : memref<32768x128xf32, #tpu.memory_space<hbm>>)
    %dma_wait3A_62 = arith.constant 0 : i32
    %dma_wait3A_63 = arith.constant 0 : i32
    %dma_wait3A_64 = tpu.memref_slice %arg4[%dma_wait3A_62, %dma_wait3A_63] : memref<32768x128xf32, #tpu.memory_space<hbm>> -> memref<32768x128xf32, #tpu.memory_space<hbm>>
    tpu.wait_indirect_dma semaphore(%arg10 : memref<!tpu.dma_semaphore, #tpu.memory_space<semaphore_mem>>) src(%arg9 : memref<128x128xf32, #tpu.memory_space<vmem>>) dst(%dma_wait3A_64 : memref<32768x128xf32, #tpu.memory_space<hbm>>)
    return
  }
}

module attributes {stable_mosaic.version = 14 : i64} {
  func.func @_attn_kernel(%arg0: i32, %arg1: i32, %arg2: memref<16x16xi32, #tpu.memory_space<smem>>, %arg3: memref<16x16xi32, #tpu.memory_space<smem>>, %arg4: memref<1x128x128xf32, #tpu.memory_space<vmem>>, %arg5: memref<1x128x16xf32, #tpu.memory_space<vmem>>, %arg6: memref<1x2048x128xf32, #tpu.memory_space<vmem>>, %arg7: memref<1x2048x16xf32, #tpu.memory_space<vmem>>, %arg8: memref<1x2048x128xf32, #tpu.memory_space<vmem>>, %arg9: memref<1x128x128xf32, #tpu.memory_space<vmem>>) attributes {dimension_semantics = [#tpu.dimension_semantics<arbitrary>, #tpu.dimension_semantics<arbitrary>], iteration_bounds = array<i64: 16, 16>, scalar_prefetch = 2 : i64, scratch_operands = 0 : i64, tpu.core_type = #tpu.core_type<tc>, window_params = [{transform_indices = @transform_0, window_bounds = array<i64: 1, 128, 128>}, {transform_indices = @transform_1, window_bounds = array<i64: 1, 128, 16>}, {transform_indices = @transform_2, window_bounds = array<i64: 1, 2048, 128>}, {transform_indices = @transform_3, window_bounds = array<i64: 1, 2048, 16>}, {transform_indices = @transform_4, window_bounds = array<i64: 1, 2048, 128>}, {transform_indices = @transform_5, window_bounds = array<i64: 1, 128, 128>}]} {
    %get3A = arith.index_cast %arg0 : i32 to index
    %get3A_0 = arith.index_cast %arg1 : i32 to index
    %get3A_1 = memref.load %arg2[%get3A, %get3A_0] : memref<16x16xi32, #tpu.memory_space<smem>>
    %get3A_2 = arith.index_cast %arg0 : i32 to index
    %get3A_3 = arith.index_cast %arg1 : i32 to index
    %get3A_4 = memref.load %arg3[%get3A_2, %get3A_3] : memref<16x16xi32, #tpu.memory_space<smem>>
    %get3A_5 = arith.constant 0 : index
    %get3A_6 = arith.constant 0 : index
    %get3A_7 = arith.constant 0 : index
    %get3A_8 = vector.load %arg4[%get3A_5, %get3A_6, %get3A_7] : memref<1x128x128xf32, #tpu.memory_space<vmem>>, vector<1x128x128xf32>
    %get3A_9 = vector.shape_cast %get3A_8 : vector<1x128x128xf32> to vector<128x128xf32>
    %mul3A = arith.constant 0.0883883461 : f32
    %mul3A_10 = vector.broadcast %mul3A : f32 to vector<128x128xf32>
    %mul3A_11 = arith.mulf %get3A_9, %mul3A_10 : vector<128x128xf32>
    %get3A_12 = arith.constant 0 : index
    %get3A_13 = arith.constant 0 : index
    %get3A_14 = arith.constant 0 : index
    %get3A_15 = vector.load %arg5[%get3A_12, %get3A_13, %get3A_14] : memref<1x128x16xf32, #tpu.memory_space<vmem>>, vector<1x128x16xf32>
    %get3A_16 = vector.shape_cast %get3A_15 : vector<1x128x16xf32> to vector<128x16xf32>
    %broadcast_in_dim3A = arith.constant -3.40282347E+38 : f32
    %broadcast_in_dim3A_17 = vector.broadcast %broadcast_in_dim3A : f32 to vector<128x1xf32>
    %broadcast_in_dim3A_18 = arith.constant 0.000000e+00 : f32
    %broadcast_in_dim3A_19 = vector.broadcast %broadcast_in_dim3A_18 : f32 to vector<128x1xf32>
    %broadcast_in_dim3A_20 = arith.constant 0.000000e+00 : f32
    %broadcast_in_dim3A_21 = vector.broadcast %broadcast_in_dim3A_20 : f32 to vector<128x128xf32>
    %while3A = arith.constant 0 : i32
    %while3A_22 = arith.subi %get3A_4, %while3A : i32
    %while3A_23 = arith.addi %while3A, %while3A_22 : i32
    %while3A_24 = arith.constant 1 : i32
    %while3A_25 = arith.divsi %while3A_22, %while3A_24 : i32
    %while3A_26 = arith.muli %while3A_25, %while3A_24 : i32
    %while3A_27 = arith.addi %while3A, %while3A_26 : i32
    %while3A_28 = arith.constant 1 : i32
    %while3A_29:3 = scf.for %while3A_48 = %while3A to %while3A_27 step %while3A_28 iter_args(%while3A_49 = %broadcast_in_dim3A_17, %while3A_50 = %broadcast_in_dim3A_19, %while3A_51 = %broadcast_in_dim3A_21) -> (vector<128x1xf32>, vector<128x1xf32>, vector<128x128xf32>)  : i32 {
      %add3A_52 = arith.addi %get3A_1, %while3A_48 : i32
      %mul3A_53 = arith.constant 128 : i32
      %mul3A_54 = arith.muli %add3A_52, %mul3A_53 : i32
      %get3A_55 = arith.constant 0 : index
      %get3A_56 = arith.index_cast %mul3A_54 : i32 to index
      %get3A_57 = arith.constant 0 : index
      %get3A_58 = vector.load %arg6[%get3A_55, %get3A_56, %get3A_57] : memref<1x2048x128xf32, #tpu.memory_space<vmem>>, vector<1x128x128xf32>
      %get3A_59 = vector.shape_cast %get3A_58 : vector<1x128x128xf32> to vector<128x128xf32>
      %get3A_60 = arith.constant 0 : index
      %get3A_61 = arith.index_cast %mul3A_54 : i32 to index
      %get3A_62 = arith.constant 0 : index
      %get3A_63 = vector.load %arg7[%get3A_60, %get3A_61, %get3A_62] : memref<1x2048x16xf32, #tpu.memory_space<vmem>>, vector<1x128x16xf32>
      %get3A_64 = vector.shape_cast %get3A_63 : vector<1x128x16xf32> to vector<128x16xf32>
      %get3A_65 = arith.constant 0 : index
      %get3A_66 = arith.index_cast %mul3A_54 : i32 to index
      %get3A_67 = arith.constant 0 : index
      %get3A_68 = vector.load %arg8[%get3A_65, %get3A_66, %get3A_67] : memref<1x2048x128xf32, #tpu.memory_space<vmem>>, vector<1x128x128xf32>
      %get3A_69 = vector.shape_cast %get3A_68 : vector<1x128x128xf32> to vector<128x128xf32>
      %transpose3A = tpu.transpose %get3A_64, [1, 0] : vector<128x16xf32> -> vector<16x128xf32>
      %dot_general3A = arith.constant dense<0.000000e+00> : vector<128x128xf32>
      %dot_general3A_70 = tpu.matmul %get3A_16, %transpose3A, %dot_general3A {dimension_numbers = #tpu.dot_dimension_numbers<[1], [0], [0], [1], [0, 0, 1, 1], [], []>, transpose_lhs_hint = false} : vector<128x16xf32>, vector<16x128xf32>, vector<128x128xf32> -> vector<128x128xf32>
      %transpose3A_71 = tpu.transpose %get3A_59, [1, 0] : vector<128x128xf32> -> vector<128x128xf32>
      %dot_general3A_72 = arith.constant dense<0.000000e+00> : vector<128x128xf32>
      %dot_general3A_73 = tpu.matmul %mul3A_11, %transpose3A_71, %dot_general3A_72 {dimension_numbers = #tpu.dot_dimension_numbers<[1], [0], [0], [1], [0, 0, 1, 1], [], []>, transpose_lhs_hint = false} : vector<128x128xf32>, vector<128x128xf32>, vector<128x128xf32> -> vector<128x128xf32>
      %sub3A = arith.constant 1.000000e+00 : f32
      %sub3A_74 = vector.broadcast %sub3A : f32 to vector<128x128xf32>
      %sub3A_75 = arith.subf %dot_general3A_70, %sub3A_74 : vector<128x128xf32>
      %mul3A_76 = arith.constant 3.000000e+04 : f32
      %mul3A_77 = vector.broadcast %mul3A_76 : f32 to vector<128x128xf32>
      %mul3A_78 = arith.mulf %sub3A_75, %mul3A_77 : vector<128x128xf32>
      %add3A_79 = arith.addf %dot_general3A_73, %mul3A_78 : vector<128x128xf32>
      %reduce_max3A = arith.constant dense<0xFF800000> : vector<128xf32>
      %reduce_max3A_80 = vector.multi_reduction <maximumf>, %add3A_79, %reduce_max3A [1] : vector<128x128xf32> to vector<128xf32>
      %broadcast_in_dim3A_81 = vector.shape_cast %reduce_max3A_80 : vector<128xf32> to vector<128x1xf32>
      %max3A = arith.maximumf %while3A_49, %broadcast_in_dim3A_81 : vector<128x1xf32>
      %sub3A_82 = vector.broadcast %max3A : vector<128x1xf32> to vector<128x128xf32>
      %sub3A_83 = arith.subf %add3A_79, %sub3A_82 : vector<128x128xf32>
      %exp3A = math.exp %sub3A_83 : vector<128x128xf32>
      %sub3A_84 = arith.subf %while3A_49, %max3A : vector<128x1xf32>
      %exp3A_85 = math.exp %sub3A_84 : vector<128x1xf32>
      %mul3A_86 = arith.mulf %while3A_50, %exp3A_85 : vector<128x1xf32>
      %reduce_sum3A = arith.constant dense<0.000000e+00> : vector<128xf32>
      %reduce_sum3A_87 = vector.multi_reduction <add>, %exp3A, %reduce_sum3A [1] : vector<128x128xf32> to vector<128xf32>
      %broadcast_in_dim3A_88 = vector.shape_cast %reduce_sum3A_87 : vector<128xf32> to vector<128x1xf32>
      %add3A_89 = arith.addf %mul3A_86, %broadcast_in_dim3A_88 : vector<128x1xf32>
      %mul3A_90 = vector.broadcast %exp3A_85 : vector<128x1xf32> to vector<128x128xf32>
      %mul3A_91 = arith.mulf %while3A_51, %mul3A_90 : vector<128x128xf32>
      %dot_general3A_92 = arith.constant dense<0.000000e+00> : vector<128x128xf32>
      %dot_general3A_93 = tpu.matmul %exp3A, %get3A_69, %dot_general3A_92 {dimension_numbers = #tpu.dot_dimension_numbers<[1], [0], [0], [1], [0, 0, 1, 1], [], []>, transpose_lhs_hint = false} : vector<128x128xf32>, vector<128x128xf32>, vector<128x128xf32> -> vector<128x128xf32>
      %add3A_94 = arith.addf %mul3A_91, %dot_general3A_93 : vector<128x128xf32>
      scf.yield %max3A, %add3A_89, %add3A_94 : vector<128x1xf32>, vector<128x1xf32>, vector<128x128xf32>
    }
    %while3A_30 = arith.constant 1 : i32
    %while3A_31:3 = scf.for %while3A_48 = %while3A_27 to %while3A_23 step %while3A_30 iter_args(%while3A_49 = %while3A_29#0, %while3A_50 = %while3A_29#1, %while3A_51 = %while3A_29#2) -> (vector<128x1xf32>, vector<128x1xf32>, vector<128x128xf32>)  : i32 {
      %add3A_52 = arith.addi %get3A_1, %while3A_48 : i32
      %mul3A_53 = arith.constant 128 : i32
      %mul3A_54 = arith.muli %add3A_52, %mul3A_53 : i32
      %get3A_55 = arith.constant 0 : index
      %get3A_56 = arith.index_cast %mul3A_54 : i32 to index
      %get3A_57 = arith.constant 0 : index
      %get3A_58 = vector.load %arg6[%get3A_55, %get3A_56, %get3A_57] : memref<1x2048x128xf32, #tpu.memory_space<vmem>>, vector<1x128x128xf32>
      %get3A_59 = vector.shape_cast %get3A_58 : vector<1x128x128xf32> to vector<128x128xf32>
      %get3A_60 = arith.constant 0 : index
      %get3A_61 = arith.index_cast %mul3A_54 : i32 to index
      %get3A_62 = arith.constant 0 : index
      %get3A_63 = vector.load %arg7[%get3A_60, %get3A_61, %get3A_62] : memref<1x2048x16xf32, #tpu.memory_space<vmem>>, vector<1x128x16xf32>
      %get3A_64 = vector.shape_cast %get3A_63 : vector<1x128x16xf32> to vector<128x16xf32>
      %get3A_65 = arith.constant 0 : index
      %get3A_66 = arith.index_cast %mul3A_54 : i32 to index
      %get3A_67 = arith.constant 0 : index
      %get3A_68 = vector.load %arg8[%get3A_65, %get3A_66, %get3A_67] : memref<1x2048x128xf32, #tpu.memory_space<vmem>>, vector<1x128x128xf32>
      %get3A_69 = vector.shape_cast %get3A_68 : vector<1x128x128xf32> to vector<128x128xf32>
      %transpose3A = tpu.transpose %get3A_64, [1, 0] : vector<128x16xf32> -> vector<16x128xf32>
      %dot_general3A = arith.constant dense<0.000000e+00> : vector<128x128xf32>
      %dot_general3A_70 = tpu.matmul %get3A_16, %transpose3A, %dot_general3A {dimension_numbers = #tpu.dot_dimension_numbers<[1], [0], [0], [1], [0, 0, 1, 1], [], []>, transpose_lhs_hint = false} : vector<128x16xf32>, vector<16x128xf32>, vector<128x128xf32> -> vector<128x128xf32>
      %transpose3A_71 = tpu.transpose %get3A_59, [1, 0] : vector<128x128xf32> -> vector<128x128xf32>
      %dot_general3A_72 = arith.constant dense<0.000000e+00> : vector<128x128xf32>
      %dot_general3A_73 = tpu.matmul %mul3A_11, %transpose3A_71, %dot_general3A_72 {dimension_numbers = #tpu.dot_dimension_numbers<[1], [0], [0], [1], [0, 0, 1, 1], [], []>, transpose_lhs_hint = false} : vector<128x128xf32>, vector<128x128xf32>, vector<128x128xf32> -> vector<128x128xf32>
      %sub3A = arith.constant 1.000000e+00 : f32
      %sub3A_74 = vector.broadcast %sub3A : f32 to vector<128x128xf32>
      %sub3A_75 = arith.subf %dot_general3A_70, %sub3A_74 : vector<128x128xf32>
      %mul3A_76 = arith.constant 3.000000e+04 : f32
      %mul3A_77 = vector.broadcast %mul3A_76 : f32 to vector<128x128xf32>
      %mul3A_78 = arith.mulf %sub3A_75, %mul3A_77 : vector<128x128xf32>
      %add3A_79 = arith.addf %dot_general3A_73, %mul3A_78 : vector<128x128xf32>
      %reduce_max3A = arith.constant dense<0xFF800000> : vector<128xf32>
      %reduce_max3A_80 = vector.multi_reduction <maximumf>, %add3A_79, %reduce_max3A [1] : vector<128x128xf32> to vector<128xf32>
      %broadcast_in_dim3A_81 = vector.shape_cast %reduce_max3A_80 : vector<128xf32> to vector<128x1xf32>
      %max3A = arith.maximumf %while3A_49, %broadcast_in_dim3A_81 : vector<128x1xf32>
      %sub3A_82 = vector.broadcast %max3A : vector<128x1xf32> to vector<128x128xf32>
      %sub3A_83 = arith.subf %add3A_79, %sub3A_82 : vector<128x128xf32>
      %exp3A = math.exp %sub3A_83 : vector<128x128xf32>
      %sub3A_84 = arith.subf %while3A_49, %max3A : vector<128x1xf32>
      %exp3A_85 = math.exp %sub3A_84 : vector<128x1xf32>
      %mul3A_86 = arith.mulf %while3A_50, %exp3A_85 : vector<128x1xf32>
      %reduce_sum3A = arith.constant dense<0.000000e+00> : vector<128xf32>
      %reduce_sum3A_87 = vector.multi_reduction <add>, %exp3A, %reduce_sum3A [1] : vector<128x128xf32> to vector<128xf32>
      %broadcast_in_dim3A_88 = vector.shape_cast %reduce_sum3A_87 : vector<128xf32> to vector<128x1xf32>
      %add3A_89 = arith.addf %mul3A_86, %broadcast_in_dim3A_88 : vector<128x1xf32>
      %mul3A_90 = vector.broadcast %exp3A_85 : vector<128x1xf32> to vector<128x128xf32>
      %mul3A_91 = arith.mulf %while3A_51, %mul3A_90 : vector<128x128xf32>
      %dot_general3A_92 = arith.constant dense<0.000000e+00> : vector<128x128xf32>
      %dot_general3A_93 = tpu.matmul %exp3A, %get3A_69, %dot_general3A_92 {dimension_numbers = #tpu.dot_dimension_numbers<[1], [0], [0], [1], [0, 0, 1, 1], [], []>, transpose_lhs_hint = false} : vector<128x128xf32>, vector<128x128xf32>, vector<128x128xf32> -> vector<128x128xf32>
      %add3A_94 = arith.addf %mul3A_91, %dot_general3A_93 : vector<128x128xf32>
      scf.yield %max3A, %add3A_89, %add3A_94 : vector<128x1xf32>, vector<128x1xf32>, vector<128x128xf32>
    }
    %gt3A = arith.constant -1.500000e+04 : f32
    %gt3A_32 = vector.broadcast %gt3A : f32 to vector<128x1xf32>
    %gt3A_33 = arith.cmpf ogt, %while3A_31#0, %gt3A_32 : vector<128x1xf32>
    %add3A = arith.constant 9.99999993E-9 : f32
    %add3A_34 = vector.broadcast %add3A : f32 to vector<128x1xf32>
    %add3A_35 = arith.addf %while3A_31#1, %add3A_34 : vector<128x1xf32>
    %mul3A_36 = arith.constant 4.000000e+00 : f32
    %mul3A_37 = vector.broadcast %mul3A_36 : f32 to vector<128x1xf32>
    %mul3A_38 = arith.mulf %add3A_35, %mul3A_37 : vector<128x1xf32>
    %div3A = vector.broadcast %mul3A_38 : vector<128x1xf32> to vector<128x128xf32>
    %div3A_39 = arith.divf %while3A_31#2, %div3A : vector<128x128xf32>
    %jit3A = arith.constant 0.000000e+00 : f32
    %broadcast_in_dim3A_40 = vector.shape_cast %gt3A_33 : vector<128x1xi1> to vector<128x1xi1>
    %broadcast_in_dim3A_41 = vector.broadcast %broadcast_in_dim3A_40 : vector<128x1xi1> to vector<128x128xi1>
    %broadcast_in_dim3A_42 = vector.broadcast %jit3A : f32 to vector<128x128xf32>
    %select_n3A = arith.select %broadcast_in_dim3A_41, %div3A_39, %broadcast_in_dim3A_42 : vector<128x128xi1>, vector<128x128xf32>
    %swap3A = arith.constant 0 : index
    %swap3A_43 = arith.constant 0 : index
    %swap3A_44 = arith.constant 0 : index
    %swap3A_45 = vector.load %arg9[%swap3A, %swap3A_43, %swap3A_44] : memref<1x128x128xf32, #tpu.memory_space<vmem>>, vector<1x128x128xf32>
    %swap3A_46 = vector.shape_cast %swap3A_45 : vector<1x128x128xf32> to vector<128x128xf32>
    %swap3A_47 = vector.shape_cast %select_n3A : vector<128x128xf32> to vector<1x128x128xf32>
    tpu.vector_store %arg9[%swap3A, %swap3A_43, %swap3A_44], %swap3A_47 {strides = array<i32>} : memref<1x128x128xf32, #tpu.memory_space<vmem>>, vector<1x128x128xf32>,
    return
  }
  func.func @transform_0(%arg0: i32, %arg1: i32, %arg2: memref<16x16xi32, #tpu.memory_space<smem>>, %arg3: memref<16x16xi32, #tpu.memory_space<smem>>) -> (i32, i32, i32) {
    %c0_i32 = arith.constant 0 : i32
    %c0_i32_0 = arith.constant 0 : i32
    return %arg0, %arg1, %c0_i32 : i32, i32, i32
  }
  func.func @transform_1(%arg0: i32, %arg1: i32, %arg2: memref<16x16xi32, #tpu.memory_space<smem>>, %arg3: memref<16x16xi32, #tpu.memory_space<smem>>) -> (i32, i32, i32) {
    %c0_i32 = arith.constant 0 : i32
    %c0_i32_0 = arith.constant 0 : i32
    return %arg0, %arg1, %c0_i32 : i32, i32, i32
  }
  func.func @transform_2(%arg0: i32, %arg1: i32, %arg2: memref<16x16xi32, #tpu.memory_space<smem>>, %arg3: memref<16x16xi32, #tpu.memory_space<smem>>) -> (i32, i32, i32) {
    %c0_i32 = arith.constant 0 : i32
    %c0_i32_0 = arith.constant 0 : i32
    %c0_i32_1 = arith.constant 0 : i32
    return %arg0, %c0_i32, %c0_i32_0 : i32, i32, i32
  }
  func.func @transform_3(%arg0: i32, %arg1: i32, %arg2: memref<16x16xi32, #tpu.memory_space<smem>>, %arg3: memref<16x16xi32, #tpu.memory_space<smem>>) -> (i32, i32, i32) {
    %c0_i32 = arith.constant 0 : i32
    %c0_i32_0 = arith.constant 0 : i32
    %c0_i32_1 = arith.constant 0 : i32
    return %arg0, %c0_i32, %c0_i32_0 : i32, i32, i32
  }
  func.func @transform_4(%arg0: i32, %arg1: i32, %arg2: memref<16x16xi32, #tpu.memory_space<smem>>, %arg3: memref<16x16xi32, #tpu.memory_space<smem>>) -> (i32, i32, i32) {
    %c0_i32 = arith.constant 0 : i32
    %c0_i32_0 = arith.constant 0 : i32
    %c0_i32_1 = arith.constant 0 : i32
    return %arg0, %c0_i32, %c0_i32_0 : i32, i32, i32
  }
  func.func @transform_5(%arg0: i32, %arg1: i32, %arg2: memref<16x16xi32, #tpu.memory_space<smem>>, %arg3: memref<16x16xi32, #tpu.memory_space<smem>>) -> (i32, i32, i32) {
    %c0_i32 = arith.constant 0 : i32
    %c0_i32_0 = arith.constant 0 : i32
    return %arg0, %arg1, %c0_i32 : i32, i32, i32
  }
}

</mosaic_0001>

<sc_bundles>
// kernel: gather_offload_async_start.1
scs
__scs_entry_jumppad:
0x0: {  	(pc) =	sbr.rel $0x88, $3  }
0x1: {  	(tag) =	ssettag $0x0;
	lr =	simm.s32 $0x1  }
0x2: {  	[smem:$0x3F9D] =	sst lr;
	_ =	strace $0xD0000000  }
0x3: {  	_ = 	snop  }
0x4: {  	_ = 	snop  }
0x5: {  	_ = 	snop  }
0x6: {  	_ = 	snop  }
0x7: {  	_ = 	snop  }
__scs_overlays_trampoline_lowered:
0x8: {  	[smem:$0x3FAC] =	sst s0  }
0x9: {  	[smem:$0x3FAD] =	sst s1  }
0xa: {  	[smem:$0x3FAE] =	sst s2  }
0xb: {  	[smem:$0x3FAF] =	sst s3  }
0xc: {  	[smem:$0x3FB0] =	sst s4  }
0xd: {  	[smem:$0x3FB1] =	sst s5  }
0xe: {  	[smem:$0x3FB2] =	sst s6  }
0xf: {  	[smem:$0x3FB3] =	sst s7  }
0x10: {  	[smem:$0x3FB4] =	sst s8  }
0x11: {  	[smem:$0x3FB5] =	sst s9;
	s0 =	simm.s32 @!p0 $0x0  }
0x12: {  	s1 =	sld [smem:$0x3F9B];
	s0 =	simm.s32 @p0 $0x1  }
0x13: {  	[smem:$0x3FB6] =	sst s0;
	s0 =	simm.s32 @!p1 $0x0  }
0x14: {  	s2 =	sld [smem:$0x3F9A];
	s0 =	simm.s32 @p1 $0x1  }
0x15: {  	[smem:$0x3FB7] =	sst s0;
	s0 =	simm.s32 @!p2 $0x0  }
0x16: {  	s3 =	sld [smem:$0x3FDB];
	s0 =	simm.s32 @p2 $0x1  }
0x17: {  	s4 =	simm.s32 $0x1BF5;
	[smem:$0x3FB9] =	sst s0  }
0x18: {  	s0 =	sld [smem:$0x3F9C];
	_ =	swait.ge [sflag:s4], $0x0  }
0x19: {  	s7 =	sld [smem:$0x3F9D]  }
0x1a: {  	s8 =	sadd.s32 $0xFFFFE003, lr  }
0x1b: {  	s9 =	sadd.s32 $0xFFFFFEF7, lr;
	s5 =	simm.s32 $0xFFFFFFFF;
	p2 =	slt.u32 s8, $0xFFFFF086  }
0x1c: {  	p1 =	slt.u32 s9, $0xF7A;
	s5 =	simm.s32 @!p2 $0x0  }
0x1d: {  	s5 =	simm.s32 @p1 $0x1;
	p0 =	seq.s32 s7, s2  }
0x1e: {  	s7 =	smul.u32 @!p0 $0xF7A, s2;
	p2 =	seq.s32 @!p0 s5, $0x0  }
0x1f: {  	s9 =	smul.u32 $0xF7A, s1;
	s8 =	simm.s32 @!p0 $0x1BF5;
	p2 =	por !p2, p0  }
0x20: {  	[sflag:s8] =	ssyncset.s32 @!p0 $0xFFFFF086;
	s6 =	sadd.s32 @!p0 s3, s7;
	s7 =	simm.s32 @!p0 $0x108  }
0x21: {  	s3 =	sadd.s32 s3, s9;
	s6 =	sadd.s32 @!p0 $0x88, s6;
	s7 =	simm.s32 @p2 $0x1082  }
0x22: {  	[simem:s7], [sflag:s8] =	dma.local @!p0 [hbm:s6], $0xF7A  }
0x23: {  	s9 =	sor.u32 $0xD0000000, s2;
	s6 =	simm.s32 $0x108;
	_ =	swait.ge @!p0 [sflag:s8], $0x0  }
0x24: {  	s3 =	sadd.s32 $0x88, s3;
	s6 =	simm.s32 @!p1 $0x1082;
	[sflag:s4] =	ssyncset.s32 $0xFFFFF086  }
0x25: {  	[simem:s6], [sflag:s4] =	dma.local [hbm:s3], $0xF7A  }
0x26: {  	[smem:$0x3F9D] =	sst s1;
	(tag) =	ssettag s2;
	_ =	strace s9  }
0x27: {  	s1 =	sld [smem:$0x3FAD]  }
0x28: {  	s2 =	sld [smem:$0x3FAE]  }
0x29: {  	s4 =	sld [smem:$0x3FB0]  }
0x2a: {  	p0 =	seq.s32 s5, $0x0;
	s5 =	sld [smem:$0x3FB1]  }
0x2b: {  	s6 =	sld [smem:$0x3FB2]  }
0x2c: {  	s7 =	sld [smem:$0x3FB3]  }
0x2d: {  	s3 =	simm.s32 $0x108;
	s8 =	sld [smem:$0x3FB4]  }
0x2e: {  	s3 =	simm.s32 @!p0 $0x1082;
	s9 =	sld [smem:$0x3FB5]  }
0x2f: {  	lr =	sadd.s32 s0, s3;
	s0 =	sld [smem:$0x3FAC]  }
0x30: {  	s3 =	sld [smem:$0x3FAF]  }
0x31: {  	[smem:$0x3FB8] =	sst s10  }
0x32: {  	s10 =	sld [smem:$0x3FB6];
	_ =	sdelay $0x3  }
0x33: {  	p0 =	seq.s32 s10, $0x1;
	s10 =	sld [smem:$0x3FB8];
	_ =	sdelay $0x3  }
0x34: {  	[smem:$0x3FB8] =	sst s10  }
0x35: {  	s10 =	sld [smem:$0x3FB7];
	_ =	sdelay $0x3  }
0x36: {  	p1 =	seq.s32 s10, $0x1;
	s10 =	sld [smem:$0x3FB8];
	_ =	sdelay $0x3  }
0x37: {  	[smem:$0x3FB8] =	sst s10  }
0x38: {  	s10 =	sld [smem:$0x3FB9]  }
0x39: {  	_ = 	snop;
	(pc) =	sbr.ind lr, $3  }
0x3a: {  	_ = 	snop  }
0x3b: {  	_ = 	snop  }
0x3c: {  	p2 =	seq.s32 s10, $0x1;
	s10 =	sld [smem:$0x3FB8]  }
0x3d: {  	_ =	shalt  }
0x3e: {  	_ =	shalt  }
0x3f: {  	_ =	shalt  }
0x40: {  	_ =	shalt  }
0x41: {  	_ =	shalt  }
0x42: {  	_ =	shalt  }
0x43: {  	_ =	shalt  }
0x44: {  	_ =	shalt  }
0x45: {  	_ =	shalt  }
0x46: {  	_ =	shalt  }
0x47: {  	_ =	shalt  }
0x48: {  	_ =	shalt  }
0x49: {  	_ =	shalt  }
0x4a: {  	_ =	shalt  }
0x4b: {  	_ =	shalt  }
0x4c: {  	_ =	shalt  }
0x4d: {  	_ =	shalt  }
0x4e: {  	_ =	shalt  }
0x4f: {  	_ =	shalt  }
0x50: {  	_ =	shalt  }
0x51: {  	_ =	shalt  }
0x52: {  	_ =	shalt  }
0x53: {  	_ =	shalt  }
0x54: {  	_ =	shalt  }
0x55: {  	_ =	shalt  }
0x56: {  	_ =	shalt  }
0x57: {  	_ =	shalt  }
0x58: {  	_ =	shalt  }
0x59: {  	_ =	shalt  }
0x5a: {  	_ =	shalt  }
0x5b: {  	_ =	shalt  }
0x5c: {  	_ =	shalt  }
0x5d: {  	_ =	shalt  }
0x5e: {  	_ =	shalt  }
0x5f: {  	_ =	shalt  }
0x60: {  	_ =	shalt  }
0x61: {  	_ =	shalt  }
0x62: {  	_ =	shalt  }
0x63: {  	_ =	shalt  }
0x64: {  	_ =	shalt  }
0x65: {  	_ =	shalt  }
0x66: {  	_ =	shalt  }
0x67: {  	_ =	shalt  }
0x68: {  	_ =	shalt  }
0x69: {  	_ =	shalt  }
0x6a: {  	_ =	shalt  }
0x6b: {  	_ =	shalt  }
0x6c: {  	_ =	shalt  }
0x6d: {  	_ =	shalt  }
0x6e: {  	_ =	shalt  }
0x6f: {  	_ =	shalt  }
0x70: {  	_ =	shalt  }
0x71: {  	_ =	shalt  }
0x72: {  	_ =	shalt  }
0x73: {  	_ =	shalt  }
0x74: {  	_ =	shalt  }
0x75: {  	_ =	shalt  }
0x76: {  	_ =	shalt  }
0x77: {  	_ =	shalt  }
0x78: {  	_ =	shalt  }
0x79: {  	_ =	shalt  }
0x7a: {  	_ =	shalt  }
0x7b: {  	_ =	shalt  }
0x7c: {  	_ =	shalt  }
0x7d: {  	_ =	shalt  }
0x7e: {  	_ =	shalt  }
0x7f: {  	_ =	shalt  }
0x80: {  	_ =	shalt  }
0x81: {  	_ =	shalt  }
0x82: {  	_ =	shalt  }
0x83: {  	_ =	shalt  }
0x84: {  	_ =	shalt  }
0x85: {  	_ =	shalt  }
0x86: {  	_ =	shalt  }
0x87: {  	_ =	shalt  }
.Lfunc_end0:
.L_simem_size_0:
called_computation.1_lowered:
.L_overlay_start_0:
0x88: {  	s2 =	sld [smem:$0x3FD9]  }
0x89: {  	s3 =	sld [smem:$0x3FFE];
	_ =	sdelay $0x1  }
0x8a: {  	s1 =	srdreg.scid  }
0x8b: {  	s0 =	sand.u32 $0x1, s1  }
0x8c: {  	s17 =	sshll.u32 s0, $0xA;
	s2 =	sadd.s32 s3, s2  }
0x8d: {  	s2 =	sadd.s32 s2, s17  }
0x8e: {  	[smem:$0x3FC4] =	sst s2  }
0x8f: {  	_ = 	snop  }
0x90: {  	s18 =	sld [smem:$0x3FD0];
	(tm) =	ssettm $0x1  }
0x91: {  	s19 =	sld [smem:$0x3FFB];
	_ =	sdelay $0x3  }
0x92: {  	_ =	strace s19  }
0x93: {  	s2 =	sld [smem:$0x3FFC];
	_ =	sdelay $0x3  }
0x94: {  	_ =	strace s2  }
0x95: {  	s2 =	sld [smem:$0x3FFD];
	_ =	sdelay $0x3  }
0x96: {  	_ =	strace s2  }
0x97: {  	_ =	strace $0x8FFFFFFF  }
0x98: {  	s20 =	sld [smem:$0x3FDB];
	_ =	sdelay $0x1  }
0x99: {  	s4 =	simm.s32 $_scs_section_size  }
0x9a: {  	s5 =	simm.s32 $_size__tile_overlayer_lowered;
	s6 =	simm.s32 $_tile_overlayer_lowered  }
0x9b: {  	s7 =	simm.s32 $0x1BFF;
	s21 =	sshll.u32 s6, $0x1;
	s4 =	sadd.s32 s4, s20  }
0x9c: {  	s22 =	simm.s32 $0x0;
	s5 =	sshll.u32 s5, $0x1;
	s6 =	sadd.s32 s21, s4  }
0x9d: {  	[timem:s22], [sflag:s7] =	dma.local [hbm:s6], s5  }
0x9e: {  	_ =	swait.ge [sflag:s7], s5  }
0x9f: {  	s5 =	ssub.s32 $0x0, s5;
	[sflag:s7] =	ssyncset.done $0x0  }
0xa0: {  	[sflag:s7] =	ssyncadd.s32 s5;
	_ =	sdelay $0x1  }
0xa1: {  	s23 =	simm.s32 $0x1B8B  }
0xa2: {  	_ =	swait.ge [sflag:s23], $0x1  }
0xa3: {  	[sflag:s23] =	ssyncset.done $0x0  }
0xa4: {  	[sflag:s23] =	ssyncadd.s32 $0xFFFFFFFF  }
0xa5: {  	s5 =	sld [smem:$0x0]  }
0xa6: {  	s6 =	sand.u32 $0xFFFFFFFE, s1  }
0xa7: {  	p0 =	sne.s32 s1, s6  }
0xa8: {  	s6 =	sshll.u32 @p0 s6, $0xE  }
0xa9: {  	s6 =	sadd.s32 @p0 $0x11B8D, s6;
	s7 =	sshll.u32 @p0 s5, $0x11  }
0xaa: {  	s6 =	sor.u32 @p0 s7, s6  }
0xab: {  	[sflag:s6] =	ssyncadd.remote.s32 @p0 $0x1;
	_ =	sdelay $0x1  }
0xac: {  	s6 =	simm.s32 @p0 $0x1B8D  }
0xad: {  	_ =	swait.eq @p0 [sflag:s6], $0x1  }
0xae: {  	[sflag:s6] =	ssyncadd.s32 @p0 $0xFFFFFFFF  }
0xaf: {  	s7 =	sshll.u32 @!p0 s1, $0xE  }
0xb0: {  	s7 =	sor.u32 @!p0 $0x4000, s7;
	s6 =	simm.s32 @!p0 $0x1B8D  }
0xb1: {  	s5 =	sshll.u32 @!p0 s5, $0x11;
	s7 =	sadd.s32 @!p0 $0x11B8D, s7;
	_ =	swait.eq @!p0 [sflag:s6], $0x1  }
0xb2: {  	s5 =	sor.u32 @!p0 s5, s7;
	[sflag:s6] =	ssyncadd.s32 @!p0 $0xFFFFFFFF  }
0xb3: {  	s25 =	simm.s32 $0x1B8E;
	s24 =	sld [smem:$0x3FFE];
	[sflag:s5] =	ssyncadd.remote.s32 @!p0 $0x1  }
0xb4: {  	s26 =	simm.s32 $execute0_lowered;
	[smem:$0x3FD2] =	sst s25  }
0xb5: {  	s6 =	sshll.u32 s26, $0x1;
	_ =	strace $0x80000049;
	[dreg:$0x1] =	wrdreg $0xFFFFFFFF  }
0xb6: {  	s28 =	simm.s32 $_size_execute0_lowered;
	s4 =	sadd.s32 s4, s6;
	[dreg:$0x0] =	wrdreg $0x0  }
0xb7: {  	s6 =	sshll.u32 s28, $0x1;
	[dreg:$0x2] =	wrdreg s4  }
0xb8: {  	[dreg:$0x3] =	wrdreg s6  }
0xb9: {  	[dreg:$0x4] =	wrdreg $0xC0  }
0xba: {  	_ =	task [dreg:s22], $0x5FFFF  }
0xbb: {  	[dreg:$0x1] =	wrdreg $0xFFFFFFFF  }
0xbc: {  	[dreg:$0x0] =	wrdreg $0x60  }
0xbd: {  	[dreg:$0x2] =	wrdreg s18  }
0xbe: {  	[dreg:$0x3] =	wrdreg s24  }
0xbf: {  	[dreg:$0x4] =	wrdreg $0xA  }
0xc0: {  	_ =	task.clear_ibuf [dreg:s22], $0x5FFFF;
	_ =	strace $0x90000049  }
0xc1: {  	s29 =	simm.s32 $0xA;
	_ =	strace $0x8000004B  }
0xc2: {  	_ =	swait.ge [sflag:s29], $0x1  }
0xc3: {  	[sflag:s29] =	ssyncadd.s32 $0xFFFFFFFF  }
0xc4: {  	_ =	strace $0x9000004B  }
0xc5: {  	_ =	sfence  }
0xc6: {  	s30 =	sld [smem:$0x0];
	_ =	sdelay $0x2  }
0xc7: {  	s31 =	sshll.u32 s1, $0xD;
	s1 =	sshrl.u32 s1, $0x2  }
0xc8: {  	s4 =	sand.u32 $0x4000, s31;
	s1 =	sadd.s32 s1, s30  }
0xc9: {  	s0 =	sor.u32 s4, s0;
	s1 =	sshll.u32 s1, $0x11  }
0xca: {  	s0 =	sor.u32 s1, s0  }
0xcb: {  	s0 =	sadd.s32 $0x8F2B, s0  }
0xcc: {  	[sflag:s0] =	ssyncadd.remote.s32 $0x1  }
0xcd: {  	_ =	sfence.sel $0xFFFF  }
0xce: {  	[dreg:$0x0] =	wrdreg $0xFFFFFFFF;
	(pc) =	sbr.abs _section_cstart, $3  }
0xcf: {  	[dreg:$0x1] =	wrdreg $0xFFFFFFFF  }
0xd0: {  	_ =	task.clear_ibuf [dreg:s22], $0x2FFFF;
	_ =	strace $0x9FFFFFFF  }
0xd1: {  	(tm) =	ssettm $0x7FFFFFFF  }
tec
execute0_lowered:
.L_overlay_start_1:
0x0: {  	(tag) =	ssettag $0x1  }
0x1: {  	s1 =	srdreg.scid;
	s2 =	rddreg [dreg:$0x0]  }
0x2: {  	s0 =	stileid.u32;
	s5 =	rddreg [dreg:$0x1];
	s6 =	simm.s32 $0x1  }
0x3: {  	s9 =	simm.s32 $0x1;
	s10 =	simm.s32 $0x3;
	s1 =	sshll.u32 s1, $0x9  }
0x4: {  	s13 =	simm.s32 $0x0;
	s3 =	sshll.u32 s0, $0xA;
	s4 =	sand.u32 $0x200, s1  }
0x5: {  	s12 =	simm.s32 $0x0;
	s1 =	rddreg [dreg:$0x2];
	s3 =	sor.u32 s3, s4  }
0x6: {  	_ =	strace $0x8000004A;
	s4 =	sadd.s32 $0x2800, s5;
	s8 =	ssub.s32 $0x8000, s3  }
.Ltmp0:
0x7: {  	s5 =	sadd.s32 $0x6800, s5;
	s7 =	sand.u32 $0x3E00, s8;
	(pc) =	sbr.rel .LBB2_1-.Ltmp0, $4  }
0x8: {  	[sflag:s6] =	ssyncpa.u1 $0x0;
	s11 =	smov.u32 s3;
	p0 =	sne.s32 s7, $0x0  }
0x9: {  	s8 =	sshrl.u32 s8, $0xE;
	s7 =	simm.s32 $0x2;
	s9 =	simm.s32 @!p0 $0x0  }
0xa: {  	[sflag:s7] =	ssyncpa.u1 $0x0;
	p0 =	por $0x0, $0x0;
	s8 =	sadd.s32 s9, s8  }
0xb: {  	vm0 =	vmmov $0xffff;
	[sflag:s10] =	ssyncpa.u1 $0x0;
	s10 =	simm.s32 $0x0;
	s9 =	sadd.s32 $0x1, s8  }
.LBB2_4:
0xc: {  	vm1 =	veq.s32 v0, $0x80000000;
	v63 =	vand.u32 $0xF, v0;
	v2 =	vand.u32 $0x7FF, v2  }
0xd: {  	v0 =	vsel vm1, $0xFFFFFFFF, v63;
	v2 =	vsel vm1, $0xFFFFFFFF, v2  }
0xe: {  	v3 =	vshll.u32 v0, $0xB;
	v4 =	vshll.u32 v2, $0x3  }
0xf: {  	v0 =	vshll.u32 v0, $0x7;
	v3 =	vand.u32 $0xFFFFC000, v3;
	v4 =	vand.u32 $0xFFFFFC00, v4  }
0x10: {  	v0 =	vand.u32 $0x380, v0;
	v3 =	vadd.s32 v3, v4  }
0x11: {  	v2 =	vand.u32 $0x7F, v2;
	v0 =	vor.u32 v0, v3  }
0x12: {  	v0 =	vor.u32 v2, v0;
	_ =	sdelay $0x1  }
0x13: {  	(ifvalue) =	ssetifvalue $0x7FFFFFFF;
	s14 =	sadd.s32 $0x10, s14  }
0x14: {  	[tilespmem:s14], [sflag:$0x1] =	stream.indirect_vreg.gather [hbm4b:s2+s10], $0x1, v1, vm0, $0x4038;
	[tilespmem:$0x800] =	vst v63  }
0x15: {  	(ifvalue) =	ssetifvalue $0x7FFFFFFF;
	s14 =	sadd.s32 $0x10, s14  }
0x16: {  	[tilespmem:s14], [sflag:$0x1] =	stream.indirect_vreg.gather [hbm4b:s2+s10], $0x1, v0, vm0, $0x4038;
	[tilespmem:$0x800] =	vst v63  }
0x17: {  	_ =	swait.ge [sflag:s6], $0x200  }
0x18: {  	s30 =	sshrl.u32 s13, $0x3;
	[sflag:s6] =	ssyncset.done $0x0  }
0x19: {  	s31 =	sand.u32 $0x7, s13;
	s14 =	sadd.s32 s5, s30;
	[sflag:s6] =	ssyncadd.s32 $0xFFFFFE00  }
0x1a: {  	[hbm4b:s14+s31] =	stream.linear.scatter [tilespmem:s15], [sflag:$0x3], $0x200, $0x38;
	[tilespmem:$0x800] =	vst v63  }
.LBB2_5:
0x1b: {  	s15 =	sadd.s32 $0x4000, s11  }
0x1c: {  	p2 =	sgt.s32 s15, $0x7FFF  }
0x1d: {  	s15 =	smov.u32 @p2 s3;
	p2 =	sne.s32 s12, s9  }
.Ltmp1:
0x1e: {  	p1 =	slt.u32 s12, $0x2;
	(pc) =	sbr.rel @!p2 .LBB2_6-.Ltmp1, $4  }
0x1f: {  	s14 =	simm.s32 @!p1 $0x3  }
0x20: {  	s16 =	sadd.s32 $0x1, s12;
	_ =	swait.ge @!p1 [sflag:s14], $0x200  }
0x21: {  	s13 =	smov.u32 s11;
	p0 =	por !p0, !p0;
	[sflag:s14] =	ssyncset.done @!p1 $0x0  }
0x22: {  	s12 =	smov.u32 s16;
	s11 =	smov.u32 s15;
	[sflag:s14] =	ssyncadd.s32 @!p1 $0xFFFFFE00  }
.LBB2_1:
0x23: {  	p1 =	sge.u32 s12, s8  }
0x24: {  	s14 =	sxor.u32 @!p1 $0xFFFFFFFF, s12  }
0x25: {  	s31 =	sadd.s32 $0xFFFFFFFF, s12;
	s15 =	sshrl.u32 @!p1 s11, $0x3;
	s14 =	sshll.u32 @!p1 s14, $0x9  }
0x26: {  	s16 =	sand.u32 @!p1 $0x7, s11;
	s15 =	sadd.s32 @!p1 s4, s15;
	s14 =	sand.u32 @!p1 $0x200, s14  }
0x27: {  	[tilespmem:s14], [sflag:$0x2] =	stream.linear.gather @!p1 [hbm4b:s15+s16], $0x200, $0x38;
	[tilespmem:$0x800] =	vst v63  }
0x28: {  	p1 =	sge.u32 s31, s8  }
.Ltmp2:
0x29: {  	_ = 	snop;
	(pc) =	sbr.rel @p1 .LBB2_5-.Ltmp2, $1  }
0x2a: {  	_ =	sdelay $0x3  }
0x2b: {  	s14 =	simm.s32 $0x1  }
0x2c: {  	_ =	swait.ge [sflag:s7], $0x200;
	s14 =	simm.s32 @!p0 $0x0  }
0x2d: {  	[sflag:s7] =	ssyncset.done $0x0;
	s14 =	sshll.u32 s14, $0x9  }
0x2e: {  	[sflag:s7] =	ssyncadd.s32 $0xFFFFFE00;
	(ifvalue) =	ssetifvalue $0x7FFFFFFF;
	v0 =	vld.msk [tilespmem:s14+$0x0 ss:$0x1], $0xffff;
	_ =	sdelay $0x3  }
0x2f: {  	s15 =	sadd.s32 $0x10, s14  }
0x30: {  	v2 =	vld.msk [tilespmem:s15+$0x0 ss:$0x1], $0xffff;
	v1 =	vshrl.u32 v0, $0x4  }
0x31: {  	vm1 =	veq.s32 v0, $0x80000000;
	v0 =	vand.u32 $0xF, v0;
	v1 =	vand.u32 $0x7FF, v1  }
0x32: {  	v0 =	vsel vm1, $0xFFFFFFFF, v0;
	v1 =	vsel vm1, $0xFFFFFFFF, v1  }
0x33: {  	v3 =	vshll.u32 v0, $0xB;
	v4 =	vshll.u32 v1, $0x3  }
0x34: {  	v0 =	vshll.u32 v0, $0x7;
	v3 =	vand.u32 $0xFFFFC000, v3;
	v4 =	vand.u32 $0xFFFFFC00, v4  }
0x35: {  	vm1 =	veq.s32 v2, $0x80000000;
	v0 =	vand.u32 $0x380, v0;
	v3 =	vadd.s32 v3, v4  }
0x36: {  	v1 =	vand.u32 $0x7F, v1;
	v0 =	vor.u32 v0, v3;
	v3 =	vshrl.u32 v2, $0x4  }
0x37: {  	s17 =	sadd.s32 $0x10, s15;
	v2 =	vand.u32 $0xF, v2;
	v1 =	vor.u32 v1, v0;
	v3 =	vand.u32 $0x7FF, v3  }
0x38: {  	v0 =	vld.msk [tilespmem:s17+$0x0 ss:$0x1], $0xffff;
	v2 =	vsel vm1, $0xFFFFFFFF, v2;
	v3 =	vsel vm1, $0xFFFFFFFF, v3  }
0x39: {  	v63 =	vshll.u32 v2, $0xB;
	v5 =	vshll.u32 v3, $0x3  }
0x3a: {  	s31 =	sshll.u32 s12, $0x9;
	v2 =	vshll.u32 v2, $0x7;
	v4 =	vand.u32 $0xFFFFC000, v63;
	v5 =	vand.u32 $0xFFFFFC00, v5  }
0x3b: {  	s14 =	sor.u32 $0x400, s14;
	s15 =	sand.u32 $0x200, s31;
	(ifvalue) =	ssetifvalue $0x7FFFFFFF;
	v2 =	vand.u32 $0x380, v2;
	v4 =	vadd.s32 v4, v5  }
0x3c: {  	[tilespmem:s14], [sflag:$0x1] =	stream.indirect_vreg.gather [hbm4b:s2+s10], $0x1, v1, vm0, $0x4038;
	v1 =	vand.u32 $0x7F, v3;
	v3 =	vor.u32 v2, v4;
	[tilespmem:$0x800] =	vst v63  }
0x3d: {  	s16 =	simm.s32 $0x20;
	s15 =	sor.u32 $0x400, s15;
	s17 =	sadd.s32 $0x10, s17;
	v2 =	vshrl.u32 v0, $0x4;
	v1 =	vor.u32 v1, v3  }
.LBB2_3:
0x3e: {  	s16 =	sadd.s32 $0x10, s16;
	vm1 =	veq.s32 v0, $0x80000000;
	v3 =	vand.u32 $0xF, v0;
	v0 =	vld.msk [tilespmem:s17+$0x0 ss:$0x1], $0xffff;
	v2 =	vand.u32 $0x7FF, v2  }
0x3f: {  	p1 =	slt.u32 s16, $0x1F0;
	v3 =	vsel vm1, $0xFFFFFFFF, v3;
	v2 =	vsel vm1, $0xFFFFFFFF, v2  }
.Ltmp3:
0x40: {  	v4 =	vshll.u32 v3, $0xB;
	v5 =	vshll.u32 v2, $0x3;
	(pc) =	sbr.rel @p1 .LBB2_3-.Ltmp3, $4  }
0x41: {  	s14 =	sadd.s32 $0x10, s14;
	v3 =	vshll.u32 v3, $0x7;
	v4 =	vand.u32 $0xFFFFC000, v4;
	v5 =	vand.u32 $0xFFFFFC00, v5;
	(ifvalue) =	ssetifvalue $0x7FFFFFFF  }
0x42: {  	v3 =	vand.u32 $0x380, v3;
	v4 =	vadd.s32 v4, v5;
	[tilespmem:s14], [sflag:$0x1] =	stream.indirect_vreg.gather [hbm4b:s2+s10], $0x1, v1, vm0, $0x4038;
	[tilespmem:$0x800] =	vst v63  }
0x43: {  	v1 =	vand.u32 $0x7F, v2;
	v3 =	vor.u32 v3, v4  }
0x44: {  	s17 =	sadd.s32 $0x10, s17;
	v2 =	vshrl.u32 v0, $0x4;
	v1 =	vor.u32 v1, v3  }
.Ltmp4:
0x45: {  	_ = 	snop;
	(pc) =	sbr.rel .LBB2_4-.Ltmp4, $1  }
0x46: {  	_ =	sdelay $0x3  }
.LBB2_6:
0x47: {  	_ =	sfence.sel $0x180000  }
0x48: {  	s2 =	simm.s32 $0x2;
	[bflag:$0x0] =	sbarrier.arrive $0xFFFF  }
0x49: {  	s30 =	simm.s32 $0x3;
	[sflag:s2] =	ssyncpa.u1 $0x1  }
0x4a: {  	s31 =	simm.s32 $0x1;
	[sflag:s30] =	ssyncpa.u1 $0x1  }
0x4b: {  	[sflag:s31] =	ssyncpa.u1 $0x1  }
0x4c: {  	p0 =	sne.s32 s0, $0x0;
	_ =	strace $0x9000004A  }
0x4d: {  	s0 =	sadd.s32 @!p0 $0x100000, s1;
	[bflag:$0x2] =	sbarrier.arrive $0xFFFF  }
0x4e: {  	[sflag:s0] =	ssyncadd.tile.s32 @!p0 $0x1;
	_ =	shalt  }
.Lfunc_end2:
_tile_overlayer_lowered:
.L_overlay_start_2:
0x4f: {  	(tag) =	ssettag $0x2  }
0x50: {  	s0 =	rddreg [dreg:$0x0];
	s2 =	stileid.u32  }
0x51: {  	s1 =	rddreg [dreg:$0x1];
	p0 =	sne.s32 s2, $0x0  }
0x52: {  	s3 =	rddreg [dreg:$0x2];
	[bflag:$0x3] =	sbarrier.arrive $0xFFFF;
	s2 =	simm.s32 @!p0 $0x1C01  }
0x53: {  	[timem:s3], [sflag:s2] =	dma.local @!p0 [hbm:s0], s1  }
0x54: {  	s0 =	simm.s32 @!p0 $0x1  }
0x55: {  	_ =	swait.ge @!p0 [sflag:s0], s1  }
0x56: {  	s1 =	ssub.s32 @!p0 $0x0, s1;
	[sflag:s0] =	ssyncset.done @!p0 $0x0  }
0x57: {  	[sflag:s0] =	ssyncadd.s32 @!p0 s1  }
0x58: {  	[bflag:$0x3] =	sbarrier.arrive $0xFFFF  }
0x59: {  	_ =	shalt  }

// kernel: gather_offload_async_start
scs
__scs_entry_jumppad:
0x0: {  	(pc) =	sbr.rel $0x88, $3  }
0x1: {  	(tag) =	ssettag $0x0;
	lr =	simm.s32 $0x1  }
0x2: {  	[smem:$0x3F9D] =	sst lr;
	_ =	strace $0xD0000000  }
0x3: {  	_ = 	snop  }
0x4: {  	_ = 	snop  }
0x5: {  	_ = 	snop  }
0x6: {  	_ = 	snop  }
0x7: {  	_ = 	snop  }
__scs_overlays_trampoline_lowered:
0x8: {  	[smem:$0x3FAC] =	sst s0  }
0x9: {  	[smem:$0x3FAD] =	sst s1  }
0xa: {  	[smem:$0x3FAE] =	sst s2  }
0xb: {  	[smem:$0x3FAF] =	sst s3  }
0xc: {  	[smem:$0x3FB0] =	sst s4  }
0xd: {  	[smem:$0x3FB1] =	sst s5  }
0xe: {  	[smem:$0x3FB2] =	sst s6  }
0xf: {  	[smem:$0x3FB3] =	sst s7  }
0x10: {  	[smem:$0x3FB4] =	sst s8  }
0x11: {  	[smem:$0x3FB5] =	sst s9;
	s0 =	simm.s32 @!p0 $0x0  }
0x12: {  	s1 =	sld [smem:$0x3F9B];
	s0 =	simm.s32 @p0 $0x1  }
0x13: {  	[smem:$0x3FB6] =	sst s0;
	s0 =	simm.s32 @!p1 $0x0  }
0x14: {  	s2 =	sld [smem:$0x3F9A];
	s0 =	simm.s32 @p1 $0x1  }
0x15: {  	[smem:$0x3FB7] =	sst s0;
	s0 =	simm.s32 @!p2 $0x0  }
0x16: {  	s3 =	sld [smem:$0x3FDB];
	s0 =	simm.s32 @p2 $0x1  }
0x17: {  	s4 =	simm.s32 $0x1BF5;
	[smem:$0x3FB9] =	sst s0  }
0x18: {  	s0 =	sld [smem:$0x3F9C];
	_ =	swait.ge [sflag:s4], $0x0  }
0x19: {  	s7 =	sld [smem:$0x3F9D]  }
0x1a: {  	s8 =	sadd.s32 $0xFFFFE003, lr  }
0x1b: {  	s9 =	sadd.s32 $0xFFFFFEF7, lr;
	s5 =	simm.s32 $0xFFFFFFFF;
	p2 =	slt.u32 s8, $0xFFFFF086  }
0x1c: {  	p1 =	slt.u32 s9, $0xF7A;
	s5 =	simm.s32 @!p2 $0x0  }
0x1d: {  	s5 =	simm.s32 @p1 $0x1;
	p0 =	seq.s32 s7, s2  }
0x1e: {  	s7 =	smul.u32 @!p0 $0xF7A, s2;
	p2 =	seq.s32 @!p0 s5, $0x0  }
0x1f: {  	s9 =	smul.u32 $0xF7A, s1;
	s8 =	simm.s32 @!p0 $0x1BF5;
	p2 =	por !p2, p0  }
0x20: {  	[sflag:s8] =	ssyncset.s32 @!p0 $0xFFFFF086;
	s6 =	sadd.s32 @!p0 s3, s7;
	s7 =	simm.s32 @!p0 $0x108  }
0x21: {  	s3 =	sadd.s32 s3, s9;
	s6 =	sadd.s32 @!p0 $0x88, s6;
	s7 =	simm.s32 @p2 $0x1082  }
0x22: {  	[simem:s7], [sflag:s8] =	dma.local @!p0 [hbm:s6], $0xF7A  }
0x23: {  	s9 =	sor.u32 $0xD0000000, s2;
	s6 =	simm.s32 $0x108;
	_ =	swait.ge @!p0 [sflag:s8], $0x0  }
0x24: {  	s3 =	sadd.s32 $0x88, s3;
	s6 =	simm.s32 @!p1 $0x1082;
	[sflag:s4] =	ssyncset.s32 $0xFFFFF086  }
0x25: {  	[simem:s6], [sflag:s4] =	dma.local [hbm:s3], $0xF7A  }
0x26: {  	[smem:$0x3F9D] =	sst s1;
	(tag) =	ssettag s2;
	_ =	strace s9  }
0x27: {  	s1 =	sld [smem:$0x3FAD]  }
0x28: {  	s2 =	sld [smem:$0x3FAE]  }
0x29: {  	s4 =	sld [smem:$0x3FB0]  }
0x2a: {  	p0 =	seq.s32 s5, $0x0;
	s5 =	sld [smem:$0x3FB1]  }
0x2b: {  	s6 =	sld [smem:$0x3FB2]  }
0x2c: {  	s7 =	sld [smem:$0x3FB3]  }
0x2d: {  	s3 =	simm.s32 $0x108;
	s8 =	sld [smem:$0x3FB4]  }
0x2e: {  	s3 =	simm.s32 @!p0 $0x1082;
	s9 =	sld [smem:$0x3FB5]  }
0x2f: {  	lr =	sadd.s32 s0, s3;
	s0 =	sld [smem:$0x3FAC]  }
0x30: {  	s3 =	sld [smem:$0x3FAF]  }
0x31: {  	[smem:$0x3FB8] =	sst s10  }
0x32: {  	s10 =	sld [smem:$0x3FB6];
	_ =	sdelay $0x3  }
0x33: {  	p0 =	seq.s32 s10, $0x1;
	s10 =	sld [smem:$0x3FB8];
	_ =	sdelay $0x3  }
0x34: {  	[smem:$0x3FB8] =	sst s10  }
0x35: {  	s10 =	sld [smem:$0x3FB7];
	_ =	sdelay $0x3  }
0x36: {  	p1 =	seq.s32 s10, $0x1;
	s10 =	sld [smem:$0x3FB8];
	_ =	sdelay $0x3  }
0x37: {  	[smem:$0x3FB8] =	sst s10  }
0x38: {  	s10 =	sld [smem:$0x3FB9]  }
0x39: {  	_ = 	snop;
	(pc) =	sbr.ind lr, $3  }
0x3a: {  	_ = 	snop  }
0x3b: {  	_ = 	snop  }
0x3c: {  	p2 =	seq.s32 s10, $0x1;
	s10 =	sld [smem:$0x3FB8]  }
0x3d: {  	_ =	shalt  }
0x3e: {  	_ =	shalt  }
0x3f: {  	_ =	shalt  }
0x40: {  	_ =	shalt  }
0x41: {  	_ =	shalt  }
0x42: {  	_ =	shalt  }
0x43: {  	_ =	shalt  }
0x44: {  	_ =	shalt  }
0x45: {  	_ =	shalt  }
0x46: {  	_ =	shalt  }
0x47: {  	_ =	shalt  }
0x48: {  	_ =	shalt  }
0x49: {  	_ =	shalt  }
0x4a: {  	_ =	shalt  }
0x4b: {  	_ =	shalt  }
0x4c: {  	_ =	shalt  }
0x4d: {  	_ =	shalt  }
0x4e: {  	_ =	shalt  }
0x4f: {  	_ =	shalt  }
0x50: {  	_ =	shalt  }
0x51: {  	_ =	shalt  }
0x52: {  	_ =	shalt  }
0x53: {  	_ =	shalt  }
0x54: {  	_ =	shalt  }
0x55: {  	_ =	shalt  }
0x56: {  	_ =	shalt  }
0x57: {  	_ =	shalt  }
0x58: {  	_ =	shalt  }
0x59: {  	_ =	shalt  }
0x5a: {  	_ =	shalt  }
0x5b: {  	_ =	shalt  }
0x5c: {  	_ =	shalt  }
0x5d: {  	_ =	shalt  }
0x5e: {  	_ =	shalt  }
0x5f: {  	_ =	shalt  }
0x60: {  	_ =	shalt  }
0x61: {  	_ =	shalt  }
0x62: {  	_ =	shalt  }
0x63: {  	_ =	shalt  }
0x64: {  	_ =	shalt  }
0x65: {  	_ =	shalt  }
0x66: {  	_ =	shalt  }
0x67: {  	_ =	shalt  }
0x68: {  	_ =	shalt  }
0x69: {  	_ =	shalt  }
0x6a: {  	_ =	shalt  }
0x6b: {  	_ =	shalt  }
0x6c: {  	_ =	shalt  }
0x6d: {  	_ =	shalt  }
0x6e: {  	_ =	shalt  }
0x6f: {  	_ =	shalt  }
0x70: {  	_ =	shalt  }
0x71: {  	_ =	shalt  }
0x72: {  	_ =	shalt  }
0x73: {  	_ =	shalt  }
0x74: {  	_ =	shalt  }
0x75: {  	_ =	shalt  }
0x76: {  	_ =	shalt  }
0x77: {  	_ =	shalt  }
0x78: {  	_ =	shalt  }
0x79: {  	_ =	shalt  }
0x7a: {  	_ =	shalt  }
0x7b: {  	_ =	shalt  }
0x7c: {  	_ =	shalt  }
0x7d: {  	_ =	shalt  }
0x7e: {  	_ =	shalt  }
0x7f: {  	_ =	shalt  }
0x80: {  	_ =	shalt  }
0x81: {  	_ =	shalt  }
0x82: {  	_ =	shalt  }
0x83: {  	_ =	shalt  }
0x84: {  	_ =	shalt  }
0x85: {  	_ =	shalt  }
0x86: {  	_ =	shalt  }
0x87: {  	_ =	shalt  }
.Lfunc_end0:
.L_simem_size_0:
called_computation_lowered:
.L_overlay_start_0:
0x88: {  	s2 =	sld [smem:$0x3FD9]  }
0x89: {  	s3 =	sld [smem:$0x3FFE];
	_ =	sdelay $0x1  }
0x8a: {  	s1 =	srdreg.scid  }
0x8b: {  	s0 =	sand.u32 $0x1, s1  }
0x8c: {  	s16 =	sshll.u32 s0, $0xA;
	s2 =	sadd.s32 s3, s2  }
0x8d: {  	s2 =	sadd.s32 s2, s16  }
0x8e: {  	[smem:$0x3FC4] =	sst s2  }
0x8f: {  	_ = 	snop  }
0x90: {  	(tm) =	ssettm $0x1  }
0x91: {  	s17 =	sld [smem:$0x3FFB];
	_ =	sdelay $0x3  }
0x92: {  	_ =	strace s17  }
0x93: {  	s2 =	sld [smem:$0x3FFC];
	_ =	sdelay $0x3  }
0x94: {  	_ =	strace s2  }
0x95: {  	s2 =	sld [smem:$0x3FFD];
	_ =	sdelay $0x3  }
0x96: {  	_ =	strace s2  }
0x97: {  	_ =	strace $0x8FFFFFFF  }
0x98: {  	s18 =	sld [smem:$0x3FDB];
	_ =	sdelay $0x1  }
0x99: {  	s19 =	simm.s32 $_scs_section_size  }
0x9a: {  	s4 =	simm.s32 $_size__tile_overlayer_lowered;
	s5 =	simm.s32 $_tile_overlayer_lowered  }
0x9b: {  	s22 =	simm.s32 $0x1BFF;
	s21 =	sshll.u32 s5, $0x1;
	s2 =	sadd.s32 s19, s18  }
0x9c: {  	s6 =	simm.s32 $0x0;
	s20 =	sshll.u32 s4, $0x1;
	s4 =	sadd.s32 s21, s2  }
0x9d: {  	[timem:s6], [sflag:s22] =	dma.local [hbm:s4], s20  }
0x9e: {  	_ =	swait.ge [sflag:s22], s20  }
0x9f: {  	s3 =	ssub.s32 $0x0, s20;
	[sflag:s22] =	ssyncset.done $0x0  }
0xa0: {  	[sflag:s22] =	ssyncadd.s32 s3;
	_ =	sdelay $0x1  }
0xa1: {  	s23 =	simm.s32 $0x1B8B  }
0xa2: {  	_ =	swait.ge [sflag:s23], $0x1  }
0xa3: {  	[sflag:s23] =	ssyncset.done $0x0  }
0xa4: {  	s25 =	simm.s32 $0x1B8E;
	s24 =	sld [smem:$0x3FFE];
	[sflag:s23] =	ssyncadd.s32 $0xFFFFFFFF  }
0xa5: {  	s26 =	simm.s32 $execute0_lowered;
	[smem:$0x3FD2] =	sst s25  }
0xa6: {  	s4 =	sshll.u32 s26, $0x1;
	_ =	strace $0x80000046;
	[dreg:$0x1] =	wrdreg $0xFFFFFFFF  }
0xa7: {  	s28 =	simm.s32 $_size_execute0_lowered;
	s2 =	sadd.s32 s2, s4;
	[dreg:$0x0] =	wrdreg $0x0  }
0xa8: {  	s4 =	sshll.u32 s28, $0x1;
	[dreg:$0x2] =	wrdreg s2  }
0xa9: {  	[dreg:$0x3] =	wrdreg s4  }
0xaa: {  	[dreg:$0x4] =	wrdreg $0xC0  }
0xab: {  	_ =	task [dreg:s6], $0x5FFFF  }
0xac: {  	[dreg:$0x1] =	wrdreg $0xFFFFFFFF  }
0xad: {  	[dreg:$0x0] =	wrdreg $0x60  }
0xae: {  	[dreg:$0x2] =	wrdreg s24  }
0xaf: {  	[dreg:$0x3] =	wrdreg $0x9  }
0xb0: {  	_ =	task.clear_ibuf [dreg:s6], $0x4FFFF;
	_ =	strace $0x90000046  }
0xb1: {  	s29 =	simm.s32 $0x9;
	_ =	strace $0x80000048  }
0xb2: {  	_ =	swait.ge [sflag:s29], $0x1  }
0xb3: {  	[sflag:s29] =	ssyncadd.s32 $0xFFFFFFFF  }
0xb4: {  	_ =	strace $0x90000048  }
0xb5: {  	_ =	sfence  }
0xb6: {  	s30 =	sld [smem:$0x0];
	_ =	sdelay $0x2  }
0xb7: {  	s31 =	sshll.u32 s1, $0xD;
	s1 =	sshrl.u32 s1, $0x2  }
0xb8: {  	s3 =	sand.u32 $0x4000, s31;
	s1 =	sadd.s32 s1, s30  }
0xb9: {  	s0 =	sor.u32 s3, s0;
	s1 =	sshll.u32 s1, $0x11  }
0xba: {  	s0 =	sor.u32 s1, s0  }
0xbb: {  	s0 =	sadd.s32 $0x8F2B, s0  }
0xbc: {  	[sflag:s0] =	ssyncadd.remote.s32 $0x1  }
0xbd: {  	_ =	sfence.sel $0xFFFF  }
0xbe: {  	[dreg:$0x0] =	wrdreg $0xFFFFFFFF;
	(pc) =	sbr.abs _section_cstart, $3  }
0xbf: {  	[dreg:$0x1] =	wrdreg $0xFFFFFFFF  }
0xc0: {  	_ =	task.clear_ibuf [dreg:s6], $0x2FFFF;
	_ =	strace $0x9FFFFFFF  }
0xc1: {  	(tm) =	ssettm $0x7FFFFFFF  }
tec
execute0_lowered:
.L_overlay_start_1:
0x0: {  	(tag) =	ssettag $0x1  }
0x1: {  	s0 =	srdreg.scid;
	s5 =	rddreg [dreg:$0x0]  }
0x2: {  	s1 =	stileid.u32;
	s6 =	simm.s32 $0x1;
	s9 =	simm.s32 $0x1  }
0x3: {  	s10 =	simm.s32 $0x3;
	s13 =	simm.s32 $0x0;
	s2 =	sshll.u32 s0, $0x9  }
0x4: {  	s12 =	simm.s32 $0x0;
	s3 =	sshll.u32 s1, $0xA;
	s2 =	sand.u32 $0x200, s2  }
0x5: {  	s0 =	rddreg [dreg:$0x1];
	_ =	strace $0x80000047;
	s2 =	sor.u32 s3, s2  }
0x6: {  	s4 =	sadd.s32 $0x4800, s5;
	[sflag:s6] =	ssyncpa.u1 $0x0;
	s8 =	ssub.s32 $0x8000, s2  }
.Ltmp0:
0x7: {  	s3 =	sadd.s32 $0x800, s5;
	s7 =	sand.u32 $0x3E00, s8;
	(pc) =	sbr.rel .LBB2_1-.Ltmp0, $4  }
0x8: {  	s5 =	sadd.s32 $0x5800, s5;
	s11 =	smov.u32 s2;
	p0 =	sne.s32 s7, $0x0  }
0x9: {  	s8 =	sshrl.u32 s8, $0xE;
	s7 =	simm.s32 $0x2;
	s9 =	simm.s32 @!p0 $0x0  }
0xa: {  	[sflag:s7] =	ssyncpa.u1 $0x0;
	p0 =	por $0x0, $0x0;
	s8 =	sadd.s32 s9, s8  }
0xb: {  	vm0 =	vmmov $0xffff;
	[sflag:s10] =	ssyncpa.u1 $0x0;
	s10 =	simm.s32 $0x0;
	s9 =	sadd.s32 $0x1, s8  }
.LBB2_4:
0xc: {  	vm1 =	veq.s32 v0, $0x80000000;
	v63 =	vand.u32 $0xF, v0;
	v2 =	vand.u32 $0x7FF, v2  }
0xd: {  	v0 =	vsel vm1, $0xFFFFFFFF, v63;
	v2 =	vsel vm1, $0xFFFFFFFF, v2  }
0xe: {  	v3 =	vshll.u32 v0, $0xB;
	v4 =	vshll.u32 v2, $0x3  }
0xf: {  	v0 =	vshll.u32 v0, $0x7;
	v3 =	vand.u32 $0xFFFFC000, v3;
	v4 =	vand.u32 $0xFFFFFC00, v4  }
0x10: {  	v0 =	vand.u32 $0x380, v0;
	v3 =	vadd.s32 v3, v4  }
0x11: {  	v2 =	vand.u32 $0x7F, v2;
	v0 =	vor.u32 v0, v3  }
0x12: {  	v0 =	vor.u32 v2, v0;
	_ =	sdelay $0x1  }
0x13: {  	(ifvalue) =	ssetifvalue $0x7FFFFFFF;
	s14 =	sadd.s32 $0x10, s14  }
0x14: {  	[tilespmem:s14], [sflag:$0x1] =	stream.indirect_vreg.gather [hbm4b:s3+s10], $0x1, v1, vm0, $0x4038;
	[tilespmem:$0x800] =	vst v63  }
0x15: {  	(ifvalue) =	ssetifvalue $0x7FFFFFFF;
	s14 =	sadd.s32 $0x10, s14  }
0x16: {  	[tilespmem:s14], [sflag:$0x1] =	stream.indirect_vreg.gather [hbm4b:s3+s10], $0x1, v0, vm0, $0x4038;
	[tilespmem:$0x800] =	vst v63  }
0x17: {  	_ =	swait.ge [sflag:s6], $0x200  }
0x18: {  	s30 =	sshrl.u32 s13, $0x3;
	[sflag:s6] =	ssyncset.done $0x0  }
0x19: {  	s31 =	sand.u32 $0x7, s13;
	s14 =	sadd.s32 s5, s30;
	[sflag:s6] =	ssyncadd.s32 $0xFFFFFE00  }
0x1a: {  	[hbm4b:s14+s31] =	stream.linear.scatter [tilespmem:s15], [sflag:$0x3], $0x200, $0x38;
	[tilespmem:$0x800] =	vst v63  }
.LBB2_5:
0x1b: {  	s15 =	sadd.s32 $0x4000, s11  }
0x1c: {  	p2 =	sgt.s32 s15, $0x7FFF  }
0x1d: {  	s15 =	smov.u32 @p2 s2;
	p2 =	sne.s32 s12, s9  }
.Ltmp1:
0x1e: {  	p1 =	slt.u32 s12, $0x2;
	(pc) =	sbr.rel @!p2 .LBB2_6-.Ltmp1, $4  }
0x1f: {  	s14 =	simm.s32 @!p1 $0x3  }
0x20: {  	s16 =	sadd.s32 $0x1, s12;
	_ =	swait.ge @!p1 [sflag:s14], $0x200  }
0x21: {  	s13 =	smov.u32 s11;
	p0 =	por !p0, !p0;
	[sflag:s14] =	ssyncset.done @!p1 $0x0  }
0x22: {  	s12 =	smov.u32 s16;
	s11 =	smov.u32 s15;
	[sflag:s14] =	ssyncadd.s32 @!p1 $0xFFFFFE00  }
.LBB2_1:
0x23: {  	p1 =	sge.u32 s12, s8  }
0x24: {  	s14 =	sxor.u32 @!p1 $0xFFFFFFFF, s12  }
0x25: {  	s31 =	sadd.s32 $0xFFFFFFFF, s12;
	s15 =	sshrl.u32 @!p1 s11, $0x3;
	s14 =	sshll.u32 @!p1 s14, $0x9  }
0x26: {  	s16 =	sand.u32 @!p1 $0x7, s11;
	s15 =	sadd.s32 @!p1 s4, s15;
	s14 =	sand.u32 @!p1 $0x200, s14  }
0x27: {  	[tilespmem:s14], [sflag:$0x2] =	stream.linear.gather @!p1 [hbm4b:s15+s16], $0x200, $0x38;
	[tilespmem:$0x800] =	vst v63  }
0x28: {  	p1 =	sge.u32 s31, s8  }
.Ltmp2:
0x29: {  	_ = 	snop;
	(pc) =	sbr.rel @p1 .LBB2_5-.Ltmp2, $1  }
0x2a: {  	_ =	sdelay $0x3  }
0x2b: {  	s14 =	simm.s32 $0x1  }
0x2c: {  	_ =	swait.ge [sflag:s7], $0x200;
	s14 =	simm.s32 @!p0 $0x0  }
0x2d: {  	[sflag:s7] =	ssyncset.done $0x0;
	s14 =	sshll.u32 s14, $0x9  }
0x2e: {  	[sflag:s7] =	ssyncadd.s32 $0xFFFFFE00;
	(ifvalue) =	ssetifvalue $0x7FFFFFFF;
	v0 =	vld.msk [tilespmem:s14+$0x0 ss:$0x1], $0xffff;
	_ =	sdelay $0x3  }
0x2f: {  	s15 =	sadd.s32 $0x10, s14  }
0x30: {  	v2 =	vld.msk [tilespmem:s15+$0x0 ss:$0x1], $0xffff;
	v1 =	vshrl.u32 v0, $0x4  }
0x31: {  	vm1 =	veq.s32 v0, $0x80000000;
	v0 =	vand.u32 $0xF, v0;
	v1 =	vand.u32 $0x7FF, v1  }
0x32: {  	v0 =	vsel vm1, $0xFFFFFFFF, v0;
	v1 =	vsel vm1, $0xFFFFFFFF, v1  }
0x33: {  	v3 =	vshll.u32 v0, $0xB;
	v4 =	vshll.u32 v1, $0x3  }
0x34: {  	v0 =	vshll.u32 v0, $0x7;
	v3 =	vand.u32 $0xFFFFC000, v3;
	v4 =	vand.u32 $0xFFFFFC00, v4  }
0x35: {  	vm1 =	veq.s32 v2, $0x80000000;
	v0 =	vand.u32 $0x380, v0;
	v3 =	vadd.s32 v3, v4  }
0x36: {  	v1 =	vand.u32 $0x7F, v1;
	v0 =	vor.u32 v0, v3;
	v3 =	vshrl.u32 v2, $0x4  }
0x37: {  	s17 =	sadd.s32 $0x10, s15;
	v2 =	vand.u32 $0xF, v2;
	v1 =	vor.u32 v1, v0;
	v3 =	vand.u32 $0x7FF, v3  }
0x38: {  	v0 =	vld.msk [tilespmem:s17+$0x0 ss:$0x1], $0xffff;
	v2 =	vsel vm1, $0xFFFFFFFF, v2;
	v3 =	vsel vm1, $0xFFFFFFFF, v3  }
0x39: {  	v63 =	vshll.u32 v2, $0xB;
	v5 =	vshll.u32 v3, $0x3  }
0x3a: {  	s31 =	sshll.u32 s12, $0x9;
	v2 =	vshll.u32 v2, $0x7;
	v4 =	vand.u32 $0xFFFFC000, v63;
	v5 =	vand.u32 $0xFFFFFC00, v5  }
0x3b: {  	s14 =	sor.u32 $0x400, s14;
	s15 =	sand.u32 $0x200, s31;
	(ifvalue) =	ssetifvalue $0x7FFFFFFF;
	v2 =	vand.u32 $0x380, v2;
	v4 =	vadd.s32 v4, v5  }
0x3c: {  	[tilespmem:s14], [sflag:$0x1] =	stream.indirect_vreg.gather [hbm4b:s3+s10], $0x1, v1, vm0, $0x4038;
	v1 =	vand.u32 $0x7F, v3;
	v3 =	vor.u32 v2, v4;
	[tilespmem:$0x800] =	vst v63  }
0x3d: {  	s16 =	simm.s32 $0x20;
	s15 =	sor.u32 $0x400, s15;
	s17 =	sadd.s32 $0x10, s17;
	v2 =	vshrl.u32 v0, $0x4;
	v1 =	vor.u32 v1, v3  }
.LBB2_3:
0x3e: {  	s16 =	sadd.s32 $0x10, s16;
	vm1 =	veq.s32 v0, $0x80000000;
	v3 =	vand.u32 $0xF, v0;
	v0 =	vld.msk [tilespmem:s17+$0x0 ss:$0x1], $0xffff;
	v2 =	vand.u32 $0x7FF, v2  }
0x3f: {  	p1 =	slt.u32 s16, $0x1F0;
	v3 =	vsel vm1, $0xFFFFFFFF, v3;
	v2 =	vsel vm1, $0xFFFFFFFF, v2  }
.Ltmp3:
0x40: {  	v4 =	vshll.u32 v3, $0xB;
	v5 =	vshll.u32 v2, $0x3;
	(pc) =	sbr.rel @p1 .LBB2_3-.Ltmp3, $4  }
0x41: {  	s14 =	sadd.s32 $0x10, s14;
	v3 =	vshll.u32 v3, $0x7;
	v4 =	vand.u32 $0xFFFFC000, v4;
	v5 =	vand.u32 $0xFFFFFC00, v5;
	(ifvalue) =	ssetifvalue $0x7FFFFFFF  }
0x42: {  	v3 =	vand.u32 $0x380, v3;
	v4 =	vadd.s32 v4, v5;
	[tilespmem:s14], [sflag:$0x1] =	stream.indirect_vreg.gather [hbm4b:s3+s10], $0x1, v1, vm0, $0x4038;
	[tilespmem:$0x800] =	vst v63  }
0x43: {  	v1 =	vand.u32 $0x7F, v2;
	v3 =	vor.u32 v3, v4  }
0x44: {  	s17 =	sadd.s32 $0x10, s17;
	v2 =	vshrl.u32 v0, $0x4;
	v1 =	vor.u32 v1, v3  }
.Ltmp4:
0x45: {  	_ = 	snop;
	(pc) =	sbr.rel .LBB2_4-.Ltmp4, $1  }
0x46: {  	_ =	sdelay $0x3  }
.LBB2_6:
0x47: {  	_ =	sfence.sel $0x180000  }
0x48: {  	s2 =	simm.s32 $0x2;
	[bflag:$0x0] =	sbarrier.arrive $0xFFFF  }
0x49: {  	s30 =	simm.s32 $0x3;
	[sflag:s2] =	ssyncpa.u1 $0x1  }
0x4a: {  	s31 =	simm.s32 $0x1;
	[sflag:s30] =	ssyncpa.u1 $0x1  }
0x4b: {  	[sflag:s31] =	ssyncpa.u1 $0x1  }
0x4c: {  	p0 =	sne.s32 s1, $0x0;
	_ =	strace $0x90000047  }
0x4d: {  	s0 =	sadd.s32 @!p0 $0x100000, s0;
	[bflag:$0x2] =	sbarrier.arrive $0xFFFF  }
0x4e: {  	[sflag:s0] =	ssyncadd.tile.s32 @!p0 $0x1;
	_ =	shalt  }
.Lfunc_end2:
_tile_overlayer_lowered:
.L_overlay_start_2:
0x4f: {  	(tag) =	ssettag $0x2  }
0x50: {  	s0 =	rddreg [dreg:$0x0];
	s2 =	stileid.u32  }
0x51: {  	s1 =	rddreg [dreg:$0x1];
	p0 =	sne.s32 s2, $0x0  }
0x52: {  	s3 =	rddreg [dreg:$0x2];
	[bflag:$0x3] =	sbarrier.arrive $0xFFFF;
	s2 =	simm.s32 @!p0 $0x1C01  }
0x53: {  	[timem:s3], [sflag:s2] =	dma.local @!p0 [hbm:s0], s1  }
0x54: {  	s0 =	simm.s32 @!p0 $0x1  }
0x55: {  	_ =	swait.ge @!p0 [sflag:s0], s1  }
0x56: {  	s1 =	ssub.s32 @!p0 $0x0, s1;
	[sflag:s0] =	ssyncset.done @!p0 $0x0  }
0x57: {  	[sflag:s0] =	ssyncadd.s32 @!p0 s1  }
0x58: {  	[bflag:$0x3] =	sbarrier.arrive $0xFFFF  }
0x59: {  	_ =	shalt  }

// kernel: kernel.5.cloned.1.call-start
scs
__scs_entry_jumppad:
0x0: {  	(pc) =	sbr.rel $0x88, $3  }
0x1: {  	(tag) =	ssettag $0x0;
	lr =	simm.s32 $0x1  }
0x2: {  	[smem:$0x3F9D] =	sst lr;
	_ =	strace $0xD0000000  }
0x3: {  	_ = 	snop  }
0x4: {  	_ = 	snop  }
0x5: {  	_ = 	snop  }
0x6: {  	_ = 	snop  }
0x7: {  	_ = 	snop  }
__scs_overlays_trampoline_lowered:
0x8: {  	[smem:$0x3FAC] =	sst s0  }
0x9: {  	[smem:$0x3FAD] =	sst s1  }
0xa: {  	[smem:$0x3FAE] =	sst s2  }
0xb: {  	[smem:$0x3FAF] =	sst s3  }
0xc: {  	[smem:$0x3FB0] =	sst s4  }
0xd: {  	[smem:$0x3FB1] =	sst s5  }
0xe: {  	[smem:$0x3FB2] =	sst s6  }
0xf: {  	[smem:$0x3FB3] =	sst s7  }
0x10: {  	[smem:$0x3FB4] =	sst s8  }
0x11: {  	[smem:$0x3FB5] =	sst s9;
	s0 =	simm.s32 @!p0 $0x0  }
0x12: {  	s1 =	sld [smem:$0x3F9B];
	s0 =	simm.s32 @p0 $0x1  }
0x13: {  	[smem:$0x3FB6] =	sst s0;
	s0 =	simm.s32 @!p1 $0x0  }
0x14: {  	s2 =	sld [smem:$0x3F9A];
	s0 =	simm.s32 @p1 $0x1  }
0x15: {  	[smem:$0x3FB7] =	sst s0;
	s0 =	simm.s32 @!p2 $0x0  }
0x16: {  	s3 =	sld [smem:$0x3FDB];
	s0 =	simm.s32 @p2 $0x1  }
0x17: {  	s4 =	simm.s32 $0x1BF5;
	[smem:$0x3FB9] =	sst s0  }
0x18: {  	s0 =	sld [smem:$0x3F9C];
	_ =	swait.ge [sflag:s4], $0x0  }
0x19: {  	s7 =	sld [smem:$0x3F9D]  }
0x1a: {  	s8 =	sadd.s32 $0xFFFFE003, lr  }
0x1b: {  	s9 =	sadd.s32 $0xFFFFFEF7, lr;
	s5 =	simm.s32 $0xFFFFFFFF;
	p2 =	slt.u32 s8, $0xFFFFF086  }
0x1c: {  	p1 =	slt.u32 s9, $0xF7A;
	s5 =	simm.s32 @!p2 $0x0  }
0x1d: {  	s5 =	simm.s32 @p1 $0x1;
	p0 =	seq.s32 s7, s2  }
0x1e: {  	s7 =	smul.u32 @!p0 $0xF7A, s2;
	p2 =	seq.s32 @!p0 s5, $0x0  }
0x1f: {  	s9 =	smul.u32 $0xF7A, s1;
	s8 =	simm.s32 @!p0 $0x1BF5;
	p2 =	por !p2, p0  }
0x20: {  	[sflag:s8] =	ssyncset.s32 @!p0 $0xFFFFF086;
	s6 =	sadd.s32 @!p0 s3, s7;
	s7 =	simm.s32 @!p0 $0x108  }
0x21: {  	s3 =	sadd.s32 s3, s9;
	s6 =	sadd.s32 @!p0 $0x88, s6;
	s7 =	simm.s32 @p2 $0x1082  }
0x22: {  	[simem:s7], [sflag:s8] =	dma.local @!p0 [hbm:s6], $0xF7A  }
0x23: {  	s9 =	sor.u32 $0xD0000000, s2;
	s6 =	simm.s32 $0x108;
	_ =	swait.ge @!p0 [sflag:s8], $0x0  }
0x24: {  	s3 =	sadd.s32 $0x88, s3;
	s6 =	simm.s32 @!p1 $0x1082;
	[sflag:s4] =	ssyncset.s32 $0xFFFFF086  }
0x25: {  	[simem:s6], [sflag:s4] =	dma.local [hbm:s3], $0xF7A  }
0x26: {  	[smem:$0x3F9D] =	sst s1;
	(tag) =	ssettag s2;
	_ =	strace s9  }
0x27: {  	s1 =	sld [smem:$0x3FAD]  }
0x28: {  	s2 =	sld [smem:$0x3FAE]  }
0x29: {  	s4 =	sld [smem:$0x3FB0]  }
0x2a: {  	p0 =	seq.s32 s5, $0x0;
	s5 =	sld [smem:$0x3FB1]  }
0x2b: {  	s6 =	sld [smem:$0x3FB2]  }
0x2c: {  	s7 =	sld [smem:$0x3FB3]  }
0x2d: {  	s3 =	simm.s32 $0x108;
	s8 =	sld [smem:$0x3FB4]  }
0x2e: {  	s3 =	simm.s32 @!p0 $0x1082;
	s9 =	sld [smem:$0x3FB5]  }
0x2f: {  	lr =	sadd.s32 s0, s3;
	s0 =	sld [smem:$0x3FAC]  }
0x30: {  	s3 =	sld [smem:$0x3FAF]  }
0x31: {  	[smem:$0x3FB8] =	sst s10  }
0x32: {  	s10 =	sld [smem:$0x3FB6];
	_ =	sdelay $0x3  }
0x33: {  	p0 =	seq.s32 s10, $0x1;
	s10 =	sld [smem:$0x3FB8];
	_ =	sdelay $0x3  }
0x34: {  	[smem:$0x3FB8] =	sst s10  }
0x35: {  	s10 =	sld [smem:$0x3FB7];
	_ =	sdelay $0x3  }
0x36: {  	p1 =	seq.s32 s10, $0x1;
	s10 =	sld [smem:$0x3FB8];
	_ =	sdelay $0x3  }
0x37: {  	[smem:$0x3FB8] =	sst s10  }
0x38: {  	s10 =	sld [smem:$0x3FB9]  }
0x39: {  	_ = 	snop;
	(pc) =	sbr.ind lr, $3  }
0x3a: {  	_ = 	snop  }
0x3b: {  	_ = 	snop  }
0x3c: {  	p2 =	seq.s32 s10, $0x1;
	s10 =	sld [smem:$0x3FB8]  }
0x3d: {  	_ =	shalt  }
0x3e: {  	_ =	shalt  }
0x3f: {  	_ =	shalt  }
0x40: {  	_ =	shalt  }
0x41: {  	_ =	shalt  }
0x42: {  	_ =	shalt  }
0x43: {  	_ =	shalt  }
0x44: {  	_ =	shalt  }
0x45: {  	_ =	shalt  }
0x46: {  	_ =	shalt  }
0x47: {  	_ =	shalt  }
0x48: {  	_ =	shalt  }
0x49: {  	_ =	shalt  }
0x4a: {  	_ =	shalt  }
0x4b: {  	_ =	shalt  }
0x4c: {  	_ =	shalt  }
0x4d: {  	_ =	shalt  }
0x4e: {  	_ =	shalt  }
0x4f: {  	_ =	shalt  }
0x50: {  	_ =	shalt  }
0x51: {  	_ =	shalt  }
0x52: {  	_ =	shalt  }
0x53: {  	_ =	shalt  }
0x54: {  	_ =	shalt  }
0x55: {  	_ =	shalt  }
0x56: {  	_ =	shalt  }
0x57: {  	_ =	shalt  }
0x58: {  	_ =	shalt  }
0x59: {  	_ =	shalt  }
0x5a: {  	_ =	shalt  }
0x5b: {  	_ =	shalt  }
0x5c: {  	_ =	shalt  }
0x5d: {  	_ =	shalt  }
0x5e: {  	_ =	shalt  }
0x5f: {  	_ =	shalt  }
0x60: {  	_ =	shalt  }
0x61: {  	_ =	shalt  }
0x62: {  	_ =	shalt  }
0x63: {  	_ =	shalt  }
0x64: {  	_ =	shalt  }
0x65: {  	_ =	shalt  }
0x66: {  	_ =	shalt  }
0x67: {  	_ =	shalt  }
0x68: {  	_ =	shalt  }
0x69: {  	_ =	shalt  }
0x6a: {  	_ =	shalt  }
0x6b: {  	_ =	shalt  }
0x6c: {  	_ =	shalt  }
0x6d: {  	_ =	shalt  }
0x6e: {  	_ =	shalt  }
0x6f: {  	_ =	shalt  }
0x70: {  	_ =	shalt  }
0x71: {  	_ =	shalt  }
0x72: {  	_ =	shalt  }
0x73: {  	_ =	shalt  }
0x74: {  	_ =	shalt  }
0x75: {  	_ =	shalt  }
0x76: {  	_ =	shalt  }
0x77: {  	_ =	shalt  }
0x78: {  	_ =	shalt  }
0x79: {  	_ =	shalt  }
0x7a: {  	_ =	shalt  }
0x7b: {  	_ =	shalt  }
0x7c: {  	_ =	shalt  }
0x7d: {  	_ =	shalt  }
0x7e: {  	_ =	shalt  }
0x7f: {  	_ =	shalt  }
0x80: {  	_ =	shalt  }
0x81: {  	_ =	shalt  }
0x82: {  	_ =	shalt  }
0x83: {  	_ =	shalt  }
0x84: {  	_ =	shalt  }
0x85: {  	_ =	shalt  }
0x86: {  	_ =	shalt  }
0x87: {  	_ =	shalt  }
.Lfunc_end0:
.L_simem_size_0:
called_computation.2_lowered:
.L_overlay_start_0:
0x88: {  	s2 =	sld [smem:$0x3FD9]  }
0x89: {  	s3 =	sld [smem:$0x3FFE];
	_ =	sdelay $0x1  }
0x8a: {  	s1 =	srdreg.scid  }
0x8b: {  	s0 =	sand.u32 $0x1, s1  }
0x8c: {  	s17 =	sshll.u32 s0, $0xA;
	s2 =	sadd.s32 s3, s2  }
0x8d: {  	s2 =	sadd.s32 s2, s17  }
0x8e: {  	[smem:$0x3FC4] =	sst s2  }
0x8f: {  	_ = 	snop  }
0x90: {  	s2 =	sld [smem:$0x3FC9]  }
0x91: {  	s18 =	sld [smem:$0x3FC8]  }
0x92: {  	s4 =	sld [smem:$0x3FC7];
	(tm) =	ssettm $0x1  }
0x93: {  	s5 =	sld [smem:$0x3FFB];
	_ =	sdelay $0x3  }
0x94: {  	_ =	strace s5  }
0x95: {  	s5 =	sld [smem:$0x3FFC];
	_ =	sdelay $0x3  }
0x96: {  	_ =	strace s5  }
0x97: {  	s5 =	sld [smem:$0x3FFD];
	_ =	sdelay $0x3  }
0x98: {  	_ =	strace s5  }
0x99: {  	_ =	strace $0x8FFFFFFF  }
0x9a: {  	s19 =	sld [smem:$0x3FDB];
	_ =	sdelay $0x1  }
0x9b: {  	s6 =	simm.s32 $_scs_section_size  }
0x9c: {  	s7 =	simm.s32 $_size__tile_overlayer_lowered;
	s8 =	simm.s32 $_tile_overlayer_lowered  }
0x9d: {  	s22 =	simm.s32 $0x1BFF;
	s21 =	sshll.u32 s8, $0x1;
	s5 =	sadd.s32 s6, s19  }
0x9e: {  	s9 =	simm.s32 $0x0;
	s20 =	sshll.u32 s7, $0x1;
	s7 =	sadd.s32 s21, s5  }
0x9f: {  	[timem:s9], [sflag:s22] =	dma.local [hbm:s7], s20  }
0xa0: {  	_ =	swait.ge [sflag:s22], s20  }
0xa1: {  	s6 =	ssub.s32 $0x0, s20;
	[sflag:s22] =	ssyncset.done $0x0  }
0xa2: {  	[sflag:s22] =	ssyncadd.s32 s6;
	_ =	sdelay $0x1  }
0xa3: {  	s23 =	simm.s32 $0x1B8B  }
0xa4: {  	_ =	swait.ge [sflag:s23], $0x1  }
0xa5: {  	[sflag:s23] =	ssyncset.done $0x0  }
0xa6: {  	s25 =	simm.s32 $0x1B8E;
	s24 =	sld [smem:$0x3FFE];
	[sflag:s23] =	ssyncadd.s32 $0xFFFFFFFF  }
0xa7: {  	s26 =	simm.s32 $execute0_lowered;
	[smem:$0x3FD2] =	sst s25  }
0xa8: {  	s7 =	sshll.u32 s26, $0x1;
	_ =	strace $0x8000004C;
	[dreg:$0x1] =	wrdreg $0xFFFFFFFF  }
0xa9: {  	s28 =	simm.s32 $_size_execute0_lowered;
	s5 =	sadd.s32 s5, s7;
	[dreg:$0x0] =	wrdreg $0x0  }
0xaa: {  	s7 =	sshll.u32 s28, $0x1;
	[dreg:$0x2] =	wrdreg s5  }
0xab: {  	[dreg:$0x3] =	wrdreg s7  }
0xac: {  	[dreg:$0x4] =	wrdreg $0xC0  }
0xad: {  	_ =	task [dreg:s9], $0x5FFFF  }
0xae: {  	[dreg:$0x1] =	wrdreg $0xFFFFFFFF  }
0xaf: {  	[dreg:$0x0] =	wrdreg $0x60  }
0xb0: {  	[dreg:$0x2] =	wrdreg s2  }
0xb1: {  	[dreg:$0x3] =	wrdreg s18  }
0xb2: {  	[dreg:$0x4] =	wrdreg s4  }
0xb3: {  	[dreg:$0x5] =	wrdreg s24  }
0xb4: {  	[dreg:$0x6] =	wrdreg $0x9  }
0xb5: {  	_ =	task.clear_ibuf [dreg:s9], $0x7FFFF;
	_ =	strace $0x9000004C  }
0xb6: {  	s29 =	simm.s32 $0x9;
	_ =	strace $0x8000004E  }
0xb7: {  	_ =	swait.ge [sflag:s29], $0x1  }
0xb8: {  	[sflag:s29] =	ssyncadd.s32 $0xFFFFFFFF  }
0xb9: {  	_ =	strace $0x9000004E  }
0xba: {  	_ =	sfence  }
0xbb: {  	s30 =	sld [smem:$0x0];
	_ =	sdelay $0x2  }
0xbc: {  	s31 =	sshll.u32 s1, $0xD;
	s1 =	sshrl.u32 s1, $0x2  }
0xbd: {  	s3 =	sand.u32 $0x4000, s31;
	s1 =	sadd.s32 s1, s30  }
0xbe: {  	s0 =	sor.u32 s3, s0;
	s1 =	sshll.u32 s1, $0x11  }
0xbf: {  	s0 =	sor.u32 s1, s0  }
0xc0: {  	s0 =	sadd.s32 $0x8F2B, s0  }
0xc1: {  	[sflag:s0] =	ssyncadd.remote.s32 $0x1  }
0xc2: {  	_ =	sfence.sel $0xFFFF  }
0xc3: {  	[dreg:$0x0] =	wrdreg $0xFFFFFFFF;
	(pc) =	sbr.abs _section_cstart, $3  }
0xc4: {  	[dreg:$0x1] =	wrdreg $0xFFFFFFFF  }
0xc5: {  	_ =	task.clear_ibuf [dreg:s9], $0x2FFFF;
	_ =	strace $0x9FFFFFFF  }
0xc6: {  	(tm) =	ssettm $0x7FFFFFFF  }
0xc7: {  	_ =	shalt  }
tec
execute0_lowered:
.L_overlay_start_1:
0x0: {  	(tag) =	ssettag $0x1  }
0x1: {  	s1 =	rddreg [dreg:$0x0]  }
0x2: {  	s3 =	rddreg [dreg:$0x1];
	s0 =	srdreg.scid  }
0x3: {  	s4 =	rddreg [dreg:$0x2];
	s2 =	stileid.u32  }
0x4: {  	s31 =	rddreg [dreg:$0x3];
	s5 =	sand.u32 $0x1, s0;
	s16 =	sshll.u32 s2, $0xB  }
0x5: {  	[dreg:$0x1a] =	wrdreg s5;
	s17 =	sshll.u32 s5, $0xA;
	s5 =	simm.s32 $0x0  }
0x6: {  	s6 =	sadd.s32 $0x1600, s31;
	s0 =	sor.u32 s17, s16;
	[smem:$0x7FF] =	sst s5  }
0x7: {  	s8 =	sadd.s32 $0x2600, s31;
	s12 =	sshrl.u32 s0, $0x3;
	_ =	strace $0x8000004D  }
0x8: {  	s7 =	sor.u32 $0x80, s0;
	s2 =	sshll.u32 s0, $0x4;
	s10 =	sor.u32 $0x100, s0  }
0x9: {  	s21 =	sor.u32 $0x180, s0;
	s23 =	sor.u32 $0x200, s0;
	s18 =	sadd.s32 s6, s12  }
0xa: {  	s13 =	sshrl.u32 s7, $0x3;
	s19 =	sadd.s32 s8, s2;
	[dreg:$0x5] =	wrdreg s18  }
0xb: {  	s14 =	sshrl.u32 s10, $0x3;
	s9 =	sadd.s32 s6, s13;
	[dreg:$0x7] =	wrdreg s19  }
0xc: {  	s24 =	sshll.u32 s7, $0x4;
	s20 =	sadd.s32 s6, s14;
	[dreg:$0x6] =	wrdreg s9  }
0xd: {  	s15 =	sshrl.u32 s21, $0x3;
	s7 =	sadd.s32 s8, s24;
	[dreg:$0x8] =	wrdreg s20  }
0xe: {  	s25 =	sshll.u32 s10, $0x4;
	s22 =	sadd.s32 s6, s15;
	[dreg:$0x9] =	wrdreg s7  }
0xf: {  	s16 =	sshrl.u32 s23, $0x3;
	s11 =	sadd.s32 s8, s25;
	[dreg:$0xa] =	wrdreg s22  }
0x10: {  	s26 =	sshll.u32 s21, $0x4;
	s17 =	sadd.s32 s6, s16;
	[dreg:$0xb] =	wrdreg s11  }
0x11: {  	s18 =	sadd.s32 s8, s26;
	s19 =	sor.u32 $0x280, s0;
	[dreg:$0xc] =	wrdreg s17  }
0x12: {  	s28 =	sshll.u32 s23, $0x4;
	[dreg:$0xd] =	wrdreg s18;
	s17 =	sshrl.u32 s19, $0x3  }
0x13: {  	s21 =	rddreg [dreg:$0x5];
	s22 =	sadd.s32 s8, s28;
	s11 =	sor.u32 $0x300, s0  }
0x14: {  	s29 =	sshll.u32 s19, $0x4;
	s20 =	sadd.s32 s6, s17;
	[dreg:$0xf] =	wrdreg s22  }
0x15: {  	[tilespmem:s5], [sflag:$0x3] =	stream.linear.gather [hbm4b:s21+s5], $0x80, $0x38;
	[tilespmem:$0x8100] =	vst v63  }
0x16: {  	s18 =	sshrl.u32 s11, $0x3;
	s10 =	sadd.s32 s8, s29;
	[dreg:$0xe] =	wrdreg s20  }
0x17: {  	s30 =	sshll.u32 s11, $0x4;
	s23 =	sadd.s32 s6, s18;
	[dreg:$0x11] =	wrdreg s10  }
0x18: {  	s22 =	sadd.s32 $0x82600, s31;
	s19 =	sadd.s32 s8, s30;
	[dreg:$0x10] =	wrdreg s23  }
0x19: {  	s21 =	sadd.s32 s22, s2;
	[dreg:$0x13] =	wrdreg s19  }
0x1a: {  	s0 =	sor.u32 $0x380, s0;
	s7 =	sadd.s32 s22, s25;
	[dreg:$0x15] =	wrdreg s21  }
0x1b: {  	s20 =	sshrl.u32 s0, $0x3;
	s9 =	sadd.s32 s22, s28;
	[dreg:$0x17] =	wrdreg s7  }
0x1c: {  	s6 =	sadd.s32 s6, s20;
	[dreg:$0x19] =	wrdreg s9  }
0x1d: {  	s23 =	sshll.u32 s0, $0x4;
	[dreg:$0x12] =	wrdreg s6  }
0x1e: {  	s0 =	sadd.s32 s8, s23;
	[dreg:$0x1b] =	wrdreg s23  }
0x1f: {  	s6 =	sadd.s32 s22, s24;
	[dreg:$0x14] =	wrdreg s0  }
0x20: {  	s8 =	sadd.s32 s22, s26;
	[dreg:$0x16] =	wrdreg s6  }
0x21: {  	[dreg:$0x18] =	wrdreg s8;
	s6 =	simm.s32 $0x3  }
0x22: {  	_ =	swait.ge [sflag:s6], $0x80  }
0x23: {  	[sflag:s6] =	ssyncset.done $0x0  }
0x24: {  	s7 =	simm.s32 $0x80;
	[sflag:s6] =	ssyncadd.s32 $0xFFFFFF80  }
0x25: {  	[tilespmem:s7], [sflag:$0x1] =	stream.indirect.gather [hbm4b:s1+s7], $0x80, s5, s7, $0xb8;
	[tilespmem:$0x8100] =	vst v63  }
0x26: {  	s8 =	simm.s32 $0x4080;
	s10 =	rddreg [dreg:$0x6]  }
0x27: {  	[tilespmem:s8], [sflag:$0x3] =	stream.linear.gather [hbm4b:s10+s5], $0x80, $0x38;
	[tilespmem:$0x8100] =	vst v63  }
0x28: {  	_ =	swait.ge [sflag:s6], $0x80  }
0x29: {  	[sflag:s6] =	ssyncset.done $0x0  }
0x2a: {  	s9 =	simm.s32 $0x4100;
	s10 =	simm.s32 $0x1;
	[sflag:s6] =	ssyncadd.s32 $0xFFFFFF80  }
0x2b: {  	[tilespmem:s9], [sflag:$0x2] =	stream.indirect.gather [hbm4b:s1+s7], $0x80, s8, s7, $0xb8;
	[tilespmem:$0x8100] =	vst v63  }
0x2c: {  	_ =	swait.ge [sflag:s10], $0x4000  }
0x2d: {  	[sflag:s10] =	ssyncset.done $0x0  }
0x2e: {  	s11 =	rddreg [dreg:$0x7];
	[sflag:s10] =	ssyncadd.s32 $0xFFFFC000  }
0x2f: {  	[hbm4b:s11+s5] =	stream.linear.scatter [tilespmem:s7], [sflag:$0x3], $0x4000, $0x38;
	[tilespmem:$0x8100] =	vst v63  }
0x30: {  	_ =	swait.ge [sflag:s6], $0x4000  }
0x31: {  	[sflag:s6] =	ssyncset.done $0x0  }
0x32: {  	s19 =	rddreg [dreg:$0x8];
	[sflag:s6] =	ssyncadd.s32 $0xFFFFC000  }
0x33: {  	[tilespmem:s5], [sflag:$0x3] =	stream.linear.gather [hbm4b:s19+s5], $0x80, $0x38;
	[tilespmem:$0x8100] =	vst v63  }
0x34: {  	_ =	swait.ge [sflag:s6], $0x80  }
0x35: {  	[sflag:s6] =	ssyncset.done $0x0  }
0x36: {  	s11 =	simm.s32 $0x2;
	[sflag:s6] =	ssyncadd.s32 $0xFFFFFF80  }
0x37: {  	[tilespmem:s7], [sflag:$0x1] =	stream.indirect.gather [hbm4b:s1+s7], $0x80, s5, s7, $0xb8;
	[tilespmem:$0x8100] =	vst v63  }
0x38: {  	_ =	swait.ge [sflag:s11], $0x4000  }
0x39: {  	[sflag:s11] =	ssyncset.done $0x0  }
0x3a: {  	s21 =	rddreg [dreg:$0x9];
	[sflag:s11] =	ssyncadd.s32 $0xFFFFC000  }
0x3b: {  	[hbm4b:s21+s5] =	stream.linear.scatter [tilespmem:s9], [sflag:$0x3], $0x4000, $0x38;
	[tilespmem:$0x8100] =	vst v63  }
0x3c: {  	_ =	swait.ge [sflag:s6], $0x4000  }
0x3d: {  	[sflag:s6] =	ssyncset.done $0x0  }
0x3e: {  	s19 =	rddreg [dreg:$0xa];
	[sflag:s6] =	ssyncadd.s32 $0xFFFFC000  }
0x3f: {  	[tilespmem:s8], [sflag:$0x3] =	stream.linear.gather [hbm4b:s19+s5], $0x80, $0x38;
	[tilespmem:$0x8100] =	vst v63  }
0x40: {  	_ =	swait.ge [sflag:s6], $0x80  }
0x41: {  	[sflag:s6] =	ssyncset.done $0x0  }
0x42: {  	[sflag:s6] =	ssyncadd.s32 $0xFFFFFF80  }
0x43: {  	[tilespmem:s9], [sflag:$0x2] =	stream.indirect.gather [hbm4b:s1+s7], $0x80, s8, s7, $0xb8;
	[tilespmem:$0x8100] =	vst v63  }
0x44: {  	_ =	swait.ge [sflag:s10], $0x4000  }
0x45: {  	[sflag:s10] =	ssyncset.done $0x0  }
0x46: {  	s21 =	rddreg [dreg:$0xb];
	[sflag:s10] =	ssyncadd.s32 $0xFFFFC000  }
0x47: {  	[hbm4b:s21+s5] =	stream.linear.scatter [tilespmem:s7], [sflag:$0x3], $0x4000, $0x38;
	[tilespmem:$0x8100] =	vst v63  }
0x48: {  	_ =	swait.ge [sflag:s6], $0x4000  }
0x49: {  	[sflag:s6] =	ssyncset.done $0x0  }
0x4a: {  	s19 =	rddreg [dreg:$0xc];
	[sflag:s6] =	ssyncadd.s32 $0xFFFFC000  }
0x4b: {  	[tilespmem:s5], [sflag:$0x3] =	stream.linear.gather [hbm4b:s19+s5], $0x80, $0x38;
	[tilespmem:$0x8100] =	vst v63  }
0x4c: {  	_ =	swait.ge [sflag:s6], $0x80  }
0x4d: {  	[sflag:s6] =	ssyncset.done $0x0  }
0x4e: {  	[sflag:s6] =	ssyncadd.s32 $0xFFFFFF80  }
0x4f: {  	[tilespmem:s7], [sflag:$0x1] =	stream.indirect.gather [hbm4b:s1+s7], $0x80, s5, s7, $0xb8;
	[tilespmem:$0x8100] =	vst v63  }
0x50: {  	_ =	swait.ge [sflag:s11], $0x4000  }
0x51: {  	[sflag:s11] =	ssyncset.done $0x0  }
0x52: {  	s21 =	rddreg [dreg:$0xd];
	[sflag:s11] =	ssyncadd.s32 $0xFFFFC000  }
0x53: {  	[hbm4b:s21+s5] =	stream.linear.scatter [tilespmem:s9], [sflag:$0x3], $0x4000, $0x38;
	[tilespmem:$0x8100] =	vst v63  }
0x54: {  	_ =	swait.ge [sflag:s6], $0x4000  }
0x55: {  	[sflag:s6] =	ssyncset.done $0x0  }
0x56: {  	s19 =	rddreg [dreg:$0xe];
	[sflag:s6] =	ssyncadd.s32 $0xFFFFC000  }
0x57: {  	[tilespmem:s8], [sflag:$0x3] =	stream.linear.gather [hbm4b:s19+s5], $0x80, $0x38;
	[tilespmem:$0x8100] =	vst v63  }
0x58: {  	_ =	swait.ge [sflag:s6], $0x80  }
0x59: {  	[sflag:s6] =	ssyncset.done $0x0  }
0x5a: {  	[sflag:s6] =	ssyncadd.s32 $0xFFFFFF80  }
0x5b: {  	[tilespmem:s9], [sflag:$0x2] =	stream.indirect.gather [hbm4b:s1+s7], $0x80, s8, s7, $0xb8;
	[tilespmem:$0x8100] =	vst v63  }
0x5c: {  	_ =	swait.ge [sflag:s10], $0x4000  }
0x5d: {  	[sflag:s10] =	ssyncset.done $0x0  }
0x5e: {  	s21 =	rddreg [dreg:$0xf];
	[sflag:s10] =	ssyncadd.s32 $0xFFFFC000  }
0x5f: {  	[hbm4b:s21+s5] =	stream.linear.scatter [tilespmem:s7], [sflag:$0x3], $0x4000, $0x38;
	[tilespmem:$0x8100] =	vst v63  }
0x60: {  	_ =	swait.ge [sflag:s6], $0x4000  }
0x61: {  	[sflag:s6] =	ssyncset.done $0x0  }
0x62: {  	s19 =	rddreg [dreg:$0x10];
	[sflag:s6] =	ssyncadd.s32 $0xFFFFC000  }
0x63: {  	[tilespmem:s5], [sflag:$0x3] =	stream.linear.gather [hbm4b:s19+s5], $0x80, $0x38;
	[tilespmem:$0x8100] =	vst v63  }
0x64: {  	_ =	swait.ge [sflag:s6], $0x80  }
0x65: {  	[sflag:s6] =	ssyncset.done $0x0  }
0x66: {  	[sflag:s6] =	ssyncadd.s32 $0xFFFFFF80  }
0x67: {  	[tilespmem:s7], [sflag:$0x1] =	stream.indirect.gather [hbm4b:s1+s7], $0x80, s5, s7, $0xb8;
	[tilespmem:$0x8100] =	vst v63  }
0x68: {  	_ =	swait.ge [sflag:s11], $0x4000  }
0x69: {  	[sflag:s11] =	ssyncset.done $0x0  }
0x6a: {  	s21 =	rddreg [dreg:$0x11];
	[sflag:s11] =	ssyncadd.s32 $0xFFFFC000  }
0x6b: {  	[hbm4b:s21+s5] =	stream.linear.scatter [tilespmem:s9], [sflag:$0x3], $0x4000, $0x38;
	[tilespmem:$0x8100] =	vst v63  }
0x6c: {  	_ =	swait.ge [sflag:s6], $0x4000  }
0x6d: {  	[sflag:s6] =	ssyncset.done $0x0  }
0x6e: {  	s19 =	rddreg [dreg:$0x12];
	[sflag:s6] =	ssyncadd.s32 $0xFFFFC000  }
0x6f: {  	[tilespmem:s8], [sflag:$0x3] =	stream.linear.gather [hbm4b:s19+s5], $0x80, $0x38;
	[tilespmem:$0x8100] =	vst v63  }
0x70: {  	_ =	swait.ge [sflag:s6], $0x80  }
0x71: {  	[sflag:s6] =	ssyncset.done $0x0  }
0x72: {  	[sflag:s6] =	ssyncadd.s32 $0xFFFFFF80  }
0x73: {  	[tilespmem:s9], [sflag:$0x2] =	stream.indirect.gather [hbm4b:s1+s7], $0x80, s8, s7, $0xb8;
	[tilespmem:$0x8100] =	vst v63  }
0x74: {  	_ =	swait.ge [sflag:s10], $0x4000  }
0x75: {  	[sflag:s10] =	ssyncset.done $0x0  }
0x76: {  	s21 =	rddreg [dreg:$0x13];
	[sflag:s10] =	ssyncadd.s32 $0xFFFFC000  }
0x77: {  	[hbm4b:s21+s5] =	stream.linear.scatter [tilespmem:s7], [sflag:$0x3], $0x4000, $0x38;
	[tilespmem:$0x8100] =	vst v63  }
0x78: {  	_ =	swait.ge [sflag:s6], $0x4000  }
0x79: {  	s21 =	sadd.s32 $0x600, s31;
	[sflag:s6] =	ssyncset.done $0x0  }
0x7a: {  	s12 =	sadd.s32 s21, s12;
	[sflag:s6] =	ssyncadd.s32 $0xFFFFC000  }
0x7b: {  	[tilespmem:s5], [sflag:$0x3] =	stream.linear.gather [hbm4b:s12+s5], $0x80, $0x38;
	[tilespmem:$0x8100] =	vst v63  }
0x7c: {  	_ =	swait.ge [sflag:s6], $0x80  }
0x7d: {  	[sflag:s6] =	ssyncset.done $0x0  }
0x7e: {  	[sflag:s6] =	ssyncadd.s32 $0xFFFFFF80  }
0x7f: {  	[tilespmem:s7], [sflag:$0x1] =	stream.indirect.gather [hbm4b:s3+s7], $0x80, s5, s7, $0xb8;
	[tilespmem:$0x8100] =	vst v63  }
0x80: {  	_ =	swait.ge [sflag:s11], $0x4000  }
0x81: {  	[sflag:s11] =	ssyncset.done $0x0  }
0x82: {  	s19 =	rddreg [dreg:$0x14];
	[sflag:s11] =	ssyncadd.s32 $0xFFFFC000  }
0x83: {  	[hbm4b:s19+s5] =	stream.linear.scatter [tilespmem:s9], [sflag:$0x3], $0x4000, $0x38;
	[tilespmem:$0x8100] =	vst v63  }
0x84: {  	_ =	swait.ge [sflag:s6], $0x4000  }
0x85: {  	[sflag:s6] =	ssyncset.done $0x0  }
0x86: {  	s13 =	sadd.s32 s21, s13;
	[sflag:s6] =	ssyncadd.s32 $0xFFFFC000  }
0x87: {  	[tilespmem:s8], [sflag:$0x3] =	stream.linear.gather [hbm4b:s13+s5], $0x80, $0x38;
	[tilespmem:$0x8100] =	vst v63  }
0x88: {  	_ =	swait.ge [sflag:s6], $0x80  }
0x89: {  	[sflag:s6] =	ssyncset.done $0x0  }
0x8a: {  	[sflag:s6] =	ssyncadd.s32 $0xFFFFFF80  }
0x8b: {  	[tilespmem:s9], [sflag:$0x2] =	stream.indirect.gather [hbm4b:s3+s7], $0x80, s8, s7, $0xb8;
	[tilespmem:$0x8100] =	vst v63  }
0x8c: {  	_ =	swait.ge [sflag:s10], $0x4000  }
0x8d: {  	[sflag:s10] =	ssyncset.done $0x0  }
0x8e: {  	s19 =	rddreg [dreg:$0x15];
	[sflag:s10] =	ssyncadd.s32 $0xFFFFC000  }
0x8f: {  	[hbm4b:s19+s5] =	stream.linear.scatter [tilespmem:s7], [sflag:$0x3], $0x4000, $0x38;
	[tilespmem:$0x8100] =	vst v63  }
0x90: {  	_ =	swait.ge [sflag:s6], $0x4000  }
0x91: {  	[sflag:s6] =	ssyncset.done $0x0  }
0x92: {  	s14 =	sadd.s32 s21, s14;
	[sflag:s6] =	ssyncadd.s32 $0xFFFFC000  }
0x93: {  	[tilespmem:s5], [sflag:$0x3] =	stream.linear.gather [hbm4b:s14+s5], $0x80, $0x38;
	[tilespmem:$0x8100] =	vst v63  }
0x94: {  	_ =	swait.ge [sflag:s6], $0x80  }
0x95: {  	[sflag:s6] =	ssyncset.done $0x0  }
0x96: {  	[sflag:s6] =	ssyncadd.s32 $0xFFFFFF80  }
0x97: {  	[tilespmem:s7], [sflag:$0x1] =	stream.indirect.gather [hbm4b:s3+s7], $0x80, s5, s7, $0xb8;
	[tilespmem:$0x8100] =	vst v63  }
0x98: {  	_ =	swait.ge [sflag:s11], $0x4000  }
0x99: {  	[sflag:s11] =	ssyncset.done $0x0  }
0x9a: {  	s19 =	rddreg [dreg:$0x16];
	[sflag:s11] =	ssyncadd.s32 $0xFFFFC000  }
0x9b: {  	[hbm4b:s19+s5] =	stream.linear.scatter [tilespmem:s9], [sflag:$0x3], $0x4000, $0x38;
	[tilespmem:$0x8100] =	vst v63  }
0x9c: {  	_ =	swait.ge [sflag:s6], $0x4000  }
0x9d: {  	[sflag:s6] =	ssyncset.done $0x0  }
0x9e: {  	s15 =	sadd.s32 s21, s15;
	[sflag:s6] =	ssyncadd.s32 $0xFFFFC000  }
0x9f: {  	[tilespmem:s8], [sflag:$0x3] =	stream.linear.gather [hbm4b:s15+s5], $0x80, $0x38;
	[tilespmem:$0x8100] =	vst v63  }
0xa0: {  	_ =	swait.ge [sflag:s6], $0x80  }
0xa1: {  	[sflag:s6] =	ssyncset.done $0x0  }
0xa2: {  	[sflag:s6] =	ssyncadd.s32 $0xFFFFFF80  }
0xa3: {  	[tilespmem:s9], [sflag:$0x2] =	stream.indirect.gather [hbm4b:s3+s7], $0x80, s8, s7, $0xb8;
	[tilespmem:$0x8100] =	vst v63  }
0xa4: {  	_ =	swait.ge [sflag:s10], $0x4000  }
0xa5: {  	[sflag:s10] =	ssyncset.done $0x0  }
0xa6: {  	s19 =	rddreg [dreg:$0x17];
	[sflag:s10] =	ssyncadd.s32 $0xFFFFC000  }
0xa7: {  	[hbm4b:s19+s5] =	stream.linear.scatter [tilespmem:s7], [sflag:$0x3], $0x4000, $0x38;
	[tilespmem:$0x8100] =	vst v63  }
0xa8: {  	_ =	swait.ge [sflag:s6], $0x4000  }
0xa9: {  	[sflag:s6] =	ssyncset.done $0x0  }
0xaa: {  	s16 =	sadd.s32 s21, s16;
	[sflag:s6] =	ssyncadd.s32 $0xFFFFC000  }
0xab: {  	[tilespmem:s5], [sflag:$0x3] =	stream.linear.gather [hbm4b:s16+s5], $0x80, $0x38;
	[tilespmem:$0x8100] =	vst v63  }
0xac: {  	_ =	swait.ge [sflag:s6], $0x80  }
0xad: {  	[sflag:s6] =	ssyncset.done $0x0  }
0xae: {  	[sflag:s6] =	ssyncadd.s32 $0xFFFFFF80  }
0xaf: {  	[tilespmem:s7], [sflag:$0x1] =	stream.indirect.gather [hbm4b:s3+s7], $0x80, s5, s7, $0xb8;
	[tilespmem:$0x8100] =	vst v63  }
0xb0: {  	_ =	swait.ge [sflag:s11], $0x4000  }
0xb1: {  	[sflag:s11] =	ssyncset.done $0x0  }
0xb2: {  	s19 =	rddreg [dreg:$0x18];
	[sflag:s11] =	ssyncadd.s32 $0xFFFFC000  }
0xb3: {  	[hbm4b:s19+s5] =	stream.linear.scatter [tilespmem:s9], [sflag:$0x3], $0x4000, $0x38;
	[tilespmem:$0x8100] =	vst v63  }
0xb4: {  	_ =	swait.ge [sflag:s6], $0x4000  }
0xb5: {  	[sflag:s6] =	ssyncset.done $0x0  }
0xb6: {  	s17 =	sadd.s32 s21, s17;
	[sflag:s6] =	ssyncadd.s32 $0xFFFFC000  }
0xb7: {  	[tilespmem:s8], [sflag:$0x3] =	stream.linear.gather [hbm4b:s17+s5], $0x80, $0x38;
	[tilespmem:$0x8100] =	vst v63  }
0xb8: {  	_ =	swait.ge [sflag:s6], $0x80  }
0xb9: {  	[sflag:s6] =	ssyncset.done $0x0  }
0xba: {  	[sflag:s6] =	ssyncadd.s32 $0xFFFFFF80  }
0xbb: {  	[tilespmem:s9], [sflag:$0x2] =	stream.indirect.gather [hbm4b:s3+s7], $0x80, s8, s7, $0xb8;
	[tilespmem:$0x8100] =	vst v63  }
0xbc: {  	_ =	swait.ge [sflag:s10], $0x4000  }
0xbd: {  	[sflag:s10] =	ssyncset.done $0x0  }
0xbe: {  	s19 =	rddreg [dreg:$0x19];
	[sflag:s10] =	ssyncadd.s32 $0xFFFFC000  }
0xbf: {  	[hbm4b:s19+s5] =	stream.linear.scatter [tilespmem:s7], [sflag:$0x3], $0x4000, $0x38;
	[tilespmem:$0x8100] =	vst v63  }
0xc0: {  	_ =	swait.ge [sflag:s6], $0x4000  }
0xc1: {  	[sflag:s6] =	ssyncset.done $0x0  }
0xc2: {  	s18 =	sadd.s32 s21, s18;
	[sflag:s6] =	ssyncadd.s32 $0xFFFFC000  }
0xc3: {  	[tilespmem:s5], [sflag:$0x3] =	stream.linear.gather [hbm4b:s18+s5], $0x80, $0x38;
	[tilespmem:$0x8100] =	vst v63  }
0xc4: {  	_ =	swait.ge [sflag:s6], $0x80  }
0xc5: {  	[sflag:s6] =	ssyncset.done $0x0  }
0xc6: {  	[sflag:s6] =	ssyncadd.s32 $0xFFFFFF80  }
0xc7: {  	[tilespmem:s7], [sflag:$0x1] =	stream.indirect.gather [hbm4b:s3+s7], $0x80, s5, s7, $0xb8;
	[tilespmem:$0x8100] =	vst v63  }
0xc8: {  	_ =	swait.ge [sflag:s11], $0x4000  }
0xc9: {  	[sflag:s11] =	ssyncset.done $0x0  }
0xca: {  	s19 =	sadd.s32 s22, s29;
	[sflag:s11] =	ssyncadd.s32 $0xFFFFC000  }
0xcb: {  	[hbm4b:s19+s5] =	stream.linear.scatter [tilespmem:s9], [sflag:$0x3], $0x4000, $0x38;
	[tilespmem:$0x8100] =	vst v63  }
0xcc: {  	_ =	swait.ge [sflag:s6], $0x4000  }
0xcd: {  	[sflag:s6] =	ssyncset.done $0x0  }
0xce: {  	s20 =	sadd.s32 s21, s20;
	[sflag:s6] =	ssyncadd.s32 $0xFFFFC000  }
0xcf: {  	[tilespmem:s8], [sflag:$0x3] =	stream.linear.gather [hbm4b:s20+s5], $0x80, $0x38;
	[tilespmem:$0x8100] =	vst v63  }
0xd0: {  	_ =	swait.ge [sflag:s6], $0x80  }
0xd1: {  	[sflag:s6] =	ssyncset.done $0x0  }
0xd2: {  	[sflag:s6] =	ssyncadd.s32 $0xFFFFFF80  }
0xd3: {  	[tilespmem:s9], [sflag:$0x2] =	stream.indirect.gather [hbm4b:s3+s7], $0x80, s8, s7, $0xb8;
	[tilespmem:$0x8100] =	vst v63  }
0xd4: {  	_ =	swait.ge [sflag:s10], $0x4000  }
0xd5: {  	[sflag:s10] =	ssyncset.done $0x0  }
0xd6: {  	s21 =	sadd.s32 s22, s30;
	[sflag:s10] =	ssyncadd.s32 $0xFFFFC000  }
0xd7: {  	[hbm4b:s21+s5] =	stream.linear.scatter [tilespmem:s7], [sflag:$0x3], $0x4000, $0x38;
	[tilespmem:$0x8100] =	vst v63  }
0xd8: {  	_ =	swait.ge [sflag:s6], $0x4000  }
0xd9: {  	[sflag:s6] =	ssyncset.done $0x0  }
0xda: {  	[sflag:s6] =	ssyncadd.s32 $0xFFFFC000  }
0xdb: {  	[tilespmem:s5], [sflag:$0x3] =	stream.linear.gather [hbm4b:s12+s5], $0x80, $0x38;
	[tilespmem:$0x8100] =	vst v63  }
0xdc: {  	_ =	swait.ge [sflag:s6], $0x80  }
0xdd: {  	[sflag:s6] =	ssyncset.done $0x0  }
0xde: {  	[sflag:s6] =	ssyncadd.s32 $0xFFFFFF80  }
0xdf: {  	[tilespmem:s7], [sflag:$0x1] =	stream.indirect.gather [hbm4b:s4+s7], $0x80, s5, s7, $0xb8;
	[tilespmem:$0x8100] =	vst v63  }
0xe0: {  	_ =	swait.ge [sflag:s11], $0x4000  }
0xe1: {  	[sflag:s11] =	ssyncset.done $0x0  }
0xe2: {  	s22 =	sadd.s32 s22, s23;
	[sflag:s11] =	ssyncadd.s32 $0xFFFFC000  }
0xe3: {  	[hbm4b:s22+s5] =	stream.linear.scatter [tilespmem:s9], [sflag:$0x3], $0x4000, $0x38;
	[tilespmem:$0x8100] =	vst v63  }
0xe4: {  	_ =	swait.ge [sflag:s6], $0x4000  }
0xe5: {  	[sflag:s6] =	ssyncset.done $0x0  }
0xe6: {  	[sflag:s6] =	ssyncadd.s32 $0xFFFFC000  }
0xe7: {  	[tilespmem:s8], [sflag:$0x3] =	stream.linear.gather [hbm4b:s13+s5], $0x80, $0x38;
	[tilespmem:$0x8100] =	vst v63  }
0xe8: {  	_ =	swait.ge [sflag:s6], $0x80  }
0xe9: {  	[sflag:s6] =	ssyncset.done $0x0  }
0xea: {  	[sflag:s6] =	ssyncadd.s32 $0xFFFFFF80  }
0xeb: {  	[tilespmem:s9], [sflag:$0x2] =	stream.indirect.gather [hbm4b:s4+s7], $0x80, s8, s7, $0xb8;
	[tilespmem:$0x8100] =	vst v63  }
0xec: {  	_ =	swait.ge [sflag:s10], $0x4000  }
0xed: {  	s0 =	sadd.s32 $0x102600, s31;
	[sflag:s10] =	ssyncset.done $0x0  }
0xee: {  	s23 =	sadd.s32 s0, s2;
	[sflag:s10] =	ssyncadd.s32 $0xFFFFC000  }
0xef: {  	[hbm4b:s23+s5] =	stream.linear.scatter [tilespmem:s7], [sflag:$0x3], $0x4000, $0x38;
	[tilespmem:$0x8100] =	vst v63  }
0xf0: {  	_ =	swait.ge [sflag:s6], $0x4000  }
0xf1: {  	[sflag:s6] =	ssyncset.done $0x0  }
0xf2: {  	[sflag:s6] =	ssyncadd.s32 $0xFFFFC000  }
0xf3: {  	[tilespmem:s5], [sflag:$0x3] =	stream.linear.gather [hbm4b:s14+s5], $0x80, $0x38;
	[tilespmem:$0x8100] =	vst v63  }
0xf4: {  	_ =	swait.ge [sflag:s6], $0x80  }
0xf5: {  	[sflag:s6] =	ssyncset.done $0x0  }
0xf6: {  	[sflag:s6] =	ssyncadd.s32 $0xFFFFFF80  }
0xf7: {  	[tilespmem:s7], [sflag:$0x1] =	stream.indirect.gather [hbm4b:s4+s7], $0x80, s5, s7, $0xb8;
	[tilespmem:$0x8100] =	vst v63  }
0xf8: {  	_ =	swait.ge [sflag:s11], $0x4000  }
0xf9: {  	[sflag:s11] =	ssyncset.done $0x0  }
0xfa: {  	s24 =	sadd.s32 s0, s24;
	[sflag:s11] =	ssyncadd.s32 $0xFFFFC000  }
0xfb: {  	[hbm4b:s24+s5] =	stream.linear.scatter [tilespmem:s9], [sflag:$0x3], $0x4000, $0x38;
	[tilespmem:$0x8100] =	vst v63  }
0xfc: {  	_ =	swait.ge [sflag:s6], $0x4000  }
0xfd: {  	[sflag:s6] =	ssyncset.done $0x0  }
0xfe: {  	[sflag:s6] =	ssyncadd.s32 $0xFFFFC000  }
0xff: {  	[tilespmem:s8], [sflag:$0x3] =	stream.linear.gather [hbm4b:s15+s5], $0x80, $0x38;
	[tilespmem:$0x8100] =	vst v63  }
0x100: {  	_ =	swait.ge [sflag:s6], $0x80  }
0x101: {  	[sflag:s6] =	ssyncset.done $0x0  }
0x102: {  	[sflag:s6] =	ssyncadd.s32 $0xFFFFFF80  }
0x103: {  	[tilespmem:s9], [sflag:$0x2] =	stream.indirect.gather [hbm4b:s4+s7], $0x80, s8, s7, $0xb8;
	[tilespmem:$0x8100] =	vst v63  }
0x104: {  	_ =	swait.ge [sflag:s10], $0x4000  }
0x105: {  	[sflag:s10] =	ssyncset.done $0x0  }
0x106: {  	s25 =	sadd.s32 s0, s25;
	[sflag:s10] =	ssyncadd.s32 $0xFFFFC000  }
0x107: {  	[hbm4b:s25+s5] =	stream.linear.scatter [tilespmem:s7], [sflag:$0x3], $0x4000, $0x38;
	[tilespmem:$0x8100] =	vst v63  }
0x108: {  	_ =	swait.ge [sflag:s6], $0x4000  }
0x109: {  	[sflag:s6] =	ssyncset.done $0x0  }
0x10a: {  	[sflag:s6] =	ssyncadd.s32 $0xFFFFC000  }
0x10b: {  	[tilespmem:s5], [sflag:$0x3] =	stream.linear.gather [hbm4b:s16+s5], $0x80, $0x38;
	[tilespmem:$0x8100] =	vst v63  }
0x10c: {  	_ =	swait.ge [sflag:s6], $0x80  }
0x10d: {  	[sflag:s6] =	ssyncset.done $0x0  }
0x10e: {  	[sflag:s6] =	ssyncadd.s32 $0xFFFFFF80  }
0x10f: {  	[tilespmem:s7], [sflag:$0x1] =	stream.indirect.gather [hbm4b:s4+s7], $0x80, s5, s7, $0xb8;
	[tilespmem:$0x8100] =	vst v63  }
0x110: {  	_ =	swait.ge [sflag:s11], $0x4000  }
0x111: {  	[sflag:s11] =	ssyncset.done $0x0  }
0x112: {  	s26 =	sadd.s32 s0, s26;
	[sflag:s11] =	ssyncadd.s32 $0xFFFFC000  }
0x113: {  	[hbm4b:s26+s5] =	stream.linear.scatter [tilespmem:s9], [sflag:$0x3], $0x4000, $0x38;
	[tilespmem:$0x8100] =	vst v63  }
0x114: {  	_ =	swait.ge [sflag:s6], $0x4000  }
0x115: {  	[sflag:s6] =	ssyncset.done $0x0  }
0x116: {  	[sflag:s6] =	ssyncadd.s32 $0xFFFFC000  }
0x117: {  	[tilespmem:s8], [sflag:$0x3] =	stream.linear.gather [hbm4b:s17+s5], $0x80, $0x38;
	[tilespmem:$0x8100] =	vst v63  }
0x118: {  	_ =	swait.ge [sflag:s6], $0x80  }
0x119: {  	[sflag:s6] =	ssyncset.done $0x0  }
0x11a: {  	[sflag:s6] =	ssyncadd.s32 $0xFFFFFF80  }
0x11b: {  	[tilespmem:s9], [sflag:$0x2] =	stream.indirect.gather [hbm4b:s4+s7], $0x80, s8, s7, $0xb8;
	[tilespmem:$0x8100] =	vst v63  }
0x11c: {  	_ =	swait.ge [sflag:s10], $0x4000  }
0x11d: {  	[sflag:s10] =	ssyncset.done $0x0  }
0x11e: {  	s28 =	sadd.s32 s0, s28;
	[sflag:s10] =	ssyncadd.s32 $0xFFFFC000  }
0x11f: {  	[hbm4b:s28+s5] =	stream.linear.scatter [tilespmem:s7], [sflag:$0x3], $0x4000, $0x38;
	[tilespmem:$0x8100] =	vst v63  }
0x120: {  	_ =	swait.ge [sflag:s6], $0x4000  }
0x121: {  	[sflag:s6] =	ssyncset.done $0x0  }
0x122: {  	[sflag:s6] =	ssyncadd.s32 $0xFFFFC000  }
0x123: {  	[tilespmem:s5], [sflag:$0x3] =	stream.linear.gather [hbm4b:s18+s5], $0x80, $0x38;
	[tilespmem:$0x8100] =	vst v63  }
0x124: {  	_ =	swait.ge [sflag:s6], $0x80  }
0x125: {  	[sflag:s6] =	ssyncset.done $0x0  }
0x126: {  	[sflag:s6] =	ssyncadd.s32 $0xFFFFFF80  }
0x127: {  	[tilespmem:s7], [sflag:$0x1] =	stream.indirect.gather [hbm4b:s4+s7], $0x80, s5, s7, $0xb8;
	[tilespmem:$0x8100] =	vst v63  }
0x128: {  	_ =	swait.ge [sflag:s11], $0x4000  }
0x129: {  	[sflag:s11] =	ssyncset.done $0x0  }
0x12a: {  	s29 =	sadd.s32 s0, s29;
	[sflag:s11] =	ssyncadd.s32 $0xFFFFC000  }
0x12b: {  	[hbm4b:s29+s5] =	stream.linear.scatter [tilespmem:s9], [sflag:$0x3], $0x4000, $0x38;
	[tilespmem:$0x8100] =	vst v63  }
0x12c: {  	_ =	swait.ge [sflag:s6], $0x4000  }
0x12d: {  	[sflag:s6] =	ssyncset.done $0x0  }
0x12e: {  	[sflag:s6] =	ssyncadd.s32 $0xFFFFC000  }
0x12f: {  	[tilespmem:s8], [sflag:$0x3] =	stream.linear.gather [hbm4b:s20+s5], $0x80, $0x38;
	[tilespmem:$0x8100] =	vst v63  }
0x130: {  	_ =	swait.ge [sflag:s6], $0x80  }
0x131: {  	[sflag:s6] =	ssyncset.done $0x0  }
0x132: {  	[sflag:s6] =	ssyncadd.s32 $0xFFFFFF80  }
0x133: {  	[tilespmem:s9], [sflag:$0x2] =	stream.indirect.gather [hbm4b:s4+s7], $0x80, s8, s7, $0xb8;
	[tilespmem:$0x8100] =	vst v63  }
0x134: {  	_ =	swait.ge [sflag:s10], $0x4000  }
0x135: {  	[sflag:s10] =	ssyncset.done $0x0  }
0x136: {  	s30 =	sadd.s32 s0, s30;
	[sflag:s10] =	ssyncadd.s32 $0xFFFFC000  }
0x137: {  	[hbm4b:s30+s5] =	stream.linear.scatter [tilespmem:s7], [sflag:$0x3], $0x4000, $0x38;
	[tilespmem:$0x8100] =	vst v63  }
0x138: {  	_ =	swait.ge [sflag:s6], $0x4000  }
0x139: {  	s2 =	rddreg [dreg:$0x1a]  }
0x13a: {  	s2 =	ssub.s32 $0x2, s2  }
0x13b: {  	s31 =	sshrl.u32 s2, $0x1  }
0x13c: {  	s2 =	ssub.s32 s2, s31  }
0x13d: {  	[sflag:s6] =	ssyncset.done $0x0;
	s2 =	smax.u32 s2, $0x1  }
0x13e: {  	[sflag:s6] =	ssyncadd.s32 $0xFFFFC000;
	p0 =	sne.s32 s2, $0x1  }
.Ltmp0:
0x13f: {  	_ =	swait.ge [sflag:s11], $0x4000;
	(pc) =	sbr.rel @!p0 .LBB2_2-.Ltmp0, $4  }
0x140: {  	[sflag:s11] =	ssyncset.done $0x0;
	s31 =	rddreg [dreg:$0x1b]  }
0x141: {  	s31 =	sadd.s32 s0, s31;
	[sflag:s11] =	ssyncadd.s32 $0xFFFFC000  }
0x142: {  	[hbm4b:s31+s5] =	stream.linear.scatter [tilespmem:s9], [sflag:$0x3], $0x4000, $0x38;
	[tilespmem:$0x8100] =	vst v63  }
0x143: {  	s2 =	sadd.s32 $0xFFFFFFFF, s2;
	_ =	swait.ge [sflag:s6], $0x4000  }
.LBB2_1:
0x144: {  	[sflag:s6] =	ssyncset.done $0x0  }
0x145: {  	s0 =	rddreg [dreg:$0x5];
	[sflag:s6] =	ssyncadd.s32 $0xFFFFC000  }
0x146: {  	[tilespmem:s5], [sflag:$0x3] =	stream.linear.gather [hbm4b:s0+s5], $0x80, $0x38;
	[tilespmem:$0x8100] =	vst v63  }
0x147: {  	_ =	swait.ge [sflag:s6], $0x80  }
0x148: {  	[sflag:s6] =	ssyncset.done $0x0  }
0x149: {  	[sflag:s6] =	ssyncadd.s32 $0xFFFFFF80  }
0x14a: {  	[tilespmem:s7], [sflag:$0x1] =	stream.indirect.gather [hbm4b:s1+s7], $0x80, s5, s7, $0xb8;
	[tilespmem:$0x8100] =	vst v63  }
0x14b: {  	s0 =	rddreg [dreg:$0x6]  }
0x14c: {  	[tilespmem:s8], [sflag:$0x3] =	stream.linear.gather [hbm4b:s0+s5], $0x80, $0x38;
	[tilespmem:$0x8100] =	vst v63  }
0x14d: {  	_ =	swait.ge [sflag:s6], $0x80  }
0x14e: {  	[sflag:s6] =	ssyncset.done $0x0  }
0x14f: {  	[sflag:s6] =	ssyncadd.s32 $0xFFFFFF80  }
0x150: {  	[tilespmem:s9], [sflag:$0x2] =	stream.indirect.gather [hbm4b:s1+s7], $0x80, s8, s7, $0xb8;
	[tilespmem:$0x8100] =	vst v63  }
0x151: {  	_ =	swait.ge [sflag:s10], $0x4000  }
0x152: {  	[sflag:s10] =	ssyncset.done $0x0  }
0x153: {  	s0 =	rddreg [dreg:$0x7];
	[sflag:s10] =	ssyncadd.s32 $0xFFFFC000  }
0x154: {  	[hbm4b:s0+s5] =	stream.linear.scatter [tilespmem:s7], [sflag:$0x3], $0x4000, $0x38;
	[tilespmem:$0x8100] =	vst v63  }
0x155: {  	_ =	swait.ge [sflag:s6], $0x4000  }
0x156: {  	[sflag:s6] =	ssyncset.done $0x0  }
0x157: {  	s0 =	rddreg [dreg:$0x8];
	[sflag:s6] =	ssyncadd.s32 $0xFFFFC000  }
0x158: {  	[tilespmem:s5], [sflag:$0x3] =	stream.linear.gather [hbm4b:s0+s5], $0x80, $0x38;
	[tilespmem:$0x8100] =	vst v63  }
0x159: {  	_ =	swait.ge [sflag:s6], $0x80  }
0x15a: {  	[sflag:s6] =	ssyncset.done $0x0  }
0x15b: {  	[sflag:s6] =	ssyncadd.s32 $0xFFFFFF80  }
0x15c: {  	[tilespmem:s7], [sflag:$0x1] =	stream.indirect.gather [hbm4b:s1+s7], $0x80, s5, s7, $0xb8;
	[tilespmem:$0x8100] =	vst v63  }
0x15d: {  	_ =	swait.ge [sflag:s11], $0x4000  }
0x15e: {  	[sflag:s11] =	ssyncset.done $0x0  }
0x15f: {  	s0 =	rddreg [dreg:$0x9];
	[sflag:s11] =	ssyncadd.s32 $0xFFFFC000  }
0x160: {  	[hbm4b:s0+s5] =	stream.linear.scatter [tilespmem:s9], [sflag:$0x3], $0x4000, $0x38;
	[tilespmem:$0x8100] =	vst v63  }
0x161: {  	_ =	swait.ge [sflag:s6], $0x4000  }
0x162: {  	[sflag:s6] =	ssyncset.done $0x0  }
0x163: {  	s0 =	rddreg [dreg:$0xa];
	[sflag:s6] =	ssyncadd.s32 $0xFFFFC000  }
0x164: {  	[tilespmem:s8], [sflag:$0x3] =	stream.linear.gather [hbm4b:s0+s5], $0x80, $0x38;
	[tilespmem:$0x8100] =	vst v63  }
0x165: {  	_ =	swait.ge [sflag:s6], $0x80  }
0x166: {  	[sflag:s6] =	ssyncset.done $0x0  }
0x167: {  	[sflag:s6] =	ssyncadd.s32 $0xFFFFFF80  }
0x168: {  	[tilespmem:s9], [sflag:$0x2] =	stream.indirect.gather [hbm4b:s1+s7], $0x80, s8, s7, $0xb8;
	[tilespmem:$0x8100] =	vst v63  }
0x169: {  	_ =	swait.ge [sflag:s10], $0x4000  }
0x16a: {  	[sflag:s10] =	ssyncset.done $0x0  }
0x16b: {  	s0 =	rddreg [dreg:$0xb];
	[sflag:s10] =	ssyncadd.s32 $0xFFFFC000  }
0x16c: {  	[hbm4b:s0+s5] =	stream.linear.scatter [tilespmem:s7], [sflag:$0x3], $0x4000, $0x38;
	[tilespmem:$0x8100] =	vst v63  }
0x16d: {  	_ =	swait.ge [sflag:s6], $0x4000  }
0x16e: {  	[sflag:s6] =	ssyncset.done $0x0  }
0x16f: {  	s0 =	rddreg [dreg:$0xc];
	[sflag:s6] =	ssyncadd.s32 $0xFFFFC000  }
0x170: {  	[tilespmem:s5], [sflag:$0x3] =	stream.linear.gather [hbm4b:s0+s5], $0x80, $0x38;
	[tilespmem:$0x8100] =	vst v63  }
0x171: {  	_ =	swait.ge [sflag:s6], $0x80  }
0x172: {  	[sflag:s6] =	ssyncset.done $0x0  }
0x173: {  	[sflag:s6] =	ssyncadd.s32 $0xFFFFFF80  }
0x174: {  	[tilespmem:s7], [sflag:$0x1] =	stream.indirect.gather [hbm4b:s1+s7], $0x80, s5, s7, $0xb8;
	[tilespmem:$0x8100] =	vst v63  }
0x175: {  	_ =	swait.ge [sflag:s11], $0x4000  }
0x176: {  	[sflag:s11] =	ssyncset.done $0x0  }
0x177: {  	s0 =	rddreg [dreg:$0xd];
	[sflag:s11] =	ssyncadd.s32 $0xFFFFC000  }
0x178: {  	[hbm4b:s0+s5] =	stream.linear.scatter [tilespmem:s9], [sflag:$0x3], $0x4000, $0x38;
	[tilespmem:$0x8100] =	vst v63  }
0x179: {  	_ =	swait.ge [sflag:s6], $0x4000  }
0x17a: {  	[sflag:s6] =	ssyncset.done $0x0  }
0x17b: {  	s0 =	rddreg [dreg:$0xe];
	[sflag:s6] =	ssyncadd.s32 $0xFFFFC000  }
0x17c: {  	[tilespmem:s8], [sflag:$0x3] =	stream.linear.gather [hbm4b:s0+s5], $0x80, $0x38;
	[tilespmem:$0x8100] =	vst v63  }
0x17d: {  	_ =	swait.ge [sflag:s6], $0x80  }
0x17e: {  	[sflag:s6] =	ssyncset.done $0x0  }
0x17f: {  	[sflag:s6] =	ssyncadd.s32 $0xFFFFFF80  }
0x180: {  	[tilespmem:s9], [sflag:$0x2] =	stream.indirect.gather [hbm4b:s1+s7], $0x80, s8, s7, $0xb8;
	[tilespmem:$0x8100] =	vst v63  }
0x181: {  	_ =	swait.ge [sflag:s10], $0x4000  }
0x182: {  	[sflag:s10] =	ssyncset.done $0x0  }
0x183: {  	s0 =	rddreg [dreg:$0xf];
	[sflag:s10] =	ssyncadd.s32 $0xFFFFC000  }
0x184: {  	[hbm4b:s0+s5] =	stream.linear.scatter [tilespmem:s7], [sflag:$0x3], $0x4000, $0x38;
	[tilespmem:$0x8100] =	vst v63  }
0x185: {  	_ =	swait.ge [sflag:s6], $0x4000  }
0x186: {  	[sflag:s6] =	ssyncset.done $0x0  }
0x187: {  	s0 =	rddreg [dreg:$0x10];
	[sflag:s6] =	ssyncadd.s32 $0xFFFFC000  }
0x188: {  	[tilespmem:s5], [sflag:$0x3] =	stream.linear.gather [hbm4b:s0+s5], $0x80, $0x38;
	[tilespmem:$0x8100] =	vst v63  }
0x189: {  	_ =	swait.ge [sflag:s6], $0x80  }
0x18a: {  	[sflag:s6] =	ssyncset.done $0x0  }
0x18b: {  	[sflag:s6] =	ssyncadd.s32 $0xFFFFFF80  }
0x18c: {  	[tilespmem:s7], [sflag:$0x1] =	stream.indirect.gather [hbm4b:s1+s7], $0x80, s5, s7, $0xb8;
	[tilespmem:$0x8100] =	vst v63  }
0x18d: {  	_ =	swait.ge [sflag:s11], $0x4000  }
0x18e: {  	[sflag:s11] =	ssyncset.done $0x0  }
0x18f: {  	s0 =	rddreg [dreg:$0x11];
	[sflag:s11] =	ssyncadd.s32 $0xFFFFC000  }
0x190: {  	[hbm4b:s0+s5] =	stream.linear.scatter [tilespmem:s9], [sflag:$0x3], $0x4000, $0x38;
	[tilespmem:$0x8100] =	vst v63  }
0x191: {  	_ =	swait.ge [sflag:s6], $0x4000  }
0x192: {  	[sflag:s6] =	ssyncset.done $0x0  }
0x193: {  	s0 =	rddreg [dreg:$0x12];
	[sflag:s6] =	ssyncadd.s32 $0xFFFFC000  }
0x194: {  	[tilespmem:s8], [sflag:$0x3] =	stream.linear.gather [hbm4b:s0+s5], $0x80, $0x38;
	[tilespmem:$0x8100] =	vst v63  }
0x195: {  	_ =	swait.ge [sflag:s6], $0x80  }
0x196: {  	[sflag:s6] =	ssyncset.done $0x0  }
0x197: {  	[sflag:s6] =	ssyncadd.s32 $0xFFFFFF80  }
0x198: {  	[tilespmem:s9], [sflag:$0x2] =	stream.indirect.gather [hbm4b:s1+s7], $0x80, s8, s7, $0xb8;
	[tilespmem:$0x8100] =	vst v63  }
0x199: {  	_ =	swait.ge [sflag:s10], $0x4000  }
0x19a: {  	[sflag:s10] =	ssyncset.done $0x0  }
0x19b: {  	s0 =	rddreg [dreg:$0x13];
	[sflag:s10] =	ssyncadd.s32 $0xFFFFC000  }
0x19c: {  	[hbm4b:s0+s5] =	stream.linear.scatter [tilespmem:s7], [sflag:$0x3], $0x4000, $0x38;
	[tilespmem:$0x8100] =	vst v63  }
0x19d: {  	_ =	swait.ge [sflag:s6], $0x4000  }
0x19e: {  	[sflag:s6] =	ssyncset.done $0x0  }
0x19f: {  	[sflag:s6] =	ssyncadd.s32 $0xFFFFC000  }
0x1a0: {  	[tilespmem:s5], [sflag:$0x3] =	stream.linear.gather [hbm4b:s12+s5], $0x80, $0x38;
	[tilespmem:$0x8100] =	vst v63  }
0x1a1: {  	_ =	swait.ge [sflag:s6], $0x80  }
0x1a2: {  	[sflag:s6] =	ssyncset.done $0x0  }
0x1a3: {  	[sflag:s6] =	ssyncadd.s32 $0xFFFFFF80  }
0x1a4: {  	[tilespmem:s7], [sflag:$0x1] =	stream.indirect.gather [hbm4b:s3+s7], $0x80, s5, s7, $0xb8;
	[tilespmem:$0x8100] =	vst v63  }
0x1a5: {  	_ =	swait.ge [sflag:s11], $0x4000  }
0x1a6: {  	[sflag:s11] =	ssyncset.done $0x0  }
0x1a7: {  	s0 =	rddreg [dreg:$0x14];
	[sflag:s11] =	ssyncadd.s32 $0xFFFFC000  }
0x1a8: {  	[hbm4b:s0+s5] =	stream.linear.scatter [tilespmem:s9], [sflag:$0x3], $0x4000, $0x38;
	[tilespmem:$0x8100] =	vst v63  }
0x1a9: {  	_ =	swait.ge [sflag:s6], $0x4000  }
0x1aa: {  	[sflag:s6] =	ssyncset.done $0x0  }
0x1ab: {  	[sflag:s6] =	ssyncadd.s32 $0xFFFFC000  }
0x1ac: {  	[tilespmem:s8], [sflag:$0x3] =	stream.linear.gather [hbm4b:s13+s5], $0x80, $0x38;
	[tilespmem:$0x8100] =	vst v63  }
0x1ad: {  	_ =	swait.ge [sflag:s6], $0x80  }
0x1ae: {  	[sflag:s6] =	ssyncset.done $0x0  }
0x1af: {  	[sflag:s6] =	ssyncadd.s32 $0xFFFFFF80  }
0x1b0: {  	[tilespmem:s9], [sflag:$0x2] =	stream.indirect.gather [hbm4b:s3+s7], $0x80, s8, s7, $0xb8;
	[tilespmem:$0x8100] =	vst v63  }
0x1b1: {  	_ =	swait.ge [sflag:s10], $0x4000  }
0x1b2: {  	[sflag:s10] =	ssyncset.done $0x0  }
0x1b3: {  	s0 =	rddreg [dreg:$0x15];
	[sflag:s10] =	ssyncadd.s32 $0xFFFFC000  }
0x1b4: {  	[hbm4b:s0+s5] =	stream.linear.scatter [tilespmem:s7], [sflag:$0x3], $0x4000, $0x38;
	[tilespmem:$0x8100] =	vst v63  }
0x1b5: {  	_ =	swait.ge [sflag:s6], $0x4000  }
0x1b6: {  	[sflag:s6] =	ssyncset.done $0x0  }
0x1b7: {  	[sflag:s6] =	ssyncadd.s32 $0xFFFFC000  }
0x1b8: {  	[tilespmem:s5], [sflag:$0x3] =	stream.linear.gather [hbm4b:s14+s5], $0x80, $0x38;
	[tilespmem:$0x8100] =	vst v63  }
0x1b9: {  	_ =	swait.ge [sflag:s6], $0x80  }
0x1ba: {  	[sflag:s6] =	ssyncset.done $0x0  }
0x1bb: {  	[sflag:s6] =	ssyncadd.s32 $0xFFFFFF80  }
0x1bc: {  	[tilespmem:s7], [sflag:$0x1] =	stream.indirect.gather [hbm4b:s3+s7], $0x80, s5, s7, $0xb8;
	[tilespmem:$0x8100] =	vst v63  }
0x1bd: {  	_ =	swait.ge [sflag:s11], $0x4000  }
0x1be: {  	[sflag:s11] =	ssyncset.done $0x0  }
0x1bf: {  	s0 =	rddreg [dreg:$0x16];
	[sflag:s11] =	ssyncadd.s32 $0xFFFFC000  }
0x1c0: {  	[hbm4b:s0+s5] =	stream.linear.scatter [tilespmem:s9], [sflag:$0x3], $0x4000, $0x38;
	[tilespmem:$0x8100] =	vst v63  }
0x1c1: {  	_ =	swait.ge [sflag:s6], $0x4000  }
0x1c2: {  	[sflag:s6] =	ssyncset.done $0x0  }
0x1c3: {  	[sflag:s6] =	ssyncadd.s32 $0xFFFFC000  }
0x1c4: {  	[tilespmem:s8], [sflag:$0x3] =	stream.linear.gather [hbm4b:s15+s5], $0x80, $0x38;
	[tilespmem:$0x8100] =	vst v63  }
0x1c5: {  	_ =	swait.ge [sflag:s6], $0x80  }
0x1c6: {  	[sflag:s6] =	ssyncset.done $0x0  }
0x1c7: {  	[sflag:s6] =	ssyncadd.s32 $0xFFFFFF80  }
0x1c8: {  	[tilespmem:s9], [sflag:$0x2] =	stream.indirect.gather [hbm4b:s3+s7], $0x80, s8, s7, $0xb8;
	[tilespmem:$0x8100] =	vst v63  }
0x1c9: {  	_ =	swait.ge [sflag:s10], $0x4000  }
0x1ca: {  	[sflag:s10] =	ssyncset.done $0x0  }
0x1cb: {  	s0 =	rddreg [dreg:$0x17];
	[sflag:s10] =	ssyncadd.s32 $0xFFFFC000  }
0x1cc: {  	[hbm4b:s0+s5] =	stream.linear.scatter [tilespmem:s7], [sflag:$0x3], $0x4000, $0x38;
	[tilespmem:$0x8100] =	vst v63  }
0x1cd: {  	_ =	swait.ge [sflag:s6], $0x4000  }
0x1ce: {  	[sflag:s6] =	ssyncset.done $0x0  }
0x1cf: {  	[sflag:s6] =	ssyncadd.s32 $0xFFFFC000  }
0x1d0: {  	[tilespmem:s5], [sflag:$0x3] =	stream.linear.gather [hbm4b:s16+s5], $0x80, $0x38;
	[tilespmem:$0x8100] =	vst v63  }
0x1d1: {  	_ =	swait.ge [sflag:s6], $0x80  }
0x1d2: {  	[sflag:s6] =	ssyncset.done $0x0  }
0x1d3: {  	[sflag:s6] =	ssyncadd.s32 $0xFFFFFF80  }
0x1d4: {  	[tilespmem:s7], [sflag:$0x1] =	stream.indirect.gather [hbm4b:s3+s7], $0x80, s5, s7, $0xb8;
	[tilespmem:$0x8100] =	vst v63  }
0x1d5: {  	_ =	swait.ge [sflag:s11], $0x4000  }
0x1d6: {  	[sflag:s11] =	ssyncset.done $0x0  }
0x1d7: {  	s0 =	rddreg [dreg:$0x18];
	[sflag:s11] =	ssyncadd.s32 $0xFFFFC000  }
0x1d8: {  	[hbm4b:s0+s5] =	stream.linear.scatter [tilespmem:s9], [sflag:$0x3], $0x4000, $0x38;
	[tilespmem:$0x8100] =	vst v63  }
0x1d9: {  	_ =	swait.ge [sflag:s6], $0x4000  }
0x1da: {  	[sflag:s6] =	ssyncset.done $0x0  }
0x1db: {  	[sflag:s6] =	ssyncadd.s32 $0xFFFFC000  }
0x1dc: {  	[tilespmem:s8], [sflag:$0x3] =	stream.linear.gather [hbm4b:s17+s5], $0x80, $0x38;
	[tilespmem:$0x8100] =	vst v63  }
0x1dd: {  	_ =	swait.ge [sflag:s6], $0x80  }
0x1de: {  	[sflag:s6] =	ssyncset.done $0x0  }
0x1df: {  	[sflag:s6] =	ssyncadd.s32 $0xFFFFFF80  }
0x1e0: {  	[tilespmem:s9], [sflag:$0x2] =	stream.indirect.gather [hbm4b:s3+s7], $0x80, s8, s7, $0xb8;
	[tilespmem:$0x8100] =	vst v63  }
0x1e1: {  	_ =	swait.ge [sflag:s10], $0x4000  }
0x1e2: {  	[sflag:s10] =	ssyncset.done $0x0  }
0x1e3: {  	s0 =	rddreg [dreg:$0x19];
	[sflag:s10] =	ssyncadd.s32 $0xFFFFC000  }
0x1e4: {  	[hbm4b:s0+s5] =	stream.linear.scatter [tilespmem:s7], [sflag:$0x3], $0x4000, $0x38;
	[tilespmem:$0x8100] =	vst v63  }
0x1e5: {  	_ =	swait.ge [sflag:s6], $0x4000  }
0x1e6: {  	[sflag:s6] =	ssyncset.done $0x0  }
0x1e7: {  	[sflag:s6] =	ssyncadd.s32 $0xFFFFC000  }
0x1e8: {  	[tilespmem:s5], [sflag:$0x3] =	stream.linear.gather [hbm4b:s18+s5], $0x80, $0x38;
	[tilespmem:$0x8100] =	vst v63  }
0x1e9: {  	_ =	swait.ge [sflag:s6], $0x80  }
0x1ea: {  	[sflag:s6] =	ssyncset.done $0x0  }
0x1eb: {  	[sflag:s6] =	ssyncadd.s32 $0xFFFFFF80  }
0x1ec: {  	[tilespmem:s7], [sflag:$0x1] =	stream.indirect.gather [hbm4b:s3+s7], $0x80, s5, s7, $0xb8;
	[tilespmem:$0x8100] =	vst v63  }
0x1ed: {  	_ =	swait.ge [sflag:s11], $0x4000  }
0x1ee: {  	[sflag:s11] =	ssyncset.done $0x0  }
0x1ef: {  	[sflag:s11] =	ssyncadd.s32 $0xFFFFC000  }
0x1f0: {  	[hbm4b:s19+s5] =	stream.linear.scatter [tilespmem:s9], [sflag:$0x3], $0x4000, $0x38;
	[tilespmem:$0x8100] =	vst v63  }
0x1f1: {  	_ =	swait.ge [sflag:s6], $0x4000  }
0x1f2: {  	[sflag:s6] =	ssyncset.done $0x0  }
0x1f3: {  	[sflag:s6] =	ssyncadd.s32 $0xFFFFC000  }
0x1f4: {  	[tilespmem:s8], [sflag:$0x3] =	stream.linear.gather [hbm4b:s20+s5], $0x80, $0x38;
	[tilespmem:$0x8100] =	vst v63  }
0x1f5: {  	_ =	swait.ge [sflag:s6], $0x80  }
0x1f6: {  	[sflag:s6] =	ssyncset.done $0x0  }
0x1f7: {  	[sflag:s6] =	ssyncadd.s32 $0xFFFFFF80  }
0x1f8: {  	[tilespmem:s9], [sflag:$0x2] =	stream.indirect.gather [hbm4b:s3+s7], $0x80, s8, s7, $0xb8;
	[tilespmem:$0x8100] =	vst v63  }
0x1f9: {  	_ =	swait.ge [sflag:s10], $0x4000  }
0x1fa: {  	[sflag:s10] =	ssyncset.done $0x0  }
0x1fb: {  	[sflag:s10] =	ssyncadd.s32 $0xFFFFC000  }
0x1fc: {  	[hbm4b:s21+s5] =	stream.linear.scatter [tilespmem:s7], [sflag:$0x3], $0x4000, $0x38;
	[tilespmem:$0x8100] =	vst v63  }
0x1fd: {  	_ =	swait.ge [sflag:s6], $0x4000  }
0x1fe: {  	[sflag:s6] =	ssyncset.done $0x0  }
0x1ff: {  	[sflag:s6] =	ssyncadd.s32 $0xFFFFC000  }
0x200: {  	[tilespmem:s5], [sflag:$0x3] =	stream.linear.gather [hbm4b:s12+s5], $0x80, $0x38;
	[tilespmem:$0x8100] =	vst v63  }
0x201: {  	_ =	swait.ge [sflag:s6], $0x80  }
0x202: {  	[sflag:s6] =	ssyncset.done $0x0  }
0x203: {  	[sflag:s6] =	ssyncadd.s32 $0xFFFFFF80  }
0x204: {  	[tilespmem:s7], [sflag:$0x1] =	stream.indirect.gather [hbm4b:s4+s7], $0x80, s5, s7, $0xb8;
	[tilespmem:$0x8100] =	vst v63  }
0x205: {  	_ =	swait.ge [sflag:s11], $0x4000  }
0x206: {  	[sflag:s11] =	ssyncset.done $0x0  }
0x207: {  	[sflag:s11] =	ssyncadd.s32 $0xFFFFC000  }
0x208: {  	[hbm4b:s22+s5] =	stream.linear.scatter [tilespmem:s9], [sflag:$0x3], $0x4000, $0x38;
	[tilespmem:$0x8100] =	vst v63  }
0x209: {  	_ =	swait.ge [sflag:s6], $0x4000  }
0x20a: {  	[sflag:s6] =	ssyncset.done $0x0  }
0x20b: {  	[sflag:s6] =	ssyncadd.s32 $0xFFFFC000  }
0x20c: {  	[tilespmem:s8], [sflag:$0x3] =	stream.linear.gather [hbm4b:s13+s5], $0x80, $0x38;
	[tilespmem:$0x8100] =	vst v63  }
0x20d: {  	_ =	swait.ge [sflag:s6], $0x80  }
0x20e: {  	[sflag:s6] =	ssyncset.done $0x0  }
0x20f: {  	[sflag:s6] =	ssyncadd.s32 $0xFFFFFF80  }
0x210: {  	[tilespmem:s9], [sflag:$0x2] =	stream.indirect.gather [hbm4b:s4+s7], $0x80, s8, s7, $0xb8;
	[tilespmem:$0x8100] =	vst v63  }
0x211: {  	_ =	swait.ge [sflag:s10], $0x4000  }
0x212: {  	[sflag:s10] =	ssyncset.done $0x0  }
0x213: {  	[sflag:s10] =	ssyncadd.s32 $0xFFFFC000  }
0x214: {  	[hbm4b:s23+s5] =	stream.linear.scatter [tilespmem:s7], [sflag:$0x3], $0x4000, $0x38;
	[tilespmem:$0x8100] =	vst v63  }
0x215: {  	_ =	swait.ge [sflag:s6], $0x4000  }
0x216: {  	[sflag:s6] =	ssyncset.done $0x0  }
0x217: {  	[sflag:s6] =	ssyncadd.s32 $0xFFFFC000  }
0x218: {  	[tilespmem:s5], [sflag:$0x3] =	stream.linear.gather [hbm4b:s14+s5], $0x80, $0x38;
	[tilespmem:$0x8100] =	vst v63  }
0x219: {  	_ =	swait.ge [sflag:s6], $0x80  }
0x21a: {  	[sflag:s6] =	ssyncset.done $0x0  }
0x21b: {  	[sflag:s6] =	ssyncadd.s32 $0xFFFFFF80  }
0x21c: {  	[tilespmem:s7], [sflag:$0x1] =	stream.indirect.gather [hbm4b:s4+s7], $0x80, s5, s7, $0xb8;
	[tilespmem:$0x8100] =	vst v63  }
0x21d: {  	_ =	swait.ge [sflag:s11], $0x4000  }
0x21e: {  	[sflag:s11] =	ssyncset.done $0x0  }
0x21f: {  	[sflag:s11] =	ssyncadd.s32 $0xFFFFC000  }
0x220: {  	[hbm4b:s24+s5] =	stream.linear.scatter [tilespmem:s9], [sflag:$0x3], $0x4000, $0x38;
	[tilespmem:$0x8100] =	vst v63  }
0x221: {  	_ =	swait.ge [sflag:s6], $0x4000  }
0x222: {  	[sflag:s6] =	ssyncset.done $0x0  }
0x223: {  	[sflag:s6] =	ssyncadd.s32 $0xFFFFC000  }
0x224: {  	[tilespmem:s8], [sflag:$0x3] =	stream.linear.gather [hbm4b:s15+s5], $0x80, $0x38;
	[tilespmem:$0x8100] =	vst v63  }
0x225: {  	_ =	swait.ge [sflag:s6], $0x80  }
0x226: {  	[sflag:s6] =	ssyncset.done $0x0  }
0x227: {  	[sflag:s6] =	ssyncadd.s32 $0xFFFFFF80  }
0x228: {  	[tilespmem:s9], [sflag:$0x2] =	stream.indirect.gather [hbm4b:s4+s7], $0x80, s8, s7, $0xb8;
	[tilespmem:$0x8100] =	vst v63  }
0x229: {  	_ =	swait.ge [sflag:s10], $0x4000  }
0x22a: {  	[sflag:s10] =	ssyncset.done $0x0  }
0x22b: {  	[sflag:s10] =	ssyncadd.s32 $0xFFFFC000  }
0x22c: {  	[hbm4b:s25+s5] =	stream.linear.scatter [tilespmem:s7], [sflag:$0x3], $0x4000, $0x38;
	[tilespmem:$0x8100] =	vst v63  }
0x22d: {  	_ =	swait.ge [sflag:s6], $0x4000  }
0x22e: {  	[sflag:s6] =	ssyncset.done $0x0  }
0x22f: {  	[sflag:s6] =	ssyncadd.s32 $0xFFFFC000  }
0x230: {  	[tilespmem:s5], [sflag:$0x3] =	stream.linear.gather [hbm4b:s16+s5], $0x80, $0x38;
	[tilespmem:$0x8100] =	vst v63  }
0x231: {  	_ =	swait.ge [sflag:s6], $0x80  }
0x232: {  	[sflag:s6] =	ssyncset.done $0x0  }
0x233: {  	[sflag:s6] =	ssyncadd.s32 $0xFFFFFF80  }
0x234: {  	[tilespmem:s7], [sflag:$0x1] =	stream.indirect.gather [hbm4b:s4+s7], $0x80, s5, s7, $0xb8;
	[tilespmem:$0x8100] =	vst v63  }
0x235: {  	_ =	swait.ge [sflag:s11], $0x4000  }
0x236: {  	[sflag:s11] =	ssyncset.done $0x0  }
0x237: {  	[sflag:s11] =	ssyncadd.s32 $0xFFFFC000  }
0x238: {  	[hbm4b:s26+s5] =	stream.linear.scatter [tilespmem:s9], [sflag:$0x3], $0x4000, $0x38;
	[tilespmem:$0x8100] =	vst v63  }
0x239: {  	_ =	swait.ge [sflag:s6], $0x4000  }
0x23a: {  	[sflag:s6] =	ssyncset.done $0x0  }
0x23b: {  	[sflag:s6] =	ssyncadd.s32 $0xFFFFC000  }
0x23c: {  	[tilespmem:s8], [sflag:$0x3] =	stream.linear.gather [hbm4b:s17+s5], $0x80, $0x38;
	[tilespmem:$0x8100] =	vst v63  }
0x23d: {  	_ =	swait.ge [sflag:s6], $0x80  }
0x23e: {  	[sflag:s6] =	ssyncset.done $0x0  }
0x23f: {  	[sflag:s6] =	ssyncadd.s32 $0xFFFFFF80  }
0x240: {  	[tilespmem:s9], [sflag:$0x2] =	stream.indirect.gather [hbm4b:s4+s7], $0x80, s8, s7, $0xb8;
	[tilespmem:$0x8100] =	vst v63  }
0x241: {  	_ =	swait.ge [sflag:s10], $0x4000  }
0x242: {  	[sflag:s10] =	ssyncset.done $0x0  }
0x243: {  	[sflag:s10] =	ssyncadd.s32 $0xFFFFC000  }
0x244: {  	[hbm4b:s28+s5] =	stream.linear.scatter [tilespmem:s7], [sflag:$0x3], $0x4000, $0x38;
	[tilespmem:$0x8100] =	vst v63  }
0x245: {  	_ =	swait.ge [sflag:s6], $0x4000  }
0x246: {  	[sflag:s6] =	ssyncset.done $0x0  }
0x247: {  	[sflag:s6] =	ssyncadd.s32 $0xFFFFC000  }
0x248: {  	[tilespmem:s5], [sflag:$0x3] =	stream.linear.gather [hbm4b:s18+s5], $0x80, $0x38;
	[tilespmem:$0x8100] =	vst v63  }
0x249: {  	_ =	swait.ge [sflag:s6], $0x80  }
0x24a: {  	[sflag:s6] =	ssyncset.done $0x0  }
0x24b: {  	[sflag:s6] =	ssyncadd.s32 $0xFFFFFF80  }
0x24c: {  	[tilespmem:s7], [sflag:$0x1] =	stream.indirect.gather [hbm4b:s4+s7], $0x80, s5, s7, $0xb8;
	[tilespmem:$0x8100] =	vst v63  }
0x24d: {  	_ =	swait.ge [sflag:s11], $0x4000  }
0x24e: {  	[sflag:s11] =	ssyncset.done $0x0  }
0x24f: {  	[sflag:s11] =	ssyncadd.s32 $0xFFFFC000  }
0x250: {  	[hbm4b:s29+s5] =	stream.linear.scatter [tilespmem:s9], [sflag:$0x3], $0x4000, $0x38;
	[tilespmem:$0x8100] =	vst v63  }
0x251: {  	_ =	swait.ge [sflag:s6], $0x4000  }
0x252: {  	[sflag:s6] =	ssyncset.done $0x0  }
0x253: {  	[sflag:s6] =	ssyncadd.s32 $0xFFFFC000  }
0x254: {  	[tilespmem:s8], [sflag:$0x3] =	stream.linear.gather [hbm4b:s20+s5], $0x80, $0x38;
	[tilespmem:$0x8100] =	vst v63  }
0x255: {  	_ =	swait.ge [sflag:s6], $0x80  }
0x256: {  	[sflag:s6] =	ssyncset.done $0x0  }
0x257: {  	[sflag:s6] =	ssyncadd.s32 $0xFFFFFF80  }
0x258: {  	[tilespmem:s9], [sflag:$0x2] =	stream.indirect.gather [hbm4b:s4+s7], $0x80, s8, s7, $0xb8;
	[tilespmem:$0x8100] =	vst v63  }
0x259: {  	_ =	swait.ge [sflag:s10], $0x4000  }
0x25a: {  	[sflag:s10] =	ssyncset.done $0x0  }
0x25b: {  	[sflag:s10] =	ssyncadd.s32 $0xFFFFC000  }
0x25c: {  	[hbm4b:s30+s5] =	stream.linear.scatter [tilespmem:s7], [sflag:$0x3], $0x4000, $0x38;
	[tilespmem:$0x8100] =	vst v63  }
0x25d: {  	_ =	swait.ge [sflag:s6], $0x4000  }
0x25e: {  	[sflag:s6] =	ssyncset.done $0x0  }
0x25f: {  	p0 =	sne.s32 s2, $0x1;
	[sflag:s6] =	ssyncadd.s32 $0xFFFFC000  }
.Ltmp1:
0x260: {  	_ =	swait.ge [sflag:s11], $0x4000;
	(pc) =	sbr.rel @p0 .LBB2_1-.Ltmp1, $4  }
0x261: {  	[sflag:s11] =	ssyncset.done $0x0  }
0x262: {  	[sflag:s11] =	ssyncadd.s32 $0xFFFFC000  }
0x263: {  	[hbm4b:s31+s5] =	stream.linear.scatter [tilespmem:s9], [sflag:$0x3], $0x4000, $0x38;
	[tilespmem:$0x8100] =	vst v63  }
0x264: {  	s2 =	sadd.s32 $0xFFFFFFFF, s2;
	_ =	swait.ge [sflag:s6], $0x4000  }
.LBB2_2:
0x265: {  	[sflag:s6] =	ssyncset.done $0x0  }
0x266: {  	[sflag:s6] =	ssyncadd.s32 $0xFFFFC000  }
0x267: {  	_ =	sfence.sel $0x180000  }
0x268: {  	[bflag:$0x0] =	sbarrier.arrive $0xFFFF  }
0x269: {  	_ =	strace $0x9000004D  }
0x26a: {  	s0 =	stileid.u32;
	[bflag:$0x2] =	sbarrier.arrive $0xFFFF  }
0x26b: {  	p0 =	sne.s32 s0, $0x0;
	s0 =	rddreg [dreg:$0x4]  }
0x26c: {  	s0 =	sadd.s32 @!p0 $0x100000, s0  }
0x26d: {  	[sflag:s0] =	ssyncadd.tile.s32 @!p0 $0x1;
	_ =	shalt  }
.Lfunc_end2:
_tile_overlayer_lowered:
.L_overlay_start_2:
0x26e: {  	(tag) =	ssettag $0x2  }
0x26f: {  	s0 =	rddreg [dreg:$0x0];
	s2 =	stileid.u32  }
0x270: {  	s1 =	rddreg [dreg:$0x1];
	p0 =	sne.s32 s2, $0x0  }
0x271: {  	s3 =	rddreg [dreg:$0x2];
	[bflag:$0x3] =	sbarrier.arrive $0xFFFF;
	s2 =	simm.s32 @!p0 $0x1C03  }
0x272: {  	[timem:s3], [sflag:s2] =	dma.local @!p0 [hbm:s0], s1  }
0x273: {  	s0 =	simm.s32 @!p0 $0x3  }
0x274: {  	_ =	swait.ge @!p0 [sflag:s0], s1  }
0x275: {  	s1 =	ssub.s32 @!p0 $0x0, s1;
	[sflag:s0] =	ssyncset.done @!p0 $0x0  }
0x276: {  	[sflag:s0] =	ssyncadd.s32 @!p0 s1  }
0x277: {  	[bflag:$0x3] =	sbarrier.arrive $0xFFFF  }
0x278: {  	_ =	shalt  }

// kernel: kernel.8.cloned.1.call-start
scs
__scs_entry_jumppad:
0x0: {  	(pc) =	sbr.rel $0x88, $3  }
0x1: {  	(tag) =	ssettag $0x0;
	lr =	simm.s32 $0x1  }
0x2: {  	[smem:$0x3F9D] =	sst lr;
	_ =	strace $0xD0000000  }
0x3: {  	_ = 	snop  }
0x4: {  	_ = 	snop  }
0x5: {  	_ = 	snop  }
0x6: {  	_ = 	snop  }
0x7: {  	_ = 	snop  }
__scs_overlays_trampoline_lowered:
0x8: {  	[smem:$0x3FAC] =	sst s0  }
0x9: {  	[smem:$0x3FAD] =	sst s1  }
0xa: {  	[smem:$0x3FAE] =	sst s2  }
0xb: {  	[smem:$0x3FAF] =	sst s3  }
0xc: {  	[smem:$0x3FB0] =	sst s4  }
0xd: {  	[smem:$0x3FB1] =	sst s5  }
0xe: {  	[smem:$0x3FB2] =	sst s6  }
0xf: {  	[smem:$0x3FB3] =	sst s7  }
0x10: {  	[smem:$0x3FB4] =	sst s8  }
0x11: {  	[smem:$0x3FB5] =	sst s9;
	s0 =	simm.s32 @!p0 $0x0  }
0x12: {  	s1 =	sld [smem:$0x3F9B];
	s0 =	simm.s32 @p0 $0x1  }
0x13: {  	[smem:$0x3FB6] =	sst s0;
	s0 =	simm.s32 @!p1 $0x0  }
0x14: {  	s2 =	sld [smem:$0x3F9A];
	s0 =	simm.s32 @p1 $0x1  }
0x15: {  	[smem:$0x3FB7] =	sst s0;
	s0 =	simm.s32 @!p2 $0x0  }
0x16: {  	s3 =	sld [smem:$0x3FDB];
	s0 =	simm.s32 @p2 $0x1  }
0x17: {  	s4 =	simm.s32 $0x1BF5;
	[smem:$0x3FB9] =	sst s0  }
0x18: {  	s0 =	sld [smem:$0x3F9C];
	_ =	swait.ge [sflag:s4], $0x0  }
0x19: {  	s7 =	sld [smem:$0x3F9D]  }
0x1a: {  	s8 =	sadd.s32 $0xFFFFE003, lr  }
0x1b: {  	s9 =	sadd.s32 $0xFFFFFEF7, lr;
	s5 =	simm.s32 $0xFFFFFFFF;
	p2 =	slt.u32 s8, $0xFFFFF086  }
0x1c: {  	p1 =	slt.u32 s9, $0xF7A;
	s5 =	simm.s32 @!p2 $0x0  }
0x1d: {  	s5 =	simm.s32 @p1 $0x1;
	p0 =	seq.s32 s7, s2  }
0x1e: {  	s7 =	smul.u32 @!p0 $0xF7A, s2;
	p2 =	seq.s32 @!p0 s5, $0x0  }
0x1f: {  	s9 =	smul.u32 $0xF7A, s1;
	s8 =	simm.s32 @!p0 $0x1BF5;
	p2 =	por !p2, p0  }
0x20: {  	[sflag:s8] =	ssyncset.s32 @!p0 $0xFFFFF086;
	s6 =	sadd.s32 @!p0 s3, s7;
	s7 =	simm.s32 @!p0 $0x108  }
0x21: {  	s3 =	sadd.s32 s3, s9;
	s6 =	sadd.s32 @!p0 $0x88, s6;
	s7 =	simm.s32 @p2 $0x1082  }
0x22: {  	[simem:s7], [sflag:s8] =	dma.local @!p0 [hbm:s6], $0xF7A  }
0x23: {  	s9 =	sor.u32 $0xD0000000, s2;
	s6 =	simm.s32 $0x108;
	_ =	swait.ge @!p0 [sflag:s8], $0x0  }
0x24: {  	s3 =	sadd.s32 $0x88, s3;
	s6 =	simm.s32 @!p1 $0x1082;
	[sflag:s4] =	ssyncset.s32 $0xFFFFF086  }
0x25: {  	[simem:s6], [sflag:s4] =	dma.local [hbm:s3], $0xF7A  }
0x26: {  	[smem:$0x3F9D] =	sst s1;
	(tag) =	ssettag s2;
	_ =	strace s9  }
0x27: {  	s1 =	sld [smem:$0x3FAD]  }
0x28: {  	s2 =	sld [smem:$0x3FAE]  }
0x29: {  	s4 =	sld [smem:$0x3FB0]  }
0x2a: {  	p0 =	seq.s32 s5, $0x0;
	s5 =	sld [smem:$0x3FB1]  }
0x2b: {  	s6 =	sld [smem:$0x3FB2]  }
0x2c: {  	s7 =	sld [smem:$0x3FB3]  }
0x2d: {  	s3 =	simm.s32 $0x108;
	s8 =	sld [smem:$0x3FB4]  }
0x2e: {  	s3 =	simm.s32 @!p0 $0x1082;
	s9 =	sld [smem:$0x3FB5]  }
0x2f: {  	lr =	sadd.s32 s0, s3;
	s0 =	sld [smem:$0x3FAC]  }
0x30: {  	s3 =	sld [smem:$0x3FAF]  }
0x31: {  	[smem:$0x3FB8] =	sst s10  }
0x32: {  	s10 =	sld [smem:$0x3FB6];
	_ =	sdelay $0x3  }
0x33: {  	p0 =	seq.s32 s10, $0x1;
	s10 =	sld [smem:$0x3FB8];
	_ =	sdelay $0x3  }
0x34: {  	[smem:$0x3FB8] =	sst s10  }
0x35: {  	s10 =	sld [smem:$0x3FB7];
	_ =	sdelay $0x3  }
0x36: {  	p1 =	seq.s32 s10, $0x1;
	s10 =	sld [smem:$0x3FB8];
	_ =	sdelay $0x3  }
0x37: {  	[smem:$0x3FB8] =	sst s10  }
0x38: {  	s10 =	sld [smem:$0x3FB9]  }
0x39: {  	_ = 	snop;
	(pc) =	sbr.ind lr, $3  }
0x3a: {  	_ = 	snop  }
0x3b: {  	_ = 	snop  }
0x3c: {  	p2 =	seq.s32 s10, $0x1;
	s10 =	sld [smem:$0x3FB8]  }
0x3d: {  	_ =	shalt  }
0x3e: {  	_ =	shalt  }
0x3f: {  	_ =	shalt  }
0x40: {  	_ =	shalt  }
0x41: {  	_ =	shalt  }
0x42: {  	_ =	shalt  }
0x43: {  	_ =	shalt  }
0x44: {  	_ =	shalt  }
0x45: {  	_ =	shalt  }
0x46: {  	_ =	shalt  }
0x47: {  	_ =	shalt  }
0x48: {  	_ =	shalt  }
0x49: {  	_ =	shalt  }
0x4a: {  	_ =	shalt  }
0x4b: {  	_ =	shalt  }
0x4c: {  	_ =	shalt  }
0x4d: {  	_ =	shalt  }
0x4e: {  	_ =	shalt  }
0x4f: {  	_ =	shalt  }
0x50: {  	_ =	shalt  }
0x51: {  	_ =	shalt  }
0x52: {  	_ =	shalt  }
0x53: {  	_ =	shalt  }
0x54: {  	_ =	shalt  }
0x55: {  	_ =	shalt  }
0x56: {  	_ =	shalt  }
0x57: {  	_ =	shalt  }
0x58: {  	_ =	shalt  }
0x59: {  	_ =	shalt  }
0x5a: {  	_ =	shalt  }
0x5b: {  	_ =	shalt  }
0x5c: {  	_ =	shalt  }
0x5d: {  	_ =	shalt  }
0x5e: {  	_ =	shalt  }
0x5f: {  	_ =	shalt  }
0x60: {  	_ =	shalt  }
0x61: {  	_ =	shalt  }
0x62: {  	_ =	shalt  }
0x63: {  	_ =	shalt  }
0x64: {  	_ =	shalt  }
0x65: {  	_ =	shalt  }
0x66: {  	_ =	shalt  }
0x67: {  	_ =	shalt  }
0x68: {  	_ =	shalt  }
0x69: {  	_ =	shalt  }
0x6a: {  	_ =	shalt  }
0x6b: {  	_ =	shalt  }
0x6c: {  	_ =	shalt  }
0x6d: {  	_ =	shalt  }
0x6e: {  	_ =	shalt  }
0x6f: {  	_ =	shalt  }
0x70: {  	_ =	shalt  }
0x71: {  	_ =	shalt  }
0x72: {  	_ =	shalt  }
0x73: {  	_ =	shalt  }
0x74: {  	_ =	shalt  }
0x75: {  	_ =	shalt  }
0x76: {  	_ =	shalt  }
0x77: {  	_ =	shalt  }
0x78: {  	_ =	shalt  }
0x79: {  	_ =	shalt  }
0x7a: {  	_ =	shalt  }
0x7b: {  	_ =	shalt  }
0x7c: {  	_ =	shalt  }
0x7d: {  	_ =	shalt  }
0x7e: {  	_ =	shalt  }
0x7f: {  	_ =	shalt  }
0x80: {  	_ =	shalt  }
0x81: {  	_ =	shalt  }
0x82: {  	_ =	shalt  }
0x83: {  	_ =	shalt  }
0x84: {  	_ =	shalt  }
0x85: {  	_ =	shalt  }
0x86: {  	_ =	shalt  }
0x87: {  	_ =	shalt  }
.Lfunc_end0:
.L_simem_size_0:
called_computation.3_lowered:
.L_overlay_start_0:
0x88: {  	s2 =	sld [smem:$0x3FD9]  }
0x89: {  	s3 =	sld [smem:$0x3FFE];
	_ =	sdelay $0x1  }
0x8a: {  	s1 =	srdreg.scid  }
0x8b: {  	s0 =	sand.u32 $0x1, s1  }
0x8c: {  	s17 =	sshll.u32 s0, $0xA;
	s2 =	sadd.s32 s3, s2  }
0x8d: {  	s2 =	sadd.s32 s2, s17  }
0x8e: {  	[smem:$0x3FC4] =	sst s2  }
0x8f: {  	_ = 	snop  }
0x90: {  	s2 =	sld [smem:$0x3FD0];
	(tm) =	ssettm $0x1  }
0x91: {  	s18 =	sld [smem:$0x3FFB];
	_ =	sdelay $0x3  }
0x92: {  	_ =	strace s18  }
0x93: {  	s3 =	sld [smem:$0x3FFC];
	_ =	sdelay $0x3  }
0x94: {  	_ =	strace s3  }
0x95: {  	s3 =	sld [smem:$0x3FFD];
	_ =	sdelay $0x3  }
0x96: {  	_ =	strace s3  }
0x97: {  	_ =	strace $0x8FFFFFFF  }
0x98: {  	s19 =	sld [smem:$0x3FDB];
	_ =	sdelay $0x1  }
0x99: {  	s4 =	simm.s32 $_scs_section_size  }
0x9a: {  	s5 =	simm.s32 $_size__tile_overlayer_lowered;
	s6 =	simm.s32 $_tile_overlayer_lowered  }
0x9b: {  	s22 =	simm.s32 $0x1BFF;
	s21 =	sshll.u32 s6, $0x1;
	s3 =	sadd.s32 s4, s19  }
0x9c: {  	s7 =	simm.s32 $0x0;
	s20 =	sshll.u32 s5, $0x1;
	s5 =	sadd.s32 s21, s3  }
0x9d: {  	[timem:s7], [sflag:s22] =	dma.local [hbm:s5], s20  }
0x9e: {  	_ =	swait.ge [sflag:s22], s20  }
0x9f: {  	s4 =	ssub.s32 $0x0, s20;
	[sflag:s22] =	ssyncset.done $0x0  }
0xa0: {  	[sflag:s22] =	ssyncadd.s32 s4;
	_ =	sdelay $0x1  }
0xa1: {  	s23 =	simm.s32 $0x1B8B  }
0xa2: {  	_ =	swait.ge [sflag:s23], $0x1  }
0xa3: {  	[sflag:s23] =	ssyncset.done $0x0  }
0xa4: {  	s25 =	simm.s32 $0x1B8E;
	s24 =	sld [smem:$0x3FFE];
	[sflag:s23] =	ssyncadd.s32 $0xFFFFFFFF  }
0xa5: {  	s26 =	simm.s32 $execute0_lowered;
	[smem:$0x3FD2] =	sst s25  }
0xa6: {  	s5 =	sshll.u32 s26, $0x1;
	_ =	strace $0x8000004F;
	[dreg:$0x1] =	wrdreg $0xFFFFFFFF  }
0xa7: {  	s28 =	simm.s32 $_size_execute0_lowered;
	s3 =	sadd.s32 s3, s5;
	[dreg:$0x0] =	wrdreg $0x0  }
0xa8: {  	s5 =	sshll.u32 s28, $0x1;
	[dreg:$0x2] =	wrdreg s3  }
0xa9: {  	[dreg:$0x3] =	wrdreg s5  }
0xaa: {  	[dreg:$0x4] =	wrdreg $0xC0  }
0xab: {  	_ =	task [dreg:s7], $0x5FFFF  }
0xac: {  	[dreg:$0x1] =	wrdreg $0xFFFFFFFF  }
0xad: {  	[dreg:$0x0] =	wrdreg $0x60  }
0xae: {  	[dreg:$0x2] =	wrdreg s24  }
0xaf: {  	[dreg:$0x3] =	wrdreg s2  }
0xb0: {  	[dreg:$0x4] =	wrdreg $0x9  }
0xb1: {  	_ =	task.clear_ibuf [dreg:s7], $0x5FFFF;
	_ =	strace $0x9000004F  }
0xb2: {  	s29 =	simm.s32 $0x9;
	_ =	strace $0x80000051  }
0xb3: {  	_ =	swait.ge [sflag:s29], $0x1  }
0xb4: {  	[sflag:s29] =	ssyncadd.s32 $0xFFFFFFFF  }
0xb5: {  	_ =	strace $0x90000051  }
0xb6: {  	_ =	sfence  }
0xb7: {  	s30 =	sld [smem:$0x0];
	_ =	sdelay $0x2  }
0xb8: {  	s31 =	sshll.u32 s1, $0xD;
	s1 =	sshrl.u32 s1, $0x2  }
0xb9: {  	s3 =	sand.u32 $0x4000, s31;
	s1 =	sadd.s32 s1, s30  }
0xba: {  	s0 =	sor.u32 s3, s0;
	s1 =	sshll.u32 s1, $0x11  }
0xbb: {  	s0 =	sor.u32 s1, s0  }
0xbc: {  	s0 =	sadd.s32 $0x8F2B, s0  }
0xbd: {  	[sflag:s0] =	ssyncadd.remote.s32 $0x1  }
0xbe: {  	_ =	sfence.sel $0xFFFF  }
0xbf: {  	[dreg:$0x0] =	wrdreg $0xFFFFFFFF;
	(pc) =	sbr.abs _section_cstart, $3  }
0xc0: {  	[dreg:$0x1] =	wrdreg $0xFFFFFFFF  }
0xc1: {  	_ =	task.clear_ibuf [dreg:s7], $0x2FFFF;
	_ =	strace $0x9FFFFFFF  }
0xc2: {  	(tm) =	ssettm $0x7FFFFFFF  }
0xc3: {  	_ =	shalt  }
tec
execute0_lowered:
.L_overlay_start_1:
0x0: {  	(tag) =	ssettag $0x1  }
0x1: {  	s1 =	srdreg.scid  }
0x2: {  	s6 =	rddreg [dreg:$0x0];
	s0 =	stileid.u32;
	s26 =	sand.u32 $0x1, s1  }
0x3: {  	s2 =	rddreg [dreg:$0x1];
	s4 =	sshll.u32 s0, $0xB;
	s5 =	sshll.u32 s26, $0xA  }
0x4: {  	s3 =	simm.s32 $0x0;
	s1 =	rddreg [dreg:$0x2];
	s28 =	sor.u32 s5, s4  }
0x5: {  	[smem:$0x7FF] =	sst s3;
	s24 =	sadd.s32 $0x1600, s6;
	s4 =	sshrl.u32 s28, $0x3  }
0x6: {  	_ =	strace $0x80000050;
	s5 =	simm.s32 $0x3;
	s4 =	sadd.s32 s24, s4  }
0x7: {  	[tilespmem:s3], [sflag:$0x3] =	stream.linear.gather [hbm4b:s4+s3], $0x80, $0x38;
	[tilespmem:$0x8100] =	vst v63  }
0x8: {  	_ =	swait.ge [sflag:s5], $0x80  }
0x9: {  	s25 =	sadd.s32 $0x2600, s6;
	s30 =	sshll.u32 s28, $0x4;
	[sflag:s5] =	ssyncset.done $0x0  }
0xa: {  	s7 =	simm.s32 $0x80;
	s6 =	sadd.s32 s25, s30;
	[sflag:s5] =	ssyncadd.s32 $0xFFFFFF80  }
0xb: {  	[tilespmem:s7], [sflag:$0x3] =	stream.linear.gather [hbm4b:s6+s3], $0x4000, $0x38;
	[tilespmem:$0x8100] =	vst v63  }
0xc: {  	_ =	swait.ge [sflag:s5], $0x4000  }
0xd: {  	s10 =	sor.u32 $0x80, s28;
	[sflag:s5] =	ssyncset.done $0x0  }
0xe: {  	s8 =	sshrl.u32 s10, $0x3;
	[sflag:s5] =	ssyncadd.s32 $0xFFFFC000  }
0xf: {  	[hbm4b:s2+s7] =	stream.indirect.scatter [tilespmem:s7], [sflag:$0x1], $0x80, s3, s7, $0xb8;
	[tilespmem:$0x8100] =	vst v63  }
0x10: {  	s9 =	simm.s32 $0x4080;
	s8 =	sadd.s32 s24, s8  }
0x11: {  	[tilespmem:s9], [sflag:$0x3] =	stream.linear.gather [hbm4b:s8+s3], $0x80, $0x38;
	[tilespmem:$0x8100] =	vst v63  }
0x12: {  	_ =	swait.ge [sflag:s5], $0x80  }
0x13: {  	s10 =	sshll.u32 s10, $0x4;
	[sflag:s5] =	ssyncset.done $0x0  }
0x14: {  	s11 =	simm.s32 $0x4100;
	s10 =	sadd.s32 s25, s10;
	[sflag:s5] =	ssyncadd.s32 $0xFFFFFF80  }
0x15: {  	[tilespmem:s11], [sflag:$0x3] =	stream.linear.gather [hbm4b:s10+s3], $0x4000, $0x38;
	[tilespmem:$0x8100] =	vst v63  }
0x16: {  	_ =	swait.ge [sflag:s5], $0x4000  }
0x17: {  	[sflag:s5] =	ssyncset.done $0x0  }
0x18: {  	s12 =	simm.s32 $0x1;
	[sflag:s5] =	ssyncadd.s32 $0xFFFFC000  }
0x19: {  	[hbm4b:s2+s7] =	stream.indirect.scatter [tilespmem:s11], [sflag:$0x2], $0x80, s9, s7, $0xb8;
	[tilespmem:$0x8100] =	vst v63  }
0x1a: {  	s14 =	sor.u32 $0x100, s28;
	_ =	swait.ge [sflag:s12], $0x4000  }
0x1b: {  	s13 =	sshrl.u32 s14, $0x3;
	[sflag:s12] =	ssyncset.done $0x0  }
0x1c: {  	s13 =	sadd.s32 s24, s13;
	[sflag:s12] =	ssyncadd.s32 $0xFFFFC000  }
0x1d: {  	[tilespmem:s3], [sflag:$0x3] =	stream.linear.gather [hbm4b:s13+s3], $0x80, $0x38;
	[tilespmem:$0x8100] =	vst v63  }
0x1e: {  	_ =	swait.ge [sflag:s5], $0x80  }
0x1f: {  	s14 =	sshll.u32 s14, $0x4;
	[sflag:s5] =	ssyncset.done $0x0  }
0x20: {  	s14 =	sadd.s32 s25, s14;
	[sflag:s5] =	ssyncadd.s32 $0xFFFFFF80  }
0x21: {  	[tilespmem:s7], [sflag:$0x3] =	stream.linear.gather [hbm4b:s14+s3], $0x4000, $0x38;
	[tilespmem:$0x8100] =	vst v63  }
0x22: {  	_ =	swait.ge [sflag:s5], $0x4000  }
0x23: {  	[sflag:s5] =	ssyncset.done $0x0  }
0x24: {  	s15 =	simm.s32 $0x2;
	[sflag:s5] =	ssyncadd.s32 $0xFFFFC000  }
0x25: {  	[hbm4b:s2+s7] =	stream.indirect.scatter [tilespmem:s7], [sflag:$0x1], $0x80, s3, s7, $0xb8;
	[tilespmem:$0x8100] =	vst v63  }
0x26: {  	s17 =	sor.u32 $0x180, s28;
	_ =	swait.ge [sflag:s15], $0x4000  }
0x27: {  	s16 =	sshrl.u32 s17, $0x3;
	[sflag:s15] =	ssyncset.done $0x0  }
0x28: {  	s16 =	sadd.s32 s24, s16;
	[sflag:s15] =	ssyncadd.s32 $0xFFFFC000  }
0x29: {  	[tilespmem:s9], [sflag:$0x3] =	stream.linear.gather [hbm4b:s16+s3], $0x80, $0x38;
	[tilespmem:$0x8100] =	vst v63  }
0x2a: {  	_ =	swait.ge [sflag:s5], $0x80  }
0x2b: {  	s17 =	sshll.u32 s17, $0x4;
	[sflag:s5] =	ssyncset.done $0x0  }
0x2c: {  	s17 =	sadd.s32 s25, s17;
	[sflag:s5] =	ssyncadd.s32 $0xFFFFFF80  }
0x2d: {  	[tilespmem:s11], [sflag:$0x3] =	stream.linear.gather [hbm4b:s17+s3], $0x4000, $0x38;
	[tilespmem:$0x8100] =	vst v63  }
0x2e: {  	_ =	swait.ge [sflag:s5], $0x4000  }
0x2f: {  	[sflag:s5] =	ssyncset.done $0x0  }
0x30: {  	[sflag:s5] =	ssyncadd.s32 $0xFFFFC000  }
0x31: {  	[hbm4b:s2+s7] =	stream.indirect.scatter [tilespmem:s11], [sflag:$0x2], $0x80, s9, s7, $0xb8;
	[tilespmem:$0x8100] =	vst v63  }
0x32: {  	s19 =	sor.u32 $0x200, s28;
	_ =	swait.ge [sflag:s12], $0x4000  }
0x33: {  	s18 =	sshrl.u32 s19, $0x3;
	[sflag:s12] =	ssyncset.done $0x0  }
0x34: {  	s18 =	sadd.s32 s24, s18;
	[sflag:s12] =	ssyncadd.s32 $0xFFFFC000  }
0x35: {  	[tilespmem:s3], [sflag:$0x3] =	stream.linear.gather [hbm4b:s18+s3], $0x80, $0x38;
	[tilespmem:$0x8100] =	vst v63  }
0x36: {  	_ =	swait.ge [sflag:s5], $0x80  }
0x37: {  	s19 =	sshll.u32 s19, $0x4;
	[sflag:s5] =	ssyncset.done $0x0  }
0x38: {  	s19 =	sadd.s32 s25, s19;
	[sflag:s5] =	ssyncadd.s32 $0xFFFFFF80  }
0x39: {  	[tilespmem:s7], [sflag:$0x3] =	stream.linear.gather [hbm4b:s19+s3], $0x4000, $0x38;
	[tilespmem:$0x8100] =	vst v63  }
0x3a: {  	_ =	swait.ge [sflag:s5], $0x4000  }
0x3b: {  	[sflag:s5] =	ssyncset.done $0x0  }
0x3c: {  	[sflag:s5] =	ssyncadd.s32 $0xFFFFC000  }
0x3d: {  	[hbm4b:s2+s7] =	stream.indirect.scatter [tilespmem:s7], [sflag:$0x1], $0x80, s3, s7, $0xb8;
	[tilespmem:$0x8100] =	vst v63  }
0x3e: {  	s21 =	sor.u32 $0x280, s28;
	_ =	swait.ge [sflag:s15], $0x4000  }
0x3f: {  	s20 =	sshrl.u32 s21, $0x3;
	[sflag:s15] =	ssyncset.done $0x0  }
0x40: {  	s20 =	sadd.s32 s24, s20;
	[sflag:s15] =	ssyncadd.s32 $0xFFFFC000  }
0x41: {  	[tilespmem:s9], [sflag:$0x3] =	stream.linear.gather [hbm4b:s20+s3], $0x80, $0x38;
	[tilespmem:$0x8100] =	vst v63  }
0x42: {  	_ =	swait.ge [sflag:s5], $0x80  }
0x43: {  	s21 =	sshll.u32 s21, $0x4;
	[sflag:s5] =	ssyncset.done $0x0  }
0x44: {  	s21 =	sadd.s32 s25, s21;
	[sflag:s5] =	ssyncadd.s32 $0xFFFFFF80  }
0x45: {  	[tilespmem:s11], [sflag:$0x3] =	stream.linear.gather [hbm4b:s21+s3], $0x4000, $0x38;
	[tilespmem:$0x8100] =	vst v63  }
0x46: {  	_ =	swait.ge [sflag:s5], $0x4000  }
0x47: {  	[sflag:s5] =	ssyncset.done $0x0  }
0x48: {  	[sflag:s5] =	ssyncadd.s32 $0xFFFFC000  }
0x49: {  	[hbm4b:s2+s7] =	stream.indirect.scatter [tilespmem:s11], [sflag:$0x2], $0x80, s9, s7, $0xb8;
	[tilespmem:$0x8100] =	vst v63  }
0x4a: {  	s23 =	sor.u32 $0x300, s28;
	_ =	swait.ge [sflag:s12], $0x4000  }
0x4b: {  	s22 =	sshrl.u32 s23, $0x3;
	[sflag:s12] =	ssyncset.done $0x0  }
0x4c: {  	s22 =	sadd.s32 s24, s22;
	[sflag:s12] =	ssyncadd.s32 $0xFFFFC000  }
0x4d: {  	[tilespmem:s3], [sflag:$0x3] =	stream.linear.gather [hbm4b:s22+s3], $0x80, $0x38;
	[tilespmem:$0x8100] =	vst v63  }
0x4e: {  	_ =	swait.ge [sflag:s5], $0x80  }
0x4f: {  	s23 =	sshll.u32 s23, $0x4;
	[sflag:s5] =	ssyncset.done $0x0  }
0x50: {  	s23 =	sadd.s32 s25, s23;
	[sflag:s5] =	ssyncadd.s32 $0xFFFFFF80  }
0x51: {  	[tilespmem:s7], [sflag:$0x3] =	stream.linear.gather [hbm4b:s23+s3], $0x4000, $0x38;
	[tilespmem:$0x8100] =	vst v63  }
0x52: {  	_ =	swait.ge [sflag:s5], $0x4000  }
0x53: {  	[sflag:s5] =	ssyncset.done $0x0  }
0x54: {  	[sflag:s5] =	ssyncadd.s32 $0xFFFFC000  }
0x55: {  	[hbm4b:s2+s7] =	stream.indirect.scatter [tilespmem:s7], [sflag:$0x1], $0x80, s3, s7, $0xb8;
	[tilespmem:$0x8100] =	vst v63  }
0x56: {  	s28 =	sor.u32 $0x380, s28;
	_ =	swait.ge [sflag:s15], $0x4000  }
0x57: {  	s29 =	sshrl.u32 s28, $0x3;
	[sflag:s15] =	ssyncset.done $0x0  }
0x58: {  	s24 =	sadd.s32 s24, s29;
	[sflag:s15] =	ssyncadd.s32 $0xFFFFC000  }
0x59: {  	[tilespmem:s9], [sflag:$0x3] =	stream.linear.gather [hbm4b:s24+s3], $0x80, $0x38;
	[tilespmem:$0x8100] =	vst v63  }
0x5a: {  	_ =	swait.ge [sflag:s5], $0x80  }
0x5b: {  	s26 =	ssub.s32 $0x2, s26;
	s28 =	sshll.u32 s28, $0x4;
	[sflag:s5] =	ssyncset.done $0x0  }
0x5c: {  	s31 =	sshrl.u32 s26, $0x1;
	s25 =	sadd.s32 s25, s28;
	[sflag:s5] =	ssyncadd.s32 $0xFFFFFF80  }
0x5d: {  	[tilespmem:s11], [sflag:$0x3] =	stream.linear.gather [hbm4b:s25+s3], $0x4000, $0x38;
	[tilespmem:$0x8100] =	vst v63  }
0x5e: {  	s26 =	ssub.s32 s26, s31;
	_ =	swait.ge [sflag:s5], $0x4000  }
0x5f: {  	s26 =	smax.u32 s26, $0x1;
	[sflag:s5] =	ssyncset.done $0x0  }
0x60: {  	p0 =	sne.s32 s26, $0x1;
	[sflag:s5] =	ssyncadd.s32 $0xFFFFC000  }
0x61: {  	[hbm4b:s2+s7] =	stream.indirect.scatter [tilespmem:s11], [sflag:$0x2], $0x80, s9, s7, $0xb8;
	[tilespmem:$0x8100] =	vst v63  }
.Ltmp0:
0x62: {  	_ =	swait.ge [sflag:s12], $0x4000;
	(pc) =	sbr.rel @!p0 .LBB2_2-.Ltmp0, $4  }
0x63: {  	[sflag:s12] =	ssyncset.done $0x0  }
0x64: {  	[sflag:s12] =	ssyncadd.s32 $0xFFFFC000  }
0x65: {  	_ =	swait.ge [sflag:s15], $0x4000  }
0x66: {  	s26 =	sadd.s32 $0xFFFFFFFF, s26;
	[sflag:s15] =	ssyncset.done $0x0  }
.LBB2_1:
0x67: {  	p0 =	sne.s32 s26, $0x1;
	s26 =	sadd.s32 $0xFFFFFFFF, s26;
	[sflag:s15] =	ssyncadd.s32 $0xFFFFC000  }
0x68: {  	[tilespmem:s3], [sflag:$0x3] =	stream.linear.gather [hbm4b:s4+s3], $0x80, $0x38;
	[tilespmem:$0x8100] =	vst v63  }
0x69: {  	_ =	swait.ge [sflag:s5], $0x80  }
0x6a: {  	[sflag:s5] =	ssyncset.done $0x0  }
0x6b: {  	[sflag:s5] =	ssyncadd.s32 $0xFFFFFF80  }
0x6c: {  	[tilespmem:s7], [sflag:$0x3] =	stream.linear.gather [hbm4b:s6+s3], $0x4000, $0x38;
	[tilespmem:$0x8100] =	vst v63  }
0x6d: {  	_ =	swait.ge [sflag:s5], $0x4000  }
0x6e: {  	[sflag:s5] =	ssyncset.done $0x0  }
0x6f: {  	[sflag:s5] =	ssyncadd.s32 $0xFFFFC000  }
0x70: {  	[hbm4b:s2+s7] =	stream.indirect.scatter [tilespmem:s7], [sflag:$0x1], $0x80, s3, s7, $0xb8;
	[tilespmem:$0x8100] =	vst v63  }
0x71: {  	_ = 	snop  }
0x72: {  	[tilespmem:s9], [sflag:$0x3] =	stream.linear.gather [hbm4b:s8+s3], $0x80, $0x38;
	[tilespmem:$0x8100] =	vst v63  }
0x73: {  	_ =	swait.ge [sflag:s5], $0x80  }
0x74: {  	[sflag:s5] =	ssyncset.done $0x0  }
0x75: {  	[sflag:s5] =	ssyncadd.s32 $0xFFFFFF80  }
0x76: {  	[tilespmem:s11], [sflag:$0x3] =	stream.linear.gather [hbm4b:s10+s3], $0x4000, $0x38;
	[tilespmem:$0x8100] =	vst v63  }
0x77: {  	_ =	swait.ge [sflag:s5], $0x4000  }
0x78: {  	[sflag:s5] =	ssyncset.done $0x0  }
0x79: {  	[sflag:s5] =	ssyncadd.s32 $0xFFFFC000  }
0x7a: {  	[hbm4b:s2+s7] =	stream.indirect.scatter [tilespmem:s11], [sflag:$0x2], $0x80, s9, s7, $0xb8;
	[tilespmem:$0x8100] =	vst v63  }
0x7b: {  	_ =	swait.ge [sflag:s12], $0x4000  }
0x7c: {  	[sflag:s12] =	ssyncset.done $0x0  }
0x7d: {  	[sflag:s12] =	ssyncadd.s32 $0xFFFFC000  }
0x7e: {  	[tilespmem:s3], [sflag:$0x3] =	stream.linear.gather [hbm4b:s13+s3], $0x80, $0x38;
	[tilespmem:$0x8100] =	vst v63  }
0x7f: {  	_ =	swait.ge [sflag:s5], $0x80  }
0x80: {  	[sflag:s5] =	ssyncset.done $0x0  }
0x81: {  	[sflag:s5] =	ssyncadd.s32 $0xFFFFFF80  }
0x82: {  	[tilespmem:s7], [sflag:$0x3] =	stream.linear.gather [hbm4b:s14+s3], $0x4000, $0x38;
	[tilespmem:$0x8100] =	vst v63  }
0x83: {  	_ =	swait.ge [sflag:s5], $0x4000  }
0x84: {  	[sflag:s5] =	ssyncset.done $0x0  }
0x85: {  	[sflag:s5] =	ssyncadd.s32 $0xFFFFC000  }
0x86: {  	[hbm4b:s2+s7] =	stream.indirect.scatter [tilespmem:s7], [sflag:$0x1], $0x80, s3, s7, $0xb8;
	[tilespmem:$0x8100] =	vst v63  }
0x87: {  	_ =	swait.ge [sflag:s15], $0x4000  }
0x88: {  	[sflag:s15] =	ssyncset.done $0x0  }
0x89: {  	[sflag:s15] =	ssyncadd.s32 $0xFFFFC000  }
0x8a: {  	[tilespmem:s9], [sflag:$0x3] =	stream.linear.gather [hbm4b:s16+s3], $0x80, $0x38;
	[tilespmem:$0x8100] =	vst v63  }
0x8b: {  	_ =	swait.ge [sflag:s5], $0x80  }
0x8c: {  	[sflag:s5] =	ssyncset.done $0x0  }
0x8d: {  	[sflag:s5] =	ssyncadd.s32 $0xFFFFFF80  }
0x8e: {  	[tilespmem:s11], [sflag:$0x3] =	stream.linear.gather [hbm4b:s17+s3], $0x4000, $0x38;
	[tilespmem:$0x8100] =	vst v63  }
0x8f: {  	_ =	swait.ge [sflag:s5], $0x4000  }
0x90: {  	[sflag:s5] =	ssyncset.done $0x0  }
0x91: {  	[sflag:s5] =	ssyncadd.s32 $0xFFFFC000  }
0x92: {  	[hbm4b:s2+s7] =	stream.indirect.scatter [tilespmem:s11], [sflag:$0x2], $0x80, s9, s7, $0xb8;
	[tilespmem:$0x8100] =	vst v63  }
0x93: {  	_ =	swait.ge [sflag:s12], $0x4000  }
0x94: {  	[sflag:s12] =	ssyncset.done $0x0  }
0x95: {  	[sflag:s12] =	ssyncadd.s32 $0xFFFFC000  }
0x96: {  	[tilespmem:s3], [sflag:$0x3] =	stream.linear.gather [hbm4b:s18+s3], $0x80, $0x38;
	[tilespmem:$0x8100] =	vst v63  }
0x97: {  	_ =	swait.ge [sflag:s5], $0x80  }
0x98: {  	[sflag:s5] =	ssyncset.done $0x0  }
0x99: {  	[sflag:s5] =	ssyncadd.s32 $0xFFFFFF80  }
0x9a: {  	[tilespmem:s7], [sflag:$0x3] =	stream.linear.gather [hbm4b:s19+s3], $0x4000, $0x38;
	[tilespmem:$0x8100] =	vst v63  }
0x9b: {  	_ =	swait.ge [sflag:s5], $0x4000  }
0x9c: {  	[sflag:s5] =	ssyncset.done $0x0  }
0x9d: {  	[sflag:s5] =	ssyncadd.s32 $0xFFFFC000  }
0x9e: {  	[hbm4b:s2+s7] =	stream.indirect.scatter [tilespmem:s7], [sflag:$0x1], $0x80, s3, s7, $0xb8;
	[tilespmem:$0x8100] =	vst v63  }
0x9f: {  	_ =	swait.ge [sflag:s15], $0x4000  }
0xa0: {  	[sflag:s15] =	ssyncset.done $0x0  }
0xa1: {  	[sflag:s15] =	ssyncadd.s32 $0xFFFFC000  }
0xa2: {  	[tilespmem:s9], [sflag:$0x3] =	stream.linear.gather [hbm4b:s20+s3], $0x80, $0x38;
	[tilespmem:$0x8100] =	vst v63  }
0xa3: {  	_ =	swait.ge [sflag:s5], $0x80  }
0xa4: {  	[sflag:s5] =	ssyncset.done $0x0  }
0xa5: {  	[sflag:s5] =	ssyncadd.s32 $0xFFFFFF80  }
0xa6: {  	[tilespmem:s11], [sflag:$0x3] =	stream.linear.gather [hbm4b:s21+s3], $0x4000, $0x38;
	[tilespmem:$0x8100] =	vst v63  }
0xa7: {  	_ =	swait.ge [sflag:s5], $0x4000  }
0xa8: {  	[sflag:s5] =	ssyncset.done $0x0  }
0xa9: {  	[sflag:s5] =	ssyncadd.s32 $0xFFFFC000  }
0xaa: {  	[hbm4b:s2+s7] =	stream.indirect.scatter [tilespmem:s11], [sflag:$0x2], $0x80, s9, s7, $0xb8;
	[tilespmem:$0x8100] =	vst v63  }
0xab: {  	_ =	swait.ge [sflag:s12], $0x4000  }
0xac: {  	[sflag:s12] =	ssyncset.done $0x0  }
0xad: {  	[sflag:s12] =	ssyncadd.s32 $0xFFFFC000  }
0xae: {  	[tilespmem:s3], [sflag:$0x3] =	stream.linear.gather [hbm4b:s22+s3], $0x80, $0x38;
	[tilespmem:$0x8100] =	vst v63  }
0xaf: {  	_ =	swait.ge [sflag:s5], $0x80  }
0xb0: {  	[sflag:s5] =	ssyncset.done $0x0  }
0xb1: {  	[sflag:s5] =	ssyncadd.s32 $0xFFFFFF80  }
0xb2: {  	[tilespmem:s7], [sflag:$0x3] =	stream.linear.gather [hbm4b:s23+s3], $0x4000, $0x38;
	[tilespmem:$0x8100] =	vst v63  }
0xb3: {  	_ =	swait.ge [sflag:s5], $0x4000  }
0xb4: {  	[sflag:s5] =	ssyncset.done $0x0  }
0xb5: {  	[sflag:s5] =	ssyncadd.s32 $0xFFFFC000  }
0xb6: {  	[hbm4b:s2+s7] =	stream.indirect.scatter [tilespmem:s7], [sflag:$0x1], $0x80, s3, s7, $0xb8;
	[tilespmem:$0x8100] =	vst v63  }
0xb7: {  	_ =	swait.ge [sflag:s15], $0x4000  }
0xb8: {  	[sflag:s15] =	ssyncset.done $0x0  }
0xb9: {  	[sflag:s15] =	ssyncadd.s32 $0xFFFFC000  }
0xba: {  	[tilespmem:s9], [sflag:$0x3] =	stream.linear.gather [hbm4b:s24+s3], $0x80, $0x38;
	[tilespmem:$0x8100] =	vst v63  }
0xbb: {  	_ =	swait.ge [sflag:s5], $0x80  }
0xbc: {  	[sflag:s5] =	ssyncset.done $0x0  }
0xbd: {  	[sflag:s5] =	ssyncadd.s32 $0xFFFFFF80  }
0xbe: {  	[tilespmem:s11], [sflag:$0x3] =	stream.linear.gather [hbm4b:s25+s3], $0x4000, $0x38;
	[tilespmem:$0x8100] =	vst v63  }
0xbf: {  	_ =	swait.ge [sflag:s5], $0x4000  }
0xc0: {  	[sflag:s5] =	ssyncset.done $0x0  }
0xc1: {  	[sflag:s5] =	ssyncadd.s32 $0xFFFFC000  }
0xc2: {  	[hbm4b:s2+s7] =	stream.indirect.scatter [tilespmem:s11], [sflag:$0x2], $0x80, s9, s7, $0xb8;
	[tilespmem:$0x8100] =	vst v63  }
.Ltmp1:
0xc3: {  	_ =	swait.ge [sflag:s12], $0x4000;
	(pc) =	sbr.rel @p0 .LBB2_1-.Ltmp1, $4  }
0xc4: {  	[sflag:s12] =	ssyncset.done $0x0  }
0xc5: {  	[sflag:s12] =	ssyncadd.s32 $0xFFFFC000  }
0xc6: {  	_ =	swait.ge [sflag:s15], $0x4000  }
0xc7: {  	[sflag:s15] =	ssyncset.done $0x0  }
.LBB2_2:
0xc8: {  	[sflag:s15] =	ssyncadd.s32 $0xFFFFC000  }
0xc9: {  	_ =	sfence.sel $0x180000  }
0xca: {  	[bflag:$0x0] =	sbarrier.arrive $0xFFFF  }
0xcb: {  	p0 =	sne.s32 s0, $0x0;
	_ =	strace $0x90000050  }
0xcc: {  	s0 =	sadd.s32 @!p0 $0x100000, s1;
	[bflag:$0x2] =	sbarrier.arrive $0xFFFF  }
0xcd: {  	[sflag:s0] =	ssyncadd.tile.s32 @!p0 $0x1;
	_ =	shalt  }
.Lfunc_end2:
_tile_overlayer_lowered:
.L_overlay_start_2:
0xce: {  	(tag) =	ssettag $0x2  }
0xcf: {  	s0 =	rddreg [dreg:$0x0];
	s2 =	stileid.u32  }
0xd0: {  	s1 =	rddreg [dreg:$0x1];
	p0 =	sne.s32 s2, $0x0  }
0xd1: {  	s3 =	rddreg [dreg:$0x2];
	[bflag:$0x3] =	sbarrier.arrive $0xFFFF;
	s2 =	simm.s32 @!p0 $0x1C03  }
0xd2: {  	[timem:s3], [sflag:s2] =	dma.local @!p0 [hbm:s0], s1  }
0xd3: {  	s0 =	simm.s32 @!p0 $0x3  }
0xd4: {  	_ =	swait.ge @!p0 [sflag:s0], s1  }
0xd5: {  	s1 =	ssub.s32 @!p0 $0x0, s1;
	[sflag:s0] =	ssyncset.done @!p0 $0x0  }
0xd6: {  	[sflag:s0] =	ssyncadd.s32 @!p0 s1  }
0xd7: {  	[bflag:$0x3] =	sbarrier.arrive $0xFFFF  }
0xd8: {  	_ =	shalt  }

</sc_bundles>
